<compile_context>
chip_gen: v7x
topology: tpu7x:2x2x1
jax: 0.10.2.dev20260603
libtpu: 0.0.44.dev20260713+nightly
codegen_flags: <defaults>
</compile_context>

<pallas_src>
import functools

import jax
import jax.numpy as jnp
from jax import lax
from jax.experimental import pallas as pl
from jax.experimental.pallas import tpu as pltpu
from jax.experimental.pallas import tpu_sc as plsc

N = 10000
E = 320000
B = 64
DX = 128
DE = 16
DU = 64
DH = 256
DO = 128

NC = 2
NS = 16
NW = NC * NS
EPW = E // NW
CH = 128
NCHT = E // CH
CPW = NCHT // NW
NTAIL = NCHT - CPW * NW
GK = 6
NGROUP = CPW // GK
GR = GK * CH
TG = GR // 16
ROWS_PT = 624
TAIL = N - ROWS_PT * NS
NPAD = 48
NP = (N + NPAD) * DE // 128


def _sc_scatter(ea4, ei3):
    mesh = plsc.VectorSubcoreMesh(core_axis_name="c", subcore_axis_name="s")

    @functools.partial(
        pl.kernel,
        mesh=mesh,
        out_type=[
            jax.ShapeDtypeStruct((NC, N + NPAD, DE), jnp.float32),
            jax.ShapeDtypeStruct((NC, N + NPAD, DE), jnp.float32),
        ],
        scratch_types=[
            pltpu.VMEM((CPW + 1, CH), jnp.int32),
            pltpu.VMEM((2, GK, 8, CH), jnp.float32),
            pltpu.VMEM((2, GK, 8, CH), jnp.float32),
            pltpu.VMEM((GR, DE), jnp.float32),
            pltpu.VMEM((GR, DE), jnp.float32),
            pltpu.VMEM((CH, DE), jnp.float32),
            pltpu.VMEM((ROWS_PT, DE), jnp.float32),
            pltpu.VMEM_SHARED((N, DE), jnp.float32),
            pltpu.VMEM_SHARED((N, DE), jnp.float32),
            pltpu.SemaphoreType.DMA,
            pltpu.SemaphoreType.DMA,
            pltpu.SemaphoreType.DMA,
            pltpu.SemaphoreType.DMA,
        ],
        compiler_params=pltpu.CompilerParams(
            use_tc_tiling_on_sc=False, needs_layout_passes=False),
    )
    def k(ea_hbm, ei_hbm, osum_hbm, ocnt_hbm,
          idx_v, sbuf0, sbuf1, tbuf0, tbuf1, ones_v, stage_v,
          acc_s, cnt_s, sem_in0, sem_in1, sem_sc0, sem_sc1):
        c = lax.axis_index("c")
        s = lax.axis_index("s")
        wid = c * NS + s
        zeros16 = jnp.zeros((16,), jnp.float32)

        def zrow(i, carry):
            stage_v[i, :] = zeros16
            return carry
        lax.fori_loop(0, ROWS_PT, zrow, 0)
        rbase = s * ROWS_PT
        pltpu.sync_copy(stage_v, acc_s.at[pl.ds(rbase, ROWS_PT)])
        pltpu.sync_copy(stage_v, cnt_s.at[pl.ds(rbase, ROWS_PT)])

        @pl.when(s == 0)
        def _():
            tb = NS * ROWS_PT
            pltpu.sync_copy(stage_v.at[pl.ds(0, TAIL)],
                            acc_s.at[pl.ds(tb, TAIL)])
            pltpu.sync_copy(stage_v.at[pl.ds(0, TAIL)],
                            cnt_s.at[pl.ds(tb, TAIL)])
            pltpu.sync_copy(stage_v.at[pl.ds(0, NPAD)],
                            osum_hbm.at[c].at[pl.ds(N, NPAD)])
            pltpu.sync_copy(stage_v.at[pl.ds(0, NPAD)],
                            ocnt_hbm.at[c].at[pl.ds(N, NPAD)])

        def orow(i, carry):
            ones_v[i, :] = jnp.ones((DE,), jnp.float32)
            return carry
        lax.fori_loop(0, CH, orow, 0)

        c0 = wid * CPW
        pltpu.sync_copy(ei_hbm.at[pl.ds(c0, CPW), 1],
                        idx_v.at[pl.ds(0, CPW)])

        @pl.when(wid < NTAIL)
        def _():
            pltpu.sync_copy(ei_hbm.at[NW * CPW + wid, 1], idx_v.at[CPW])
        plsc.subcore_barrier()

        lane = lax.iota(jnp.int32, 16)
        pltpu.async_copy(ea_hbm.at[:, pl.ds(c0, GK)], sbuf0, sem_in0)

        def drain_group(tbuf, sem):
            for _ in range(GK):
                pltpu.make_async_copy(
                    tbuf.at[pl.ds(0, CH)], acc_s.at[idx_v.at[0]], sem).wait()
                pltpu.make_async_copy(
                    ones_v, cnt_s.at[idx_v.at[0]], sem).wait()

        def transpose_block(sbuf, tbuf, nstep):
            def tstep(t, carry):
                kk = t // 8
                tt = lax.rem(t, 8)
                rowi = t * 16 + lane
                for tr in range(2):
                    for sl in range(8):
                        v = sbuf[tr, kk, sl, pl.ds(tt * 16, 16)]
                        plsc.store_scatter(
                            tbuf,
                            [rowi, jnp.full((16,), tr * 8 + sl, jnp.int32)],
                            v)
                return carry
            lax.fori_loop(0, nstep, tstep, 0)

        def do_group(g, sbuf, tbuf, sem_in, sem_sc):
            pltpu.make_async_copy(
                ea_hbm.at[:, pl.ds(c0 + g * GK, GK)], sbuf, sem_in).wait()

            @pl.when(g >= 2)
            def _():
                drain_group(tbuf, sem_sc)

            transpose_block(sbuf, tbuf, TG)

            for kk in range(GK):
                j = g * GK + kk
                pltpu.async_copy(tbuf.at[pl.ds(kk * CH, CH)],
                                 acc_s.at[idx_v.at[j]], sem_sc, add=True)
                pltpu.async_copy(ones_v, cnt_s.at[idx_v.at[j]],
                                 sem_sc, add=True)

        def group(g, carry):
            @pl.when(g + 1 < NGROUP)
            def _():
                @pl.when(lax.rem(g + 1, 2) == 0)
                def _():
                    pltpu.async_copy(
                        ea_hbm.at[:, pl.ds(c0 + (g + 1) * GK, GK)],
                        sbuf0, sem_in0)

                @pl.when(lax.rem(g + 1, 2) == 1)
                def _():
                    pltpu.async_copy(
                        ea_hbm.at[:, pl.ds(c0 + (g + 1) * GK, GK)],
                        sbuf1, sem_in1)

            @pl.when(lax.rem(g, 2) == 0)
            def _():
                do_group(g, sbuf0, tbuf0, sem_in0, sem_sc0)

            @pl.when(lax.rem(g, 2) == 1)
            def _():
                do_group(g, sbuf1, tbuf1, sem_in1, sem_sc1)
            return carry
        lax.fori_loop(0, NGROUP, group, 0)

        drain_group(tbuf0, sem_sc0)
        drain_group(tbuf1, sem_sc1)

        @pl.when(wid < NTAIL)
        def _():
            pltpu.sync_copy(ea_hbm.at[:, pl.ds(NW * CPW + wid, 1)],
                            sbuf0.at[:, pl.ds(0, 1)])
            transpose_block(sbuf0, tbuf0, CH // 16)
            pltpu.sync_copy(tbuf0.at[pl.ds(0, CH)],
                            acc_s.at[idx_v.at[CPW]], add=True)
            pltpu.sync_copy(ones_v, cnt_s.at[idx_v.at[CPW]], add=True)

        plsc.subcore_barrier()

        pltpu.sync_copy(acc_s.at[pl.ds(rbase, ROWS_PT)], stage_v)
        pltpu.sync_copy(stage_v, osum_hbm.at[c].at[pl.ds(rbase, ROWS_PT)])
        pltpu.sync_copy(cnt_s.at[pl.ds(rbase, ROWS_PT)], stage_v)
        pltpu.sync_copy(stage_v, ocnt_hbm.at[c].at[pl.ds(rbase, ROWS_PT)])

        @pl.when(s == 0)
        def _():
            tb = NS * ROWS_PT
            pltpu.sync_copy(acc_s.at[pl.ds(tb, TAIL)],
                            stage_v.at[pl.ds(0, TAIL)])
            pltpu.sync_copy(stage_v.at[pl.ds(0, TAIL)],
                            osum_hbm.at[c].at[pl.ds(tb, TAIL)])
            pltpu.sync_copy(cnt_s.at[pl.ds(tb, TAIL)],
                            stage_v.at[pl.ds(0, TAIL)])
            pltpu.sync_copy(stage_v.at[pl.ds(0, TAIL)],
                            ocnt_hbm.at[c].at[pl.ds(tb, TAIL)])

    return k(ea4, ei3)


def _elu(v):
    return jnp.where(v > 0, v, jnp.exp(jnp.minimum(v, 0.0)) - 1.0)


def _tc_node(batch_ref, x_ref, nsum_ref, cnt_ref):
    f32 = jnp.float32
    bcol = batch_ref[...]
    ids = lax.broadcasted_iota(jnp.int32, (N, B), 1)
    mask = (bcol == ids).astype(f32)
    dn = (((0,), (0,)), ((), ()))
    cnt_ref[...] = lax.dot_general(
        mask, jnp.full((N, 1), 1.0, f32), dn, preferred_element_type=f32)
    nsum_ref[...] = lax.dot_general(
        mask, x_ref[...], dn, preferred_element_type=f32)


def _tc_final(batch8_ref, esum_ref, ecnt_ref, nsum_ref, cnt_ref, u_ref,
              wi_ref, bi_ref, w0_ref, b0_ref, w1_ref, b1_ref,
              wo_ref, bnw_ref, bnb_ref, out_ref):
    f32 = jnp.float32
    dn = (((0,), (0,)), ((), ()))
    cmax = jnp.maximum(cnt_ref[...], 1.0)
    node_mean = nsum_ref[...] / cmax

    es = esum_ref[0] + esum_ref[1]
    c8 = ecnt_ref[0] + ecnt_ref[1]

    ids = lax.broadcasted_iota(jnp.int32, (NP, B), 1)
    egs = jnp.zeros((B, DE), f32)
    for j in range(8):
        w_j = (batch8_ref[:, j:j + 1] == ids).astype(f32) / jnp.maximum(
            c8[:, DE * j:DE * j + 1], 1.0)
        egs = egs + lax.dot_general(w_j, es[:, DE * j:DE * (j + 1)],
                                    dn, preferred_element_type=f32)
    edge_mean = egs / cmax

    wi = wi_ref[...]
    h = (jnp.dot(u_ref[...], wi[0:DU, :], preferred_element_type=f32)
         + jnp.dot(node_mean, wi[DU:DU + DX, :], preferred_element_type=f32)
         + jnp.dot(edge_mean, wi[DU + DX:, :], preferred_element_type=f32)
         + bi_ref[...])
    h = _elu(h)
    skip = h
    h = _elu(jnp.dot(h, w0_ref[...], preferred_element_type=f32) + b0_ref[...])
    h = _elu(jnp.dot(h, w1_ref[...], preferred_element_type=f32) + b1_ref[...])
    h = h + skip
    y = jnp.dot(h, wo_ref[...], preferred_element_type=f32)
    y = y * (bnw_ref[...] * (1.0 / jnp.sqrt(1.0 + 1e-5))) + bnb_ref[...]
    out_ref[...] = _elu(y)


def kernel(x, edge_index, edge_attr, u, batch, W_in, b_in, W_h0, b_h0,
           W_h1, b_h1, W_out, bn_w, bn_b):
    ea4 = edge_attr.T.reshape(2, 8, NCHT, CH).transpose(0, 2, 1, 3)
    ei3 = edge_index.reshape(2, NCHT, CH).transpose(1, 0, 2)
    esum, ecnt = _sc_scatter(ea4, ei3)
    esum_p = esum.reshape(NC, NP, 128)
    ecnt_p = ecnt.reshape(NC, NP, 128)
    batch8 = jnp.pad(batch, (0, NPAD), constant_values=-1).reshape(NP, 8)

    nsum, cnt = pl.pallas_call(
        _tc_node,
        out_shape=[jax.ShapeDtypeStruct((B, DX), jnp.float32),
                   jax.ShapeDtypeStruct((B, 1), jnp.float32)],
    )(batch.reshape(N, 1), x)

    out = pl.pallas_call(
        _tc_final,
        out_shape=jax.ShapeDtypeStruct((B, DO), jnp.float32),
    )(batch8, esum_p, ecnt_p, nsum, cnt, u,
      W_in, b_in.reshape(1, DH), W_h0, b_h0.reshape(1, DH),
      W_h1, b_h1.reshape(1, DH), W_out, bn_w.reshape(1, DO),
      bn_b.reshape(1, DO))
    return out

# --- scband reference (transcript-rebuilt; emitter-appended) ---
"""Pipeline reference for scband-global-layer-3856880631825 (READ-ONLY COPY).

The authoritative reference and input builder live on the scoring server;
editing this copy changes nothing except your own understanding.
"""

import jax, jax.numpy as jnp
import numpy as np

N = 10000
E = 320000
B = 64
DX = 128
DE = 16
DU = 64
DH = 256
DO = 128


def _xavier(key, shape):
    fan_in, fan_out = shape[0], shape[1]
    std = (2.0 / (fan_in + fan_out)) ** 0.5
    return jax.random.normal(key, shape, dtype=jnp.float32) * std


def setup_inputs(seed: int = 0) -> dict:
    key = jax.random.key(seed)
    ks = jax.random.split(key, 12)
    x = jax.random.normal(ks[0], (N, DX), dtype=jnp.float32)
    edge_index = jax.random.randint(ks[1], (2, E), 0, N, dtype=jnp.int32)
    edge_attr = jax.random.normal(ks[2], (E, DE), dtype=jnp.float32)
    u = jax.random.normal(ks[3], (B, DU), dtype=jnp.float32)
    batch = jnp.sort(jax.random.randint(ks[4], (N,), 0, B, dtype=jnp.int32))
    W_in = _xavier(ks[5], (DX + DE + DU, DH))
    b_in = jnp.zeros((DH,), dtype=jnp.float32)
    W_h0 = _xavier(ks[6], (DH, DH))
    b_h0 = jnp.zeros((DH,), dtype=jnp.float32)
    W_h1 = _xavier(ks[7], (DH, DH))
    b_h1 = jnp.zeros((DH,), dtype=jnp.float32)
    W_out = _xavier(ks[8], (DH, DO))
    bn_w = jnp.ones((DO,), dtype=jnp.float32)
    bn_b = jnp.zeros((DO,), dtype=jnp.float32)
    return {"x": x, "edge_index": edge_index, "edge_attr": edge_attr, "u": u, "batch": batch,
            "W_in": W_in, "b_in": b_in, "W_h0": W_h0, "b_h0": b_h0, "W_h1": W_h1, "b_h1": b_h1,
            "W_out": W_out, "bn_w": bn_w, "bn_b": bn_b}


def _segment_mean(data, ids, num_segments):
    s = jax.ops.segment_sum(data, ids, num_segments=num_segments)
    c = jax.ops.segment_sum(jnp.ones((data.shape[0], 1), dtype=data.dtype), ids, num_segments=num_segments)
    return s / jnp.maximum(c, 1.0)


def reference(x, edge_index, edge_attr, u, batch, W_in, b_in, W_h0, b_h0, W_h1, b_h1, W_out, bn_w, bn_b):
    # rho^{v->u}: per-graph mean of node features
    node_mean = _segment_mean(x, batch, B)  # [B, DX]
    # rho^{e->u}: per-dst-node mean of edge features, then per-graph mean
    edge_mean_nodes = _segment_mean(edge_attr, edge_index[1], N)  # [N, DE]
    edge_mean = _segment_mean(edge_mean_nodes, batch, B)  # [B, DE]
    out = jnp.concatenate([u, node_mean, edge_mean], axis=1)  # [B, DU+DX+DE]
    out = jax.nn.elu(out @ W_in + b_in)
    # dropout is identity in eval mode
    out_skip = out
    out = jax.nn.elu(out @ W_h0 + b_h0)
    out = jax.nn.elu(out @ W_h1 + b_h1)
    out = out + out_skip  # num_hid_layers > 1 -> skip connection
    # BatchNorm1d in eval mode: running_mean=0, running_var=1 at init
    y = out @ W_out  # lin_out has no bias when normalize=True
    eps = 1e-5
    y = (y - 0.0) / jnp.sqrt(1.0 + eps) * bn_w + bn_b
    out = jax.nn.elu(y)
    return out

if __name__ == "__main__":
    import jax
    _d = setup_inputs()
    print(jax.jit(kernel)(*tuple(_d.values())))

</pallas_src>

<mosaic_0001>
#map = affine_map<(d0, d1) -> (0, 0, 0, 0)>
#map1 = affine_map<(d0, d1) -> (0, 0, 0)>
module attributes {stable_mosaic.version = 14 : i64} {
  func.func @k(%arg0: i32, %arg1: i32, %arg2: memref<2x2500x8x128xf32, #tpu.memory_space<hbm>>, %arg3: memref<2500x2x128xi32, #tpu.memory_space<hbm>>, %arg4: memref<2x10048x16xf32, #tpu.memory_space<hbm>>, %arg5: memref<2x10048x16xf32, #tpu.memory_space<hbm>>, %arg6: memref<79x128xi32, #tpu.memory_space<vmem>>, %arg7: memref<2x6x8x128xf32, #tpu.memory_space<vmem>>, %arg8: memref<2x6x8x128xf32, #tpu.memory_space<vmem>>, %arg9: memref<768x16xf32, #tpu.memory_space<vmem>>, %arg10: memref<768x16xf32, #tpu.memory_space<vmem>>, %arg11: memref<128x16xf32, #tpu.memory_space<vmem>>, %arg12: memref<624x16xf32, #tpu.memory_space<vmem>>, %arg13: memref<10000x16xf32, #tpu.memory_space<vmem_shared>>, %arg14: memref<10000x16xf32, #tpu.memory_space<vmem_shared>>, %arg15: memref<!tpu.dma_semaphore, #tpu.memory_space<semaphore_mem>>, %arg16: memref<!tpu.dma_semaphore, #tpu.memory_space<semaphore_mem>>, %arg17: memref<!tpu.dma_semaphore, #tpu.memory_space<semaphore_mem>>, %arg18: memref<!tpu.dma_semaphore, #tpu.memory_space<semaphore_mem>>) attributes {dimension_semantics = [#tpu.dimension_semantics<core_parallel>, #tpu.dimension_semantics<subcore_parallel>], iteration_bounds = array<i64: 2, 16>, scalar_prefetch = 0 : i64, scratch_operands = 13 : i64, tpu.core_type = #tpu.core_type<sc_vector_subcore>, window_params = [{transform_indices = #map}, {transform_indices = #map1}, {transform_indices = #map1}, {transform_indices = #map1}]} {
    %mul3A = arith.constant 16 : i32
    %mul3A_0 = arith.muli %arg0, %mul3A : i32
    %add3A = arith.addi %mul3A_0, %arg1 : i32
    %broadcast_in_dim3A = arith.constant 0.000000e+00 : f32
    %broadcast_in_dim3A_1 = vector.broadcast %broadcast_in_dim3A : f32 to vector<16xf32>
    %scan3A = arith.constant 0 : i32
    %scan3A_2 = arith.constant 0 : i32
    %scan3A_3 = arith.constant 624 : i32
    %scan3A_4 = arith.addi %scan3A_2, %scan3A_3 : i32
    %scan3A_5 = arith.constant 1 : i32
    scf.for %scan3A_250 = %scan3A_2 to %scan3A_4 step %scan3A_5  : i32 {
      %swap3A = arith.index_cast %scan3A_250 : i32 to index
      %swap3A_251 = arith.constant 0 : index
      %swap3A_252 = tpu.vector_load %arg12[%swap3A, %swap3A_251] {strides = array<i32>} : memref<624x16xf32, #tpu.memory_space<vmem>>, vector<16xf32>,
      tpu.vector_store %arg12[%swap3A, %swap3A_251], %broadcast_in_dim3A_1 {strides = array<i32>} : memref<624x16xf32, #tpu.memory_space<vmem>>, vector<16xf32>,
    }
    %scan3A_6 = arith.constant 624 : i32
    %mul3A_7 = arith.constant 624 : i32
    %mul3A_8 = arith.muli %arg1, %mul3A_7 : i32
    "tpu.region"() ({
      %run_scoped3A_250 = tpu.sem_alloc : memref<!tpu.dma_semaphore, #tpu.memory_space<semaphore_mem>>
      %dma_start3A_251 = arith.constant 0 : i32
      %dma_start3A_252 = tpu.memref_slice %arg13[%mul3A_8, %dma_start3A_251] : memref<10000x16xf32, #tpu.memory_space<vmem_shared>> -> memref<624x16xf32, #tpu.memory_space<vmem_shared>>
      %dma_start3A_253 = arith.constant 0 : i32
      %dma_start3A_254 = tpu.memref_slice %arg13[%mul3A_8, %dma_start3A_253] : memref<10000x16xf32, #tpu.memory_space<vmem_shared>> -> memref<624x16xf32, #tpu.memory_space<vmem_shared>>
      tpu.enqueue_dma source(%arg12 : memref<624x16xf32, #tpu.memory_space<vmem>>) target(%dma_start3A_254 : memref<624x16xf32, #tpu.memory_space<vmem_shared>>) target_semaphore(%run_scoped3A_250 : memref<!tpu.dma_semaphore, #tpu.memory_space<semaphore_mem>>)
      %dma_wait3A_255 = arith.constant 0 : i32
      %dma_wait3A_256 = tpu.memref_slice %arg13[%mul3A_8, %dma_wait3A_255] : memref<10000x16xf32, #tpu.memory_space<vmem_shared>> -> memref<624x16xf32, #tpu.memory_space<vmem_shared>>
      %dma_wait3A_257 = arith.constant 0 : i32
      %dma_wait3A_258 = tpu.memref_slice %arg13[%mul3A_8, %dma_wait3A_257] : memref<10000x16xf32, #tpu.memory_space<vmem_shared>> -> memref<624x16xf32, #tpu.memory_space<vmem_shared>>
      tpu.wait_dma2 semaphore(%run_scoped3A_250 : memref<!tpu.dma_semaphore, #tpu.memory_space<semaphore_mem>>) src(%arg12 : memref<624x16xf32, #tpu.memory_space<vmem>>) dst(%dma_wait3A_258 : memref<624x16xf32, #tpu.memory_space<vmem_shared>>)
      tpu.yield
    }) : () -> ()
    "tpu.region"() ({
      %run_scoped3A_250 = tpu.sem_alloc : memref<!tpu.dma_semaphore, #tpu.memory_space<semaphore_mem>>
      %dma_start3A_251 = arith.constant 0 : i32
      %dma_start3A_252 = tpu.memref_slice %arg14[%mul3A_8, %dma_start3A_251] : memref<10000x16xf32, #tpu.memory_space<vmem_shared>> -> memref<624x16xf32, #tpu.memory_space<vmem_shared>>
      %dma_start3A_253 = arith.constant 0 : i32
      %dma_start3A_254 = tpu.memref_slice %arg14[%mul3A_8, %dma_start3A_253] : memref<10000x16xf32, #tpu.memory_space<vmem_shared>> -> memref<624x16xf32, #tpu.memory_space<vmem_shared>>
      tpu.enqueue_dma source(%arg12 : memref<624x16xf32, #tpu.memory_space<vmem>>) target(%dma_start3A_254 : memref<624x16xf32, #tpu.memory_space<vmem_shared>>) target_semaphore(%run_scoped3A_250 : memref<!tpu.dma_semaphore, #tpu.memory_space<semaphore_mem>>)
      %dma_wait3A_255 = arith.constant 0 : i32
      %dma_wait3A_256 = tpu.memref_slice %arg14[%mul3A_8, %dma_wait3A_255] : memref<10000x16xf32, #tpu.memory_space<vmem_shared>> -> memref<624x16xf32, #tpu.memory_space<vmem_shared>>
      %dma_wait3A_257 = arith.constant 0 : i32
      %dma_wait3A_258 = tpu.memref_slice %arg14[%mul3A_8, %dma_wait3A_257] : memref<10000x16xf32, #tpu.memory_space<vmem_shared>> -> memref<624x16xf32, #tpu.memory_space<vmem_shared>>
      tpu.wait_dma2 semaphore(%run_scoped3A_250 : memref<!tpu.dma_semaphore, #tpu.memory_space<semaphore_mem>>) src(%arg12 : memref<624x16xf32, #tpu.memory_space<vmem>>) dst(%dma_wait3A_258 : memref<624x16xf32, #tpu.memory_space<vmem_shared>>)
      tpu.yield
    }) : () -> ()
    %eq3A = arith.constant 0 : i32
    %eq3A_9 = arith.cmpi eq, %arg1, %eq3A : i32
    %convert_element_type3A = arith.extui %eq3A_9 : i1 to i32
    %cond3A = arith.constant 0 : i32
    %cond3A_10 = arith.cmpi ne, %convert_element_type3A, %cond3A : i32
    scf.if %cond3A_10 {
      "tpu.region"() ({
        %run_scoped3A_250 = tpu.sem_alloc : memref<!tpu.dma_semaphore, #tpu.memory_space<semaphore_mem>>
        %dma_start3A_251 = arith.constant 0 : i32
        %dma_start3A_252 = arith.constant 0 : i32
        %dma_start3A_253 = tpu.memref_slice %arg12[%dma_start3A_251, %dma_start3A_252] : memref<624x16xf32, #tpu.memory_space<vmem>> -> memref<16x16xf32, #tpu.memory_space<vmem>>
        %dma_start3A_254 = arith.constant 9984 : i32
        %dma_start3A_255 = arith.constant 0 : i32
        %dma_start3A_256 = tpu.memref_slice %arg13[%dma_start3A_254, %dma_start3A_255] : memref<10000x16xf32, #tpu.memory_space<vmem_shared>> -> memref<16x16xf32, #tpu.memory_space<vmem_shared>>
        %dma_start3A_257 = arith.constant 9984 : i32
        %dma_start3A_258 = arith.constant 0 : i32
        %dma_start3A_259 = tpu.memref_slice %arg13[%dma_start3A_257, %dma_start3A_258] : memref<10000x16xf32, #tpu.memory_space<vmem_shared>> -> memref<16x16xf32, #tpu.memory_space<vmem_shared>>
        %dma_start3A_260 = arith.constant 0 : i32
        %dma_start3A_261 = arith.constant 0 : i32
        %dma_start3A_262 = tpu.memref_slice %arg12[%dma_start3A_260, %dma_start3A_261] : memref<624x16xf32, #tpu.memory_space<vmem>> -> memref<16x16xf32, #tpu.memory_space<vmem>>
        tpu.enqueue_dma source(%dma_start3A_262 : memref<16x16xf32, #tpu.memory_space<vmem>>) target(%dma_start3A_259 : memref<16x16xf32, #tpu.memory_space<vmem_shared>>) target_semaphore(%run_scoped3A_250 : memref<!tpu.dma_semaphore, #tpu.memory_space<semaphore_mem>>)
        %dma_wait3A_263 = arith.constant 0 : i32
        %dma_wait3A_264 = arith.constant 0 : i32
        %dma_wait3A_265 = tpu.memref_slice %arg12[%dma_wait3A_263, %dma_wait3A_264] : memref<624x16xf32, #tpu.memory_space<vmem>> -> memref<16x16xf32, #tpu.memory_space<vmem>>
        %dma_wait3A_266 = arith.constant 9984 : i32
        %dma_wait3A_267 = arith.constant 0 : i32
        %dma_wait3A_268 = tpu.memref_slice %arg13[%dma_wait3A_266, %dma_wait3A_267] : memref<10000x16xf32, #tpu.memory_space<vmem_shared>> -> memref<16x16xf32, #tpu.memory_space<vmem_shared>>
        %dma_wait3A_269 = arith.constant 9984 : i32
        %dma_wait3A_270 = arith.constant 0 : i32
        %dma_wait3A_271 = tpu.memref_slice %arg13[%dma_wait3A_269, %dma_wait3A_270] : memref<10000x16xf32, #tpu.memory_space<vmem_shared>> -> memref<16x16xf32, #tpu.memory_space<vmem_shared>>
        %dma_wait3A_272 = arith.constant 0 : i32
        %dma_wait3A_273 = arith.constant 0 : i32
        %dma_wait3A_274 = tpu.memref_slice %arg12[%dma_wait3A_272, %dma_wait3A_273] : memref<624x16xf32, #tpu.memory_space<vmem>> -> memref<16x16xf32, #tpu.memory_space<vmem>>
        tpu.wait_dma2 semaphore(%run_scoped3A_250 : memref<!tpu.dma_semaphore, #tpu.memory_space<semaphore_mem>>) src(%dma_wait3A_274 : memref<16x16xf32, #tpu.memory_space<vmem>>) dst(%dma_wait3A_271 : memref<16x16xf32, #tpu.memory_space<vmem_shared>>)
        tpu.yield
      }) : () -> ()
      "tpu.region"() ({
        %run_scoped3A_250 = tpu.sem_alloc : memref<!tpu.dma_semaphore, #tpu.memory_space<semaphore_mem>>
        %dma_start3A_251 = arith.constant 0 : i32
        %dma_start3A_252 = arith.constant 0 : i32
        %dma_start3A_253 = tpu.memref_slice %arg12[%dma_start3A_251, %dma_start3A_252] : memref<624x16xf32, #tpu.memory_space<vmem>> -> memref<16x16xf32, #tpu.memory_space<vmem>>
        %dma_start3A_254 = arith.constant 9984 : i32
        %dma_start3A_255 = arith.constant 0 : i32
        %dma_start3A_256 = tpu.memref_slice %arg14[%dma_start3A_254, %dma_start3A_255] : memref<10000x16xf32, #tpu.memory_space<vmem_shared>> -> memref<16x16xf32, #tpu.memory_space<vmem_shared>>
        %dma_start3A_257 = arith.constant 9984 : i32
        %dma_start3A_258 = arith.constant 0 : i32
        %dma_start3A_259 = tpu.memref_slice %arg14[%dma_start3A_257, %dma_start3A_258] : memref<10000x16xf32, #tpu.memory_space<vmem_shared>> -> memref<16x16xf32, #tpu.memory_space<vmem_shared>>
        %dma_start3A_260 = arith.constant 0 : i32
        %dma_start3A_261 = arith.constant 0 : i32
        %dma_start3A_262 = tpu.memref_slice %arg12[%dma_start3A_260, %dma_start3A_261] : memref<624x16xf32, #tpu.memory_space<vmem>> -> memref<16x16xf32, #tpu.memory_space<vmem>>
        tpu.enqueue_dma source(%dma_start3A_262 : memref<16x16xf32, #tpu.memory_space<vmem>>) target(%dma_start3A_259 : memref<16x16xf32, #tpu.memory_space<vmem_shared>>) target_semaphore(%run_scoped3A_250 : memref<!tpu.dma_semaphore, #tpu.memory_space<semaphore_mem>>)
        %dma_wait3A_263 = arith.constant 0 : i32
        %dma_wait3A_264 = arith.constant 0 : i32
        %dma_wait3A_265 = tpu.memref_slice %arg12[%dma_wait3A_263, %dma_wait3A_264] : memref<624x16xf32, #tpu.memory_space<vmem>> -> memref<16x16xf32, #tpu.memory_space<vmem>>
        %dma_wait3A_266 = arith.constant 9984 : i32
        %dma_wait3A_267 = arith.constant 0 : i32
        %dma_wait3A_268 = tpu.memref_slice %arg14[%dma_wait3A_266, %dma_wait3A_267] : memref<10000x16xf32, #tpu.memory_space<vmem_shared>> -> memref<16x16xf32, #tpu.memory_space<vmem_shared>>
        %dma_wait3A_269 = arith.constant 9984 : i32
        %dma_wait3A_270 = arith.constant 0 : i32
        %dma_wait3A_271 = tpu.memref_slice %arg14[%dma_wait3A_269, %dma_wait3A_270] : memref<10000x16xf32, #tpu.memory_space<vmem_shared>> -> memref<16x16xf32, #tpu.memory_space<vmem_shared>>
        %dma_wait3A_272 = arith.constant 0 : i32
        %dma_wait3A_273 = arith.constant 0 : i32
        %dma_wait3A_274 = tpu.memref_slice %arg12[%dma_wait3A_272, %dma_wait3A_273] : memref<624x16xf32, #tpu.memory_space<vmem>> -> memref<16x16xf32, #tpu.memory_space<vmem>>
        tpu.wait_dma2 semaphore(%run_scoped3A_250 : memref<!tpu.dma_semaphore, #tpu.memory_space<semaphore_mem>>) src(%dma_wait3A_274 : memref<16x16xf32, #tpu.memory_space<vmem>>) dst(%dma_wait3A_271 : memref<16x16xf32, #tpu.memory_space<vmem_shared>>)
        tpu.yield
      }) : () -> ()
      "tpu.region"() ({
        %run_scoped3A_250 = tpu.sem_alloc : memref<!tpu.dma_semaphore, #tpu.memory_space<semaphore_mem>>
        %dma_start3A_251 = arith.constant 0 : i32
        %dma_start3A_252 = arith.constant 0 : i32
        %dma_start3A_253 = tpu.memref_slice %arg12[%dma_start3A_251, %dma_start3A_252] : memref<624x16xf32, #tpu.memory_space<vmem>> -> memref<48x16xf32, #tpu.memory_space<vmem>>
        %dma_start3A_254 = arith.constant 0 : i32
        %dma_start3A_255 = arith.constant 0 : i32
        %dma_start3A_256 = tpu.memref_slice %arg4[%arg0, %dma_start3A_254, %dma_start3A_255] : memref<2x10048x16xf32, #tpu.memory_space<hbm>> -> memref<1x10048x16xf32, #tpu.memory_space<hbm>>
        %dma_start3A_257 = tpu.memref_squeeze %dma_start3A_256 : memref<1x10048x16xf32, #tpu.memory_space<hbm>> -> memref<10048x16xf32, #tpu.memory_space<hbm>>
        %dma_start3A_258 = arith.constant 10000 : i32
        %dma_start3A_259 = arith.constant 0 : i32
        %dma_start3A_260 = tpu.memref_slice %dma_start3A_257[%dma_start3A_258, %dma_start3A_259] : memref<10048x16xf32, #tpu.memory_space<hbm>> -> memref<48x16xf32, #tpu.memory_space<hbm>>
        %dma_start3A_261 = arith.constant 0 : i32
        %dma_start3A_262 = arith.constant 0 : i32
        %dma_start3A_263 = tpu.memref_slice %arg4[%arg0, %dma_start3A_261, %dma_start3A_262] : memref<2x10048x16xf32, #tpu.memory_space<hbm>> -> memref<1x10048x16xf32, #tpu.memory_space<hbm>>
        %dma_start3A_264 = tpu.memref_squeeze %dma_start3A_263 : memref<1x10048x16xf32, #tpu.memory_space<hbm>> -> memref<10048x16xf32, #tpu.memory_space<hbm>>
        %dma_start3A_265 = arith.constant 10000 : i32
        %dma_start3A_266 = arith.constant 0 : i32
        %dma_start3A_267 = tpu.memref_slice %dma_start3A_264[%dma_start3A_265, %dma_start3A_266] : memref<10048x16xf32, #tpu.memory_space<hbm>> -> memref<48x16xf32, #tpu.memory_space<hbm>>
        %dma_start3A_268 = arith.constant 0 : i32
        %dma_start3A_269 = arith.constant 0 : i32
        %dma_start3A_270 = tpu.memref_slice %arg12[%dma_start3A_268, %dma_start3A_269] : memref<624x16xf32, #tpu.memory_space<vmem>> -> memref<48x16xf32, #tpu.memory_space<vmem>>
        tpu.enqueue_dma source(%dma_start3A_270 : memref<48x16xf32, #tpu.memory_space<vmem>>) target(%dma_start3A_267 : memref<48x16xf32, #tpu.memory_space<hbm>>) target_semaphore(%run_scoped3A_250 : memref<!tpu.dma_semaphore, #tpu.memory_space<semaphore_mem>>)
        %dma_wait3A_271 = arith.constant 0 : i32
        %dma_wait3A_272 = arith.constant 0 : i32
        %dma_wait3A_273 = tpu.memref_slice %arg12[%dma_wait3A_271, %dma_wait3A_272] : memref<624x16xf32, #tpu.memory_space<vmem>> -> memref<48x16xf32, #tpu.memory_space<vmem>>
        %dma_wait3A_274 = arith.constant 0 : i32
        %dma_wait3A_275 = arith.constant 0 : i32
        %dma_wait3A_276 = tpu.memref_slice %arg4[%arg0, %dma_wait3A_274, %dma_wait3A_275] : memref<2x10048x16xf32, #tpu.memory_space<hbm>> -> memref<1x10048x16xf32, #tpu.memory_space<hbm>>
        %dma_wait3A_277 = tpu.memref_squeeze %dma_wait3A_276 : memref<1x10048x16xf32, #tpu.memory_space<hbm>> -> memref<10048x16xf32, #tpu.memory_space<hbm>>
        %dma_wait3A_278 = arith.constant 10000 : i32
        %dma_wait3A_279 = arith.constant 0 : i32
        %dma_wait3A_280 = tpu.memref_slice %dma_wait3A_277[%dma_wait3A_278, %dma_wait3A_279] : memref<10048x16xf32, #tpu.memory_space<hbm>> -> memref<48x16xf32, #tpu.memory_space<hbm>>
        %dma_wait3A_281 = arith.constant 0 : i32
        %dma_wait3A_282 = arith.constant 0 : i32
        %dma_wait3A_283 = tpu.memref_slice %arg4[%arg0, %dma_wait3A_281, %dma_wait3A_282] : memref<2x10048x16xf32, #tpu.memory_space<hbm>> -> memref<1x10048x16xf32, #tpu.memory_space<hbm>>
        %dma_wait3A_284 = tpu.memref_squeeze %dma_wait3A_283 : memref<1x10048x16xf32, #tpu.memory_space<hbm>> -> memref<10048x16xf32, #tpu.memory_space<hbm>>
        %dma_wait3A_285 = arith.constant 10000 : i32
        %dma_wait3A_286 = arith.constant 0 : i32
        %dma_wait3A_287 = tpu.memref_slice %dma_wait3A_284[%dma_wait3A_285, %dma_wait3A_286] : memref<10048x16xf32, #tpu.memory_space<hbm>> -> memref<48x16xf32, #tpu.memory_space<hbm>>
        %dma_wait3A_288 = arith.constant 0 : i32
        %dma_wait3A_289 = arith.constant 0 : i32
        %dma_wait3A_290 = tpu.memref_slice %arg12[%dma_wait3A_288, %dma_wait3A_289] : memref<624x16xf32, #tpu.memory_space<vmem>> -> memref<48x16xf32, #tpu.memory_space<vmem>>
        tpu.wait_dma2 semaphore(%run_scoped3A_250 : memref<!tpu.dma_semaphore, #tpu.memory_space<semaphore_mem>>) src(%dma_wait3A_290 : memref<48x16xf32, #tpu.memory_space<vmem>>) dst(%dma_wait3A_287 : memref<48x16xf32, #tpu.memory_space<hbm>>)
        tpu.yield
      }) : () -> ()
      "tpu.region"() ({
        %run_scoped3A_250 = tpu.sem_alloc : memref<!tpu.dma_semaphore, #tpu.memory_space<semaphore_mem>>
        %dma_start3A_251 = arith.constant 0 : i32
        %dma_start3A_252 = arith.constant 0 : i32
        %dma_start3A_253 = tpu.memref_slice %arg12[%dma_start3A_251, %dma_start3A_252] : memref<624x16xf32, #tpu.memory_space<vmem>> -> memref<48x16xf32, #tpu.memory_space<vmem>>
        %dma_start3A_254 = arith.constant 0 : i32
        %dma_start3A_255 = arith.constant 0 : i32
        %dma_start3A_256 = tpu.memref_slice %arg5[%arg0, %dma_start3A_254, %dma_start3A_255] : memref<2x10048x16xf32, #tpu.memory_space<hbm>> -> memref<1x10048x16xf32, #tpu.memory_space<hbm>>
        %dma_start3A_257 = tpu.memref_squeeze %dma_start3A_256 : memref<1x10048x16xf32, #tpu.memory_space<hbm>> -> memref<10048x16xf32, #tpu.memory_space<hbm>>
        %dma_start3A_258 = arith.constant 10000 : i32
        %dma_start3A_259 = arith.constant 0 : i32
        %dma_start3A_260 = tpu.memref_slice %dma_start3A_257[%dma_start3A_258, %dma_start3A_259] : memref<10048x16xf32, #tpu.memory_space<hbm>> -> memref<48x16xf32, #tpu.memory_space<hbm>>
        %dma_start3A_261 = arith.constant 0 : i32
        %dma_start3A_262 = arith.constant 0 : i32
        %dma_start3A_263 = tpu.memref_slice %arg5[%arg0, %dma_start3A_261, %dma_start3A_262] : memref<2x10048x16xf32, #tpu.memory_space<hbm>> -> memref<1x10048x16xf32, #tpu.memory_space<hbm>>
        %dma_start3A_264 = tpu.memref_squeeze %dma_start3A_263 : memref<1x10048x16xf32, #tpu.memory_space<hbm>> -> memref<10048x16xf32, #tpu.memory_space<hbm>>
        %dma_start3A_265 = arith.constant 10000 : i32
        %dma_start3A_266 = arith.constant 0 : i32
        %dma_start3A_267 = tpu.memref_slice %dma_start3A_264[%dma_start3A_265, %dma_start3A_266] : memref<10048x16xf32, #tpu.memory_space<hbm>> -> memref<48x16xf32, #tpu.memory_space<hbm>>
        %dma_start3A_268 = arith.constant 0 : i32
        %dma_start3A_269 = arith.constant 0 : i32
        %dma_start3A_270 = tpu.memref_slice %arg12[%dma_start3A_268, %dma_start3A_269] : memref<624x16xf32, #tpu.memory_space<vmem>> -> memref<48x16xf32, #tpu.memory_space<vmem>>
        tpu.enqueue_dma source(%dma_start3A_270 : memref<48x16xf32, #tpu.memory_space<vmem>>) target(%dma_start3A_267 : memref<48x16xf32, #tpu.memory_space<hbm>>) target_semaphore(%run_scoped3A_250 : memref<!tpu.dma_semaphore, #tpu.memory_space<semaphore_mem>>)
        %dma_wait3A_271 = arith.constant 0 : i32
        %dma_wait3A_272 = arith.constant 0 : i32
        %dma_wait3A_273 = tpu.memref_slice %arg12[%dma_wait3A_271, %dma_wait3A_272] : memref<624x16xf32, #tpu.memory_space<vmem>> -> memref<48x16xf32, #tpu.memory_space<vmem>>
        %dma_wait3A_274 = arith.constant 0 : i32
        %dma_wait3A_275 = arith.constant 0 : i32
        %dma_wait3A_276 = tpu.memref_slice %arg5[%arg0, %dma_wait3A_274, %dma_wait3A_275] : memref<2x10048x16xf32, #tpu.memory_space<hbm>> -> memref<1x10048x16xf32, #tpu.memory_space<hbm>>
        %dma_wait3A_277 = tpu.memref_squeeze %dma_wait3A_276 : memref<1x10048x16xf32, #tpu.memory_space<hbm>> -> memref<10048x16xf32, #tpu.memory_space<hbm>>
        %dma_wait3A_278 = arith.constant 10000 : i32
        %dma_wait3A_279 = arith.constant 0 : i32
        %dma_wait3A_280 = tpu.memref_slice %dma_wait3A_277[%dma_wait3A_278, %dma_wait3A_279] : memref<10048x16xf32, #tpu.memory_space<hbm>> -> memref<48x16xf32, #tpu.memory_space<hbm>>
        %dma_wait3A_281 = arith.constant 0 : i32
        %dma_wait3A_282 = arith.constant 0 : i32
        %dma_wait3A_283 = tpu.memref_slice %arg5[%arg0, %dma_wait3A_281, %dma_wait3A_282] : memref<2x10048x16xf32, #tpu.memory_space<hbm>> -> memref<1x10048x16xf32, #tpu.memory_space<hbm>>
        %dma_wait3A_284 = tpu.memref_squeeze %dma_wait3A_283 : memref<1x10048x16xf32, #tpu.memory_space<hbm>> -> memref<10048x16xf32, #tpu.memory_space<hbm>>
        %dma_wait3A_285 = arith.constant 10000 : i32
        %dma_wait3A_286 = arith.constant 0 : i32
        %dma_wait3A_287 = tpu.memref_slice %dma_wait3A_284[%dma_wait3A_285, %dma_wait3A_286] : memref<10048x16xf32, #tpu.memory_space<hbm>> -> memref<48x16xf32, #tpu.memory_space<hbm>>
        %dma_wait3A_288 = arith.constant 0 : i32
        %dma_wait3A_289 = arith.constant 0 : i32
        %dma_wait3A_290 = tpu.memref_slice %arg12[%dma_wait3A_288, %dma_wait3A_289] : memref<624x16xf32, #tpu.memory_space<vmem>> -> memref<48x16xf32, #tpu.memory_space<vmem>>
        tpu.wait_dma2 semaphore(%run_scoped3A_250 : memref<!tpu.dma_semaphore, #tpu.memory_space<semaphore_mem>>) src(%dma_wait3A_290 : memref<48x16xf32, #tpu.memory_space<vmem>>) dst(%dma_wait3A_287 : memref<48x16xf32, #tpu.memory_space<hbm>>)
        tpu.yield
      }) : () -> ()
    } else {
    }
    %scan3A_11 = arith.constant 0 : i32
    %scan3A_12 = arith.constant 0 : i32
    %scan3A_13 = arith.constant 128 : i32
    %scan3A_14 = arith.addi %scan3A_12, %scan3A_13 : i32
    %scan3A_15 = arith.constant 1 : i32
    scf.for %scan3A_250 = %scan3A_12 to %scan3A_14 step %scan3A_15  : i32 {
      %broadcast_in_dim3A_251 = arith.constant 1.000000e+00 : f32
      %broadcast_in_dim3A_252 = vector.broadcast %broadcast_in_dim3A_251 : f32 to vector<16xf32>
      %swap3A = arith.index_cast %scan3A_250 : i32 to index
      %swap3A_253 = arith.constant 0 : index
      %swap3A_254 = tpu.vector_load %arg11[%swap3A, %swap3A_253] {strides = array<i32>} : memref<128x16xf32, #tpu.memory_space<vmem>>, vector<16xf32>,
      tpu.vector_store %arg11[%swap3A, %swap3A_253], %broadcast_in_dim3A_252 {strides = array<i32>} : memref<128x16xf32, #tpu.memory_space<vmem>>, vector<16xf32>,
    }
    %scan3A_16 = arith.constant 128 : i32
    %mul3A_17 = arith.constant 78 : i32
    %mul3A_18 = arith.muli %add3A, %mul3A_17 : i32
    %run_scoped3A = arith.constant 1 : i32
    "tpu.region"() ({
      %run_scoped3A_250 = tpu.sem_alloc : memref<!tpu.dma_semaphore, #tpu.memory_space<semaphore_mem>>
      %dma_start3A_251 = arith.constant 0 : i32
      %dma_start3A_252 = arith.constant 0 : i32
      %dma_start3A_253 = tpu.memref_slice %arg6[%dma_start3A_251, %dma_start3A_252] : memref<79x128xi32, #tpu.memory_space<vmem>> -> memref<78x128xi32, #tpu.memory_space<vmem>>
      %dma_start3A_254 = arith.constant 0 : i32
      %dma_start3A_255 = tpu.memref_slice %arg3[%mul3A_18, %run_scoped3A, %dma_start3A_254] : memref<2500x2x128xi32, #tpu.memory_space<hbm>> -> memref<78x1x128xi32, #tpu.memory_space<hbm>>
      %dma_start3A_256 = tpu.memref_squeeze %dma_start3A_255 : memref<78x1x128xi32, #tpu.memory_space<hbm>> -> memref<78x128xi32, #tpu.memory_space<hbm>>
      %dma_start3A_257 = arith.constant 0 : i32
      %dma_start3A_258 = arith.constant 0 : i32
      %dma_start3A_259 = tpu.memref_slice %arg6[%dma_start3A_257, %dma_start3A_258] : memref<79x128xi32, #tpu.memory_space<vmem>> -> memref<78x128xi32, #tpu.memory_space<vmem>>
      %dma_start3A_260 = arith.constant 0 : i32
      %dma_start3A_261 = tpu.memref_slice %arg3[%mul3A_18, %run_scoped3A, %dma_start3A_260] : memref<2500x2x128xi32, #tpu.memory_space<hbm>> -> memref<78x1x128xi32, #tpu.memory_space<hbm>>
      %dma_start3A_262 = tpu.memref_squeeze %dma_start3A_261 : memref<78x1x128xi32, #tpu.memory_space<hbm>> -> memref<78x128xi32, #tpu.memory_space<hbm>>
      tpu.enqueue_dma source(%dma_start3A_262 : memref<78x128xi32, #tpu.memory_space<hbm>>) target(%dma_start3A_259 : memref<78x128xi32, #tpu.memory_space<vmem>>) target_semaphore(%run_scoped3A_250 : memref<!tpu.dma_semaphore, #tpu.memory_space<semaphore_mem>>)
      %dma_wait3A_263 = arith.constant 0 : i32
      %dma_wait3A_264 = arith.constant 0 : i32
      %dma_wait3A_265 = tpu.memref_slice %arg6[%dma_wait3A_263, %dma_wait3A_264] : memref<79x128xi32, #tpu.memory_space<vmem>> -> memref<78x128xi32, #tpu.memory_space<vmem>>
      %dma_wait3A_266 = arith.constant 0 : i32
      %dma_wait3A_267 = tpu.memref_slice %arg3[%mul3A_18, %run_scoped3A, %dma_wait3A_266] : memref<2500x2x128xi32, #tpu.memory_space<hbm>> -> memref<78x1x128xi32, #tpu.memory_space<hbm>>
      %dma_wait3A_268 = tpu.memref_squeeze %dma_wait3A_267 : memref<78x1x128xi32, #tpu.memory_space<hbm>> -> memref<78x128xi32, #tpu.memory_space<hbm>>
      %dma_wait3A_269 = arith.constant 0 : i32
      %dma_wait3A_270 = arith.constant 0 : i32
      %dma_wait3A_271 = tpu.memref_slice %arg6[%dma_wait3A_269, %dma_wait3A_270] : memref<79x128xi32, #tpu.memory_space<vmem>> -> memref<78x128xi32, #tpu.memory_space<vmem>>
      %dma_wait3A_272 = arith.constant 0 : i32
      %dma_wait3A_273 = tpu.memref_slice %arg3[%mul3A_18, %run_scoped3A, %dma_wait3A_272] : memref<2500x2x128xi32, #tpu.memory_space<hbm>> -> memref<78x1x128xi32, #tpu.memory_space<hbm>>
      %dma_wait3A_274 = tpu.memref_squeeze %dma_wait3A_273 : memref<78x1x128xi32, #tpu.memory_space<hbm>> -> memref<78x128xi32, #tpu.memory_space<hbm>>
      tpu.wait_dma2 semaphore(%run_scoped3A_250 : memref<!tpu.dma_semaphore, #tpu.memory_space<semaphore_mem>>) src(%dma_wait3A_274 : memref<78x128xi32, #tpu.memory_space<hbm>>) dst(%dma_wait3A_271 : memref<78x128xi32, #tpu.memory_space<vmem>>)
      tpu.yield
    }) : () -> ()
    %lt3A = arith.constant 4 : i32
    %lt3A_19 = arith.cmpi slt, %add3A, %lt3A : i32
    %convert_element_type3A_20 = arith.extui %lt3A_19 : i1 to i32
    %cond3A_21 = arith.constant 0 : i32
    %cond3A_22 = arith.cmpi ne, %convert_element_type3A_20, %cond3A_21 : i32
    scf.if %cond3A_22 {
      %add3A_250 = arith.constant 2496 : i32
      %add3A_251 = arith.addi %add3A_250, %add3A : i32
      %run_scoped3A_252 = arith.constant 1 : i32
      %run_scoped3A_253 = arith.constant 78 : i32
      "tpu.region"() ({
        %run_scoped3A_254 = tpu.sem_alloc : memref<!tpu.dma_semaphore, #tpu.memory_space<semaphore_mem>>
        %dma_start3A_255 = arith.constant 0 : i32
        %dma_start3A_256 = tpu.memref_slice %arg6[%run_scoped3A_253, %dma_start3A_255] : memref<79x128xi32, #tpu.memory_space<vmem>> -> memref<1x128xi32, #tpu.memory_space<vmem>>
        %dma_start3A_257 = tpu.memref_squeeze %dma_start3A_256 : memref<1x128xi32, #tpu.memory_space<vmem>> -> memref<128xi32, #tpu.memory_space<vmem>>
        %dma_start3A_258 = arith.constant 0 : i32
        %dma_start3A_259 = tpu.memref_slice %arg3[%add3A_251, %run_scoped3A_252, %dma_start3A_258] : memref<2500x2x128xi32, #tpu.memory_space<hbm>> -> memref<1x1x128xi32, #tpu.memory_space<hbm>>
        %dma_start3A_260 = tpu.memref_squeeze %dma_start3A_259 : memref<1x1x128xi32, #tpu.memory_space<hbm>> -> memref<128xi32, #tpu.memory_space<hbm>>
        %dma_start3A_261 = arith.constant 0 : i32
        %dma_start3A_262 = tpu.memref_slice %arg6[%run_scoped3A_253, %dma_start3A_261] : memref<79x128xi32, #tpu.memory_space<vmem>> -> memref<1x128xi32, #tpu.memory_space<vmem>>
        %dma_start3A_263 = tpu.memref_squeeze %dma_start3A_262 : memref<1x128xi32, #tpu.memory_space<vmem>> -> memref<128xi32, #tpu.memory_space<vmem>>
        %dma_start3A_264 = arith.constant 0 : i32
        %dma_start3A_265 = tpu.memref_slice %arg3[%add3A_251, %run_scoped3A_252, %dma_start3A_264] : memref<2500x2x128xi32, #tpu.memory_space<hbm>> -> memref<1x1x128xi32, #tpu.memory_space<hbm>>
        %dma_start3A_266 = tpu.memref_squeeze %dma_start3A_265 : memref<1x1x128xi32, #tpu.memory_space<hbm>> -> memref<128xi32, #tpu.memory_space<hbm>>
        tpu.enqueue_dma source(%dma_start3A_266 : memref<128xi32, #tpu.memory_space<hbm>>) target(%dma_start3A_263 : memref<128xi32, #tpu.memory_space<vmem>>) target_semaphore(%run_scoped3A_254 : memref<!tpu.dma_semaphore, #tpu.memory_space<semaphore_mem>>)
        %dma_wait3A_267 = arith.constant 0 : i32
        %dma_wait3A_268 = tpu.memref_slice %arg6[%run_scoped3A_253, %dma_wait3A_267] : memref<79x128xi32, #tpu.memory_space<vmem>> -> memref<1x128xi32, #tpu.memory_space<vmem>>
        %dma_wait3A_269 = tpu.memref_squeeze %dma_wait3A_268 : memref<1x128xi32, #tpu.memory_space<vmem>> -> memref<128xi32, #tpu.memory_space<vmem>>
        %dma_wait3A_270 = arith.constant 0 : i32
        %dma_wait3A_271 = tpu.memref_slice %arg3[%add3A_251, %run_scoped3A_252, %dma_wait3A_270] : memref<2500x2x128xi32, #tpu.memory_space<hbm>> -> memref<1x1x128xi32, #tpu.memory_space<hbm>>
        %dma_wait3A_272 = tpu.memref_squeeze %dma_wait3A_271 : memref<1x1x128xi32, #tpu.memory_space<hbm>> -> memref<128xi32, #tpu.memory_space<hbm>>
        %dma_wait3A_273 = arith.constant 0 : i32
        %dma_wait3A_274 = tpu.memref_slice %arg6[%run_scoped3A_253, %dma_wait3A_273] : memref<79x128xi32, #tpu.memory_space<vmem>> -> memref<1x128xi32, #tpu.memory_space<vmem>>
        %dma_wait3A_275 = tpu.memref_squeeze %dma_wait3A_274 : memref<1x128xi32, #tpu.memory_space<vmem>> -> memref<128xi32, #tpu.memory_space<vmem>>
        %dma_wait3A_276 = arith.constant 0 : i32
        %dma_wait3A_277 = tpu.memref_slice %arg3[%add3A_251, %run_scoped3A_252, %dma_wait3A_276] : memref<2500x2x128xi32, #tpu.memory_space<hbm>> -> memref<1x1x128xi32, #tpu.memory_space<hbm>>
        %dma_wait3A_278 = tpu.memref_squeeze %dma_wait3A_277 : memref<1x1x128xi32, #tpu.memory_space<hbm>> -> memref<128xi32, #tpu.memory_space<hbm>>
        tpu.wait_dma2 semaphore(%run_scoped3A_254 : memref<!tpu.dma_semaphore, #tpu.memory_space<semaphore_mem>>) src(%dma_wait3A_278 : memref<128xi32, #tpu.memory_space<hbm>>) dst(%dma_wait3A_275 : memref<128xi32, #tpu.memory_space<vmem>>)
        tpu.yield
      }) : () -> ()
    } else {
    }
    %barrier3A = arith.constant 0 : index
    tpu.barrier barrier_id(%barrier3A)
    %iota3A = tpu.iota {dimensions = array<i32: 0>} : vector<16xi32>
    %dma_start3A = arith.constant 0 : i32
    %dma_start3A_23 = arith.constant 0 : i32
    %dma_start3A_24 = arith.constant 0 : i32
    %dma_start3A_25 = tpu.memref_slice %arg2[%dma_start3A, %mul3A_18, %dma_start3A_23, %dma_start3A_24] : memref<2x2500x8x128xf32, #tpu.memory_space<hbm>> -> memref<2x6x8x128xf32, #tpu.memory_space<hbm>>
    %dma_start3A_26 = arith.constant 0 : i32
    %dma_start3A_27 = arith.constant 0 : i32
    %dma_start3A_28 = arith.constant 0 : i32
    %dma_start3A_29 = tpu.memref_slice %arg2[%dma_start3A_26, %mul3A_18, %dma_start3A_27, %dma_start3A_28] : memref<2x2500x8x128xf32, #tpu.memory_space<hbm>> -> memref<2x6x8x128xf32, #tpu.memory_space<hbm>>
    tpu.enqueue_dma source(%dma_start3A_29 : memref<2x6x8x128xf32, #tpu.memory_space<hbm>>) target(%arg7 : memref<2x6x8x128xf32, #tpu.memory_space<vmem>>) target_semaphore(%arg15 : memref<!tpu.dma_semaphore, #tpu.memory_space<semaphore_mem>>)
    %scan3A_30 = arith.constant 0 : i32
    %scan3A_31 = arith.constant 0 : i32
    %scan3A_32 = arith.constant 13 : i32
    %scan3A_33 = arith.addi %scan3A_31, %scan3A_32 : i32
    %scan3A_34 = arith.constant 1 : i32
    scf.for %scan3A_250 = %scan3A_31 to %scan3A_33 step %scan3A_34  : i32 {
      %add3A_251 = arith.constant 1 : i32
      %add3A_252 = arith.addi %scan3A_250, %add3A_251 : i32
      %lt3A_253 = arith.constant 13 : i32
      %lt3A_254 = arith.cmpi slt, %add3A_252, %lt3A_253 : i32
      %convert_element_type3A_255 = arith.extui %lt3A_254 : i1 to i32
      %cond3A_256 = arith.constant 0 : i32
      %cond3A_257 = arith.cmpi ne, %convert_element_type3A_255, %cond3A_256 : i32
      scf.if %cond3A_257 {
        %add3A_271 = arith.constant 1 : i32
        %add3A_272 = arith.addi %scan3A_250, %add3A_271 : i32
        %rem3A_273 = arith.constant 2 : i32
        %rem3A_274 = arith.remsi %add3A_272, %rem3A_273 : i32
        %eq3A_275 = arith.constant 0 : i32
        %eq3A_276 = arith.cmpi eq, %rem3A_274, %eq3A_275 : i32
        %convert_element_type3A_277 = arith.extui %eq3A_276 : i1 to i32
        %cond3A_278 = arith.constant 0 : i32
        %cond3A_279 = arith.cmpi ne, %convert_element_type3A_277, %cond3A_278 : i32
        scf.if %cond3A_279 {
          %add3A_289 = arith.constant 1 : i32
          %add3A_290 = arith.addi %scan3A_250, %add3A_289 : i32
          %mul3A_291 = arith.constant 6 : i32
          %mul3A_292 = arith.muli %add3A_290, %mul3A_291 : i32
          %add3A_293 = arith.addi %mul3A_18, %mul3A_292 : i32
          %dma_start3A_294 = arith.constant 0 : i32
          %dma_start3A_295 = arith.constant 0 : i32
          %dma_start3A_296 = arith.constant 0 : i32
          %dma_start3A_297 = tpu.memref_slice %arg2[%dma_start3A_294, %add3A_293, %dma_start3A_295, %dma_start3A_296] : memref<2x2500x8x128xf32, #tpu.memory_space<hbm>> -> memref<2x6x8x128xf32, #tpu.memory_space<hbm>>
          %dma_start3A_298 = arith.constant 0 : i32
          %dma_start3A_299 = arith.constant 0 : i32
          %dma_start3A_300 = arith.constant 0 : i32
          %dma_start3A_301 = tpu.memref_slice %arg2[%dma_start3A_298, %add3A_293, %dma_start3A_299, %dma_start3A_300] : memref<2x2500x8x128xf32, #tpu.memory_space<hbm>> -> memref<2x6x8x128xf32, #tpu.memory_space<hbm>>
          tpu.enqueue_dma source(%dma_start3A_301 : memref<2x6x8x128xf32, #tpu.memory_space<hbm>>) target(%arg7 : memref<2x6x8x128xf32, #tpu.memory_space<vmem>>) target_semaphore(%arg15 : memref<!tpu.dma_semaphore, #tpu.memory_space<semaphore_mem>>)
        } else {
        }
        %add3A_280 = arith.constant 1 : i32
        %add3A_281 = arith.addi %scan3A_250, %add3A_280 : i32
        %rem3A_282 = arith.constant 2 : i32
        %rem3A_283 = arith.remsi %add3A_281, %rem3A_282 : i32
        %eq3A_284 = arith.constant 1 : i32
        %eq3A_285 = arith.cmpi eq, %rem3A_283, %eq3A_284 : i32
        %convert_element_type3A_286 = arith.extui %eq3A_285 : i1 to i32
        %cond3A_287 = arith.constant 0 : i32
        %cond3A_288 = arith.cmpi ne, %convert_element_type3A_286, %cond3A_287 : i32
        scf.if %cond3A_288 {
          %add3A_289 = arith.constant 1 : i32
          %add3A_290 = arith.addi %scan3A_250, %add3A_289 : i32
          %mul3A_291 = arith.constant 6 : i32
          %mul3A_292 = arith.muli %add3A_290, %mul3A_291 : i32
          %add3A_293 = arith.addi %mul3A_18, %mul3A_292 : i32
          %dma_start3A_294 = arith.constant 0 : i32
          %dma_start3A_295 = arith.constant 0 : i32
          %dma_start3A_296 = arith.constant 0 : i32
          %dma_start3A_297 = tpu.memref_slice %arg2[%dma_start3A_294, %add3A_293, %dma_start3A_295, %dma_start3A_296] : memref<2x2500x8x128xf32, #tpu.memory_space<hbm>> -> memref<2x6x8x128xf32, #tpu.memory_space<hbm>>
          %dma_start3A_298 = arith.constant 0 : i32
          %dma_start3A_299 = arith.constant 0 : i32
          %dma_start3A_300 = arith.constant 0 : i32
          %dma_start3A_301 = tpu.memref_slice %arg2[%dma_start3A_298, %add3A_293, %dma_start3A_299, %dma_start3A_300] : memref<2x2500x8x128xf32, #tpu.memory_space<hbm>> -> memref<2x6x8x128xf32, #tpu.memory_space<hbm>>
          tpu.enqueue_dma source(%dma_start3A_301 : memref<2x6x8x128xf32, #tpu.memory_space<hbm>>) target(%arg8 : memref<2x6x8x128xf32, #tpu.memory_space<vmem>>) target_semaphore(%arg16 : memref<!tpu.dma_semaphore, #tpu.memory_space<semaphore_mem>>)
        } else {
        }
      } else {
      }
      %rem3A = arith.constant 2 : i32
      %rem3A_258 = arith.remsi %scan3A_250, %rem3A : i32
      %eq3A_259 = arith.constant 0 : i32
      %eq3A_260 = arith.cmpi eq, %rem3A_258, %eq3A_259 : i32
      %convert_element_type3A_261 = arith.extui %eq3A_260 : i1 to i32
      %cond3A_262 = arith.constant 0 : i32
      %cond3A_263 = arith.cmpi ne, %convert_element_type3A_261, %cond3A_262 : i32
      scf.if %cond3A_263 {
        %mul3A_271 = arith.constant 6 : i32
        %mul3A_272 = arith.muli %scan3A_250, %mul3A_271 : i32
        %add3A_273 = arith.addi %mul3A_18, %mul3A_272 : i32
        %dma_wait3A_274 = arith.constant 0 : i32
        %dma_wait3A_275 = arith.constant 0 : i32
        %dma_wait3A_276 = arith.constant 0 : i32
        %dma_wait3A_277 = tpu.memref_slice %arg2[%dma_wait3A_274, %add3A_273, %dma_wait3A_275, %dma_wait3A_276] : memref<2x2500x8x128xf32, #tpu.memory_space<hbm>> -> memref<2x6x8x128xf32, #tpu.memory_space<hbm>>
        %dma_wait3A_278 = arith.constant 0 : i32
        %dma_wait3A_279 = arith.constant 0 : i32
        %dma_wait3A_280 = arith.constant 0 : i32
        %dma_wait3A_281 = tpu.memref_slice %arg2[%dma_wait3A_278, %add3A_273, %dma_wait3A_279, %dma_wait3A_280] : memref<2x2500x8x128xf32, #tpu.memory_space<hbm>> -> memref<2x6x8x128xf32, #tpu.memory_space<hbm>>
        tpu.wait_dma2 semaphore(%arg15 : memref<!tpu.dma_semaphore, #tpu.memory_space<semaphore_mem>>) src(%dma_wait3A_281 : memref<2x6x8x128xf32, #tpu.memory_space<hbm>>) dst(%arg7 : memref<2x6x8x128xf32, #tpu.memory_space<vmem>>)
        %ge3A = arith.constant 2 : i32
        %ge3A_282 = arith.cmpi sge, %scan3A_250, %ge3A : i32
        %convert_element_type3A_283 = arith.extui %ge3A_282 : i1 to i32
        %cond3A_284 = arith.constant 0 : i32
        %cond3A_285 = arith.cmpi ne, %convert_element_type3A_283, %cond3A_284 : i32
        scf.if %cond3A_285 {
          %dma_wait3A_406 = arith.constant 0 : i32
          %dma_wait3A_407 = arith.constant 0 : i32
          %dma_wait3A_408 = arith.constant 0 : i32
          %dma_wait3A_409 = tpu.memref_slice %arg9[%dma_wait3A_407, %dma_wait3A_408] : memref<768x16xf32, #tpu.memory_space<vmem>> -> memref<128x16xf32, #tpu.memory_space<vmem>>
          %dma_wait3A_410 = arith.constant 0 : i32
          %dma_wait3A_411 = tpu.memref_slice %arg6[%dma_wait3A_406, %dma_wait3A_410] : memref<79x128xi32, #tpu.memory_space<vmem>> -> memref<1x128xi32, #tpu.memory_space<vmem>>
          %dma_wait3A_412 = tpu.memref_squeeze %dma_wait3A_411 : memref<1x128xi32, #tpu.memory_space<vmem>> -> memref<128xi32, #tpu.memory_space<vmem>>
          %dma_wait3A_413 = arith.constant 0 : i32
          %dma_wait3A_414 = arith.constant 0 : i32
          %dma_wait3A_415 = tpu.memref_slice %arg13[%dma_wait3A_413, %dma_wait3A_414] : memref<10000x16xf32, #tpu.memory_space<vmem_shared>> -> memref<10000x16xf32, #tpu.memory_space<vmem_shared>>
          tpu.wait_indirect_dma semaphore(%arg17 : memref<!tpu.dma_semaphore, #tpu.memory_space<semaphore_mem>>) src(%dma_wait3A_409 : memref<128x16xf32, #tpu.memory_space<vmem>>) dst(%dma_wait3A_415 : memref<10000x16xf32, #tpu.memory_space<vmem_shared>>)
          %dma_wait3A_416 = arith.constant 0 : i32
          %dma_wait3A_417 = arith.constant 0 : i32
          %dma_wait3A_418 = tpu.memref_slice %arg6[%dma_wait3A_416, %dma_wait3A_417] : memref<79x128xi32, #tpu.memory_space<vmem>> -> memref<1x128xi32, #tpu.memory_space<vmem>>
          %dma_wait3A_419 = tpu.memref_squeeze %dma_wait3A_418 : memref<1x128xi32, #tpu.memory_space<vmem>> -> memref<128xi32, #tpu.memory_space<vmem>>
          %dma_wait3A_420 = arith.constant 0 : i32
          %dma_wait3A_421 = arith.constant 0 : i32
          %dma_wait3A_422 = tpu.memref_slice %arg14[%dma_wait3A_420, %dma_wait3A_421] : memref<10000x16xf32, #tpu.memory_space<vmem_shared>> -> memref<10000x16xf32, #tpu.memory_space<vmem_shared>>
          tpu.wait_indirect_dma semaphore(%arg17 : memref<!tpu.dma_semaphore, #tpu.memory_space<semaphore_mem>>) src(%arg11 : memref<128x16xf32, #tpu.memory_space<vmem>>) dst(%dma_wait3A_422 : memref<10000x16xf32, #tpu.memory_space<vmem_shared>>)
          %dma_wait3A_423 = arith.constant 0 : i32
          %dma_wait3A_424 = arith.constant 0 : i32
          %dma_wait3A_425 = arith.constant 0 : i32
          %dma_wait3A_426 = tpu.memref_slice %arg9[%dma_wait3A_424, %dma_wait3A_425] : memref<768x16xf32, #tpu.memory_space<vmem>> -> memref<128x16xf32, #tpu.memory_space<vmem>>
          %dma_wait3A_427 = arith.constant 0 : i32
          %dma_wait3A_428 = tpu.memref_slice %arg6[%dma_wait3A_423, %dma_wait3A_427] : memref<79x128xi32, #tpu.memory_space<vmem>> -> memref<1x128xi32, #tpu.memory_space<vmem>>
          %dma_wait3A_429 = tpu.memref_squeeze %dma_wait3A_428 : memref<1x128xi32, #tpu.memory_space<vmem>> -> memref<128xi32, #tpu.memory_space<vmem>>
          %dma_wait3A_430 = arith.constant 0 : i32
          %dma_wait3A_431 = arith.constant 0 : i32
          %dma_wait3A_432 = tpu.memref_slice %arg13[%dma_wait3A_430, %dma_wait3A_431] : memref<10000x16xf32, #tpu.memory_space<vmem_shared>> -> memref<10000x16xf32, #tpu.memory_space<vmem_shared>>
          tpu.wait_indirect_dma semaphore(%arg17 : memref<!tpu.dma_semaphore, #tpu.memory_space<semaphore_mem>>) src(%dma_wait3A_426 : memref<128x16xf32, #tpu.memory_space<vmem>>) dst(%dma_wait3A_432 : memref<10000x16xf32, #tpu.memory_space<vmem_shared>>)
          %dma_wait3A_433 = arith.constant 0 : i32
          %dma_wait3A_434 = arith.constant 0 : i32
          %dma_wait3A_435 = tpu.memref_slice %arg6[%dma_wait3A_433, %dma_wait3A_434] : memref<79x128xi32, #tpu.memory_space<vmem>> -> memref<1x128xi32, #tpu.memory_space<vmem>>
          %dma_wait3A_436 = tpu.memref_squeeze %dma_wait3A_435 : memref<1x128xi32, #tpu.memory_space<vmem>> -> memref<128xi32, #tpu.memory_space<vmem>>
          %dma_wait3A_437 = arith.constant 0 : i32
          %dma_wait3A_438 = arith.constant 0 : i32
          %dma_wait3A_439 = tpu.memref_slice %arg14[%dma_wait3A_437, %dma_wait3A_438] : memref<10000x16xf32, #tpu.memory_space<vmem_shared>> -> memref<10000x16xf32, #tpu.memory_space<vmem_shared>>
          tpu.wait_indirect_dma semaphore(%arg17 : memref<!tpu.dma_semaphore, #tpu.memory_space<semaphore_mem>>) src(%arg11 : memref<128x16xf32, #tpu.memory_space<vmem>>) dst(%dma_wait3A_439 : memref<10000x16xf32, #tpu.memory_space<vmem_shared>>)
          %dma_wait3A_440 = arith.constant 0 : i32
          %dma_wait3A_441 = arith.constant 0 : i32
          %dma_wait3A_442 = arith.constant 0 : i32
          %dma_wait3A_443 = tpu.memref_slice %arg9[%dma_wait3A_441, %dma_wait3A_442] : memref<768x16xf32, #tpu.memory_space<vmem>> -> memref<128x16xf32, #tpu.memory_space<vmem>>
          %dma_wait3A_444 = arith.constant 0 : i32
          %dma_wait3A_445 = tpu.memref_slice %arg6[%dma_wait3A_440, %dma_wait3A_444] : memref<79x128xi32, #tpu.memory_space<vmem>> -> memref<1x128xi32, #tpu.memory_space<vmem>>
          %dma_wait3A_446 = tpu.memref_squeeze %dma_wait3A_445 : memref<1x128xi32, #tpu.memory_space<vmem>> -> memref<128xi32, #tpu.memory_space<vmem>>
          %dma_wait3A_447 = arith.constant 0 : i32
          %dma_wait3A_448 = arith.constant 0 : i32
          %dma_wait3A_449 = tpu.memref_slice %arg13[%dma_wait3A_447, %dma_wait3A_448] : memref<10000x16xf32, #tpu.memory_space<vmem_shared>> -> memref<10000x16xf32, #tpu.memory_space<vmem_shared>>
          tpu.wait_indirect_dma semaphore(%arg17 : memref<!tpu.dma_semaphore, #tpu.memory_space<semaphore_mem>>) src(%dma_wait3A_443 : memref<128x16xf32, #tpu.memory_space<vmem>>) dst(%dma_wait3A_449 : memref<10000x16xf32, #tpu.memory_space<vmem_shared>>)
          %dma_wait3A_450 = arith.constant 0 : i32
          %dma_wait3A_451 = arith.constant 0 : i32
          %dma_wait3A_452 = tpu.memref_slice %arg6[%dma_wait3A_450, %dma_wait3A_451] : memref<79x128xi32, #tpu.memory_space<vmem>> -> memref<1x128xi32, #tpu.memory_space<vmem>>
          %dma_wait3A_453 = tpu.memref_squeeze %dma_wait3A_452 : memref<1x128xi32, #tpu.memory_space<vmem>> -> memref<128xi32, #tpu.memory_space<vmem>>
          %dma_wait3A_454 = arith.constant 0 : i32
          %dma_wait3A_455 = arith.constant 0 : i32
          %dma_wait3A_456 = tpu.memref_slice %arg14[%dma_wait3A_454, %dma_wait3A_455] : memref<10000x16xf32, #tpu.memory_space<vmem_shared>> -> memref<10000x16xf32, #tpu.memory_space<vmem_shared>>
          tpu.wait_indirect_dma semaphore(%arg17 : memref<!tpu.dma_semaphore, #tpu.memory_space<semaphore_mem>>) src(%arg11 : memref<128x16xf32, #tpu.memory_space<vmem>>) dst(%dma_wait3A_456 : memref<10000x16xf32, #tpu.memory_space<vmem_shared>>)
          %dma_wait3A_457 = arith.constant 0 : i32
          %dma_wait3A_458 = arith.constant 0 : i32
          %dma_wait3A_459 = arith.constant 0 : i32
          %dma_wait3A_460 = tpu.memref_slice %arg9[%dma_wait3A_458, %dma_wait3A_459] : memref<768x16xf32, #tpu.memory_space<vmem>> -> memref<128x16xf32, #tpu.memory_space<vmem>>
          %dma_wait3A_461 = arith.constant 0 : i32
          %dma_wait3A_462 = tpu.memref_slice %arg6[%dma_wait3A_457, %dma_wait3A_461] : memref<79x128xi32, #tpu.memory_space<vmem>> -> memref<1x128xi32, #tpu.memory_space<vmem>>
          %dma_wait3A_463 = tpu.memref_squeeze %dma_wait3A_462 : memref<1x128xi32, #tpu.memory_space<vmem>> -> memref<128xi32, #tpu.memory_space<vmem>>
          %dma_wait3A_464 = arith.constant 0 : i32
          %dma_wait3A_465 = arith.constant 0 : i32
          %dma_wait3A_466 = tpu.memref_slice %arg13[%dma_wait3A_464, %dma_wait3A_465] : memref<10000x16xf32, #tpu.memory_space<vmem_shared>> -> memref<10000x16xf32, #tpu.memory_space<vmem_shared>>
          tpu.wait_indirect_dma semaphore(%arg17 : memref<!tpu.dma_semaphore, #tpu.memory_space<semaphore_mem>>) src(%dma_wait3A_460 : memref<128x16xf32, #tpu.memory_space<vmem>>) dst(%dma_wait3A_466 : memref<10000x16xf32, #tpu.memory_space<vmem_shared>>)
          %dma_wait3A_467 = arith.constant 0 : i32
          %dma_wait3A_468 = arith.constant 0 : i32
          %dma_wait3A_469 = tpu.memref_slice %arg6[%dma_wait3A_467, %dma_wait3A_468] : memref<79x128xi32, #tpu.memory_space<vmem>> -> memref<1x128xi32, #tpu.memory_space<vmem>>
          %dma_wait3A_470 = tpu.memref_squeeze %dma_wait3A_469 : memref<1x128xi32, #tpu.memory_space<vmem>> -> memref<128xi32, #tpu.memory_space<vmem>>
          %dma_wait3A_471 = arith.constant 0 : i32
          %dma_wait3A_472 = arith.constant 0 : i32
          %dma_wait3A_473 = tpu.memref_slice %arg14[%dma_wait3A_471, %dma_wait3A_472] : memref<10000x16xf32, #tpu.memory_space<vmem_shared>> -> memref<10000x16xf32, #tpu.memory_space<vmem_shared>>
          tpu.wait_indirect_dma semaphore(%arg17 : memref<!tpu.dma_semaphore, #tpu.memory_space<semaphore_mem>>) src(%arg11 : memref<128x16xf32, #tpu.memory_space<vmem>>) dst(%dma_wait3A_473 : memref<10000x16xf32, #tpu.memory_space<vmem_shared>>)
          %dma_wait3A_474 = arith.constant 0 : i32
          %dma_wait3A_475 = arith.constant 0 : i32
          %dma_wait3A_476 = arith.constant 0 : i32
          %dma_wait3A_477 = tpu.memref_slice %arg9[%dma_wait3A_475, %dma_wait3A_476] : memref<768x16xf32, #tpu.memory_space<vmem>> -> memref<128x16xf32, #tpu.memory_space<vmem>>
          %dma_wait3A_478 = arith.constant 0 : i32
          %dma_wait3A_479 = tpu.memref_slice %arg6[%dma_wait3A_474, %dma_wait3A_478] : memref<79x128xi32, #tpu.memory_space<vmem>> -> memref<1x128xi32, #tpu.memory_space<vmem>>
          %dma_wait3A_480 = tpu.memref_squeeze %dma_wait3A_479 : memref<1x128xi32, #tpu.memory_space<vmem>> -> memref<128xi32, #tpu.memory_space<vmem>>
          %dma_wait3A_481 = arith.constant 0 : i32
          %dma_wait3A_482 = arith.constant 0 : i32
          %dma_wait3A_483 = tpu.memref_slice %arg13[%dma_wait3A_481, %dma_wait3A_482] : memref<10000x16xf32, #tpu.memory_space<vmem_shared>> -> memref<10000x16xf32, #tpu.memory_space<vmem_shared>>
          tpu.wait_indirect_dma semaphore(%arg17 : memref<!tpu.dma_semaphore, #tpu.memory_space<semaphore_mem>>) src(%dma_wait3A_477 : memref<128x16xf32, #tpu.memory_space<vmem>>) dst(%dma_wait3A_483 : memref<10000x16xf32, #tpu.memory_space<vmem_shared>>)
          %dma_wait3A_484 = arith.constant 0 : i32
          %dma_wait3A_485 = arith.constant 0 : i32
          %dma_wait3A_486 = tpu.memref_slice %arg6[%dma_wait3A_484, %dma_wait3A_485] : memref<79x128xi32, #tpu.memory_space<vmem>> -> memref<1x128xi32, #tpu.memory_space<vmem>>
          %dma_wait3A_487 = tpu.memref_squeeze %dma_wait3A_486 : memref<1x128xi32, #tpu.memory_space<vmem>> -> memref<128xi32, #tpu.memory_space<vmem>>
          %dma_wait3A_488 = arith.constant 0 : i32
          %dma_wait3A_489 = arith.constant 0 : i32
          %dma_wait3A_490 = tpu.memref_slice %arg14[%dma_wait3A_488, %dma_wait3A_489] : memref<10000x16xf32, #tpu.memory_space<vmem_shared>> -> memref<10000x16xf32, #tpu.memory_space<vmem_shared>>
          tpu.wait_indirect_dma semaphore(%arg17 : memref<!tpu.dma_semaphore, #tpu.memory_space<semaphore_mem>>) src(%arg11 : memref<128x16xf32, #tpu.memory_space<vmem>>) dst(%dma_wait3A_490 : memref<10000x16xf32, #tpu.memory_space<vmem_shared>>)
          %dma_wait3A_491 = arith.constant 0 : i32
          %dma_wait3A_492 = arith.constant 0 : i32
          %dma_wait3A_493 = arith.constant 0 : i32
          %dma_wait3A_494 = tpu.memref_slice %arg9[%dma_wait3A_492, %dma_wait3A_493] : memref<768x16xf32, #tpu.memory_space<vmem>> -> memref<128x16xf32, #tpu.memory_space<vmem>>
          %dma_wait3A_495 = arith.constant 0 : i32
          %dma_wait3A_496 = tpu.memref_slice %arg6[%dma_wait3A_491, %dma_wait3A_495] : memref<79x128xi32, #tpu.memory_space<vmem>> -> memref<1x128xi32, #tpu.memory_space<vmem>>
          %dma_wait3A_497 = tpu.memref_squeeze %dma_wait3A_496 : memref<1x128xi32, #tpu.memory_space<vmem>> -> memref<128xi32, #tpu.memory_space<vmem>>
          %dma_wait3A_498 = arith.constant 0 : i32
          %dma_wait3A_499 = arith.constant 0 : i32
          %dma_wait3A_500 = tpu.memref_slice %arg13[%dma_wait3A_498, %dma_wait3A_499] : memref<10000x16xf32, #tpu.memory_space<vmem_shared>> -> memref<10000x16xf32, #tpu.memory_space<vmem_shared>>
          tpu.wait_indirect_dma semaphore(%arg17 : memref<!tpu.dma_semaphore, #tpu.memory_space<semaphore_mem>>) src(%dma_wait3A_494 : memref<128x16xf32, #tpu.memory_space<vmem>>) dst(%dma_wait3A_500 : memref<10000x16xf32, #tpu.memory_space<vmem_shared>>)
          %dma_wait3A_501 = arith.constant 0 : i32
          %dma_wait3A_502 = arith.constant 0 : i32
          %dma_wait3A_503 = tpu.memref_slice %arg6[%dma_wait3A_501, %dma_wait3A_502] : memref<79x128xi32, #tpu.memory_space<vmem>> -> memref<1x128xi32, #tpu.memory_space<vmem>>
          %dma_wait3A_504 = tpu.memref_squeeze %dma_wait3A_503 : memref<1x128xi32, #tpu.memory_space<vmem>> -> memref<128xi32, #tpu.memory_space<vmem>>
          %dma_wait3A_505 = arith.constant 0 : i32
          %dma_wait3A_506 = arith.constant 0 : i32
          %dma_wait3A_507 = tpu.memref_slice %arg14[%dma_wait3A_505, %dma_wait3A_506] : memref<10000x16xf32, #tpu.memory_space<vmem_shared>> -> memref<10000x16xf32, #tpu.memory_space<vmem_shared>>
          tpu.wait_indirect_dma semaphore(%arg17 : memref<!tpu.dma_semaphore, #tpu.memory_space<semaphore_mem>>) src(%arg11 : memref<128x16xf32, #tpu.memory_space<vmem>>) dst(%dma_wait3A_507 : memref<10000x16xf32, #tpu.memory_space<vmem_shared>>)
        } else {
        }
        %scan3A_286 = arith.constant 0 : i32
        %scan3A_287 = arith.constant 0 : i32
        %scan3A_288 = arith.constant 48 : i32
        %scan3A_289 = arith.addi %scan3A_287, %scan3A_288 : i32
        %scan3A_290 = arith.constant 1 : i32
        scf.for %scan3A_406 = %scan3A_287 to %scan3A_289 step %scan3A_290  : i32 {
          %jit3A = arith.constant 8 : i32
          %div3A = arith.divsi %scan3A_406, %jit3A : i32
          %sign3A = arith.constant 0 : i32
          %sign3A_407 = arith.cmpi sgt, %scan3A_406, %sign3A : i32
          %sign3A_408 = arith.extui %sign3A_407 : i1 to i32
          %sign3A_409 = arith.constant 0 : i32
          %sign3A_410 = arith.cmpi slt, %scan3A_406, %sign3A_409 : i32
          %sign3A_411 = arith.extui %sign3A_410 : i1 to i32
          %sign3A_412 = arith.subi %sign3A_408, %sign3A_411 : i32
          %sign3A_413 = arith.constant 0 : i32
          %sign3A_414 = arith.cmpi sgt, %jit3A, %sign3A_413 : i32
          %sign3A_415 = arith.extui %sign3A_414 : i1 to i32
          %sign3A_416 = arith.constant 0 : i32
          %sign3A_417 = arith.cmpi slt, %jit3A, %sign3A_416 : i32
          %sign3A_418 = arith.extui %sign3A_417 : i1 to i32
          %sign3A_419 = arith.subi %sign3A_415, %sign3A_418 : i32
          %ne3A = arith.cmpi ne, %sign3A_412, %sign3A_419 : i32
          %rem3A_420 = arith.remsi %scan3A_406, %jit3A : i32
          %ne3A_421 = arith.constant 0 : i32
          %ne3A_422 = arith.cmpi ne, %rem3A_420, %ne3A_421 : i32
          %and3A = arith.andi %ne3A, %ne3A_422 : i1
          %sub3A = arith.constant 1 : i32
          %sub3A_423 = arith.subi %div3A, %sub3A : i32
          %select_n3A = arith.select %and3A, %sub3A_423, %div3A : i32
          %rem3A_424 = arith.constant 8 : i32
          %rem3A_425 = arith.remsi %scan3A_406, %rem3A_424 : i32
          %mul3A_426 = arith.constant 16 : i32
          %mul3A_427 = arith.muli %scan3A_406, %mul3A_426 : i32
          %add3A_428 = vector.broadcast %mul3A_427 : i32 to vector<16xi32>
          %add3A_429 = arith.addi %add3A_428, %iota3A : vector<16xi32>
          %mul3A_430 = arith.constant 16 : i32
          %mul3A_431 = arith.muli %rem3A_425, %mul3A_430 : i32
          %get3A = arith.constant 0 : i32
          %get3A_432 = arith.constant 0 : i32
          %get3A_433 = arith.index_cast %get3A : i32 to index
          %get3A_434 = arith.index_cast %select_n3A : i32 to index
          %get3A_435 = arith.index_cast %get3A_432 : i32 to index
          %get3A_436 = arith.index_cast %mul3A_431 : i32 to index
          %get3A_437 = tpu.vector_load %arg7[%get3A_433, %get3A_434, %get3A_435, %get3A_436] {strides = array<i32>} : memref<2x6x8x128xf32, #tpu.memory_space<vmem>>, vector<16xf32>,
          %broadcast_in_dim3A_438 = arith.constant 0 : i32
          %broadcast_in_dim3A_439 = vector.broadcast %broadcast_in_dim3A_438 : i32 to vector<16xi32>
          tpu.vector_store_idx %arg9[%add3A_429, %broadcast_in_dim3A_439], %get3A_437 : memref<768x16xf32, #tpu.memory_space<vmem>>[vector<16xi32>, vector<16xi32>], vector<16xf32>,
          %mul3A_440 = arith.constant 16 : i32
          %mul3A_441 = arith.muli %rem3A_425, %mul3A_440 : i32
          %get3A_442 = arith.constant 0 : i32
          %get3A_443 = arith.constant 1 : i32
          %get3A_444 = arith.index_cast %get3A_442 : i32 to index
          %get3A_445 = arith.index_cast %select_n3A : i32 to index
          %get3A_446 = arith.index_cast %get3A_443 : i32 to index
          %get3A_447 = arith.index_cast %mul3A_441 : i32 to index
          %get3A_448 = tpu.vector_load %arg7[%get3A_444, %get3A_445, %get3A_446, %get3A_447] {strides = array<i32>} : memref<2x6x8x128xf32, #tpu.memory_space<vmem>>, vector<16xf32>,
          %broadcast_in_dim3A_449 = arith.constant 1 : i32
          %broadcast_in_dim3A_450 = vector.broadcast %broadcast_in_dim3A_449 : i32 to vector<16xi32>
          tpu.vector_store_idx %arg9[%add3A_429, %broadcast_in_dim3A_450], %get3A_448 : memref<768x16xf32, #tpu.memory_space<vmem>>[vector<16xi32>, vector<16xi32>], vector<16xf32>,
          %mul3A_451 = arith.constant 16 : i32
          %mul3A_452 = arith.muli %rem3A_425, %mul3A_451 : i32
          %get3A_453 = arith.constant 0 : i32
          %get3A_454 = arith.constant 2 : i32
          %get3A_455 = arith.index_cast %get3A_453 : i32 to index
          %get3A_456 = arith.index_cast %select_n3A : i32 to index
          %get3A_457 = arith.index_cast %get3A_454 : i32 to index
          %get3A_458 = arith.index_cast %mul3A_452 : i32 to index
          %get3A_459 = tpu.vector_load %arg7[%get3A_455, %get3A_456, %get3A_457, %get3A_458] {strides = array<i32>} : memref<2x6x8x128xf32, #tpu.memory_space<vmem>>, vector<16xf32>,
          %broadcast_in_dim3A_460 = arith.constant 2 : i32
          %broadcast_in_dim3A_461 = vector.broadcast %broadcast_in_dim3A_460 : i32 to vector<16xi32>
          tpu.vector_store_idx %arg9[%add3A_429, %broadcast_in_dim3A_461], %get3A_459 : memref<768x16xf32, #tpu.memory_space<vmem>>[vector<16xi32>, vector<16xi32>], vector<16xf32>,
          %mul3A_462 = arith.constant 16 : i32
          %mul3A_463 = arith.muli %rem3A_425, %mul3A_462 : i32
          %get3A_464 = arith.constant 0 : i32
          %get3A_465 = arith.constant 3 : i32
          %get3A_466 = arith.index_cast %get3A_464 : i32 to index
          %get3A_467 = arith.index_cast %select_n3A : i32 to index
          %get3A_468 = arith.index_cast %get3A_465 : i32 to index
          %get3A_469 = arith.index_cast %mul3A_463 : i32 to index
          %get3A_470 = tpu.vector_load %arg7[%get3A_466, %get3A_467, %get3A_468, %get3A_469] {strides = array<i32>} : memref<2x6x8x128xf32, #tpu.memory_space<vmem>>, vector<16xf32>,
          %broadcast_in_dim3A_471 = arith.constant 3 : i32
          %broadcast_in_dim3A_472 = vector.broadcast %broadcast_in_dim3A_471 : i32 to vector<16xi32>
          tpu.vector_store_idx %arg9[%add3A_429, %broadcast_in_dim3A_472], %get3A_470 : memref<768x16xf32, #tpu.memory_space<vmem>>[vector<16xi32>, vector<16xi32>], vector<16xf32>,
          %mul3A_473 = arith.constant 16 : i32
          %mul3A_474 = arith.muli %rem3A_425, %mul3A_473 : i32
          %get3A_475 = arith.constant 0 : i32
          %get3A_476 = arith.constant 4 : i32
          %get3A_477 = arith.index_cast %get3A_475 : i32 to index
          %get3A_478 = arith.index_cast %select_n3A : i32 to index
          %get3A_479 = arith.index_cast %get3A_476 : i32 to index
          %get3A_480 = arith.index_cast %mul3A_474 : i32 to index
          %get3A_481 = tpu.vector_load %arg7[%get3A_477, %get3A_478, %get3A_479, %get3A_480] {strides = array<i32>} : memref<2x6x8x128xf32, #tpu.memory_space<vmem>>, vector<16xf32>,
          %broadcast_in_dim3A_482 = arith.constant 4 : i32
          %broadcast_in_dim3A_483 = vector.broadcast %broadcast_in_dim3A_482 : i32 to vector<16xi32>
          tpu.vector_store_idx %arg9[%add3A_429, %broadcast_in_dim3A_483], %get3A_481 : memref<768x16xf32, #tpu.memory_space<vmem>>[vector<16xi32>, vector<16xi32>], vector<16xf32>,
          %mul3A_484 = arith.constant 16 : i32
          %mul3A_485 = arith.muli %rem3A_425, %mul3A_484 : i32
          %get3A_486 = arith.constant 0 : i32
          %get3A_487 = arith.constant 5 : i32
          %get3A_488 = arith.index_cast %get3A_486 : i32 to index
          %get3A_489 = arith.index_cast %select_n3A : i32 to index
          %get3A_490 = arith.index_cast %get3A_487 : i32 to index
          %get3A_491 = arith.index_cast %mul3A_485 : i32 to index
          %get3A_492 = tpu.vector_load %arg7[%get3A_488, %get3A_489, %get3A_490, %get3A_491] {strides = array<i32>} : memref<2x6x8x128xf32, #tpu.memory_space<vmem>>, vector<16xf32>,
          %broadcast_in_dim3A_493 = arith.constant 5 : i32
          %broadcast_in_dim3A_494 = vector.broadcast %broadcast_in_dim3A_493 : i32 to vector<16xi32>
          tpu.vector_store_idx %arg9[%add3A_429, %broadcast_in_dim3A_494], %get3A_492 : memref<768x16xf32, #tpu.memory_space<vmem>>[vector<16xi32>, vector<16xi32>], vector<16xf32>,
          %mul3A_495 = arith.constant 16 : i32
          %mul3A_496 = arith.muli %rem3A_425, %mul3A_495 : i32
          %get3A_497 = arith.constant 0 : i32
          %get3A_498 = arith.constant 6 : i32
          %get3A_499 = arith.index_cast %get3A_497 : i32 to index
          %get3A_500 = arith.index_cast %select_n3A : i32 to index
          %get3A_501 = arith.index_cast %get3A_498 : i32 to index
          %get3A_502 = arith.index_cast %mul3A_496 : i32 to index
          %get3A_503 = tpu.vector_load %arg7[%get3A_499, %get3A_500, %get3A_501, %get3A_502] {strides = array<i32>} : memref<2x6x8x128xf32, #tpu.memory_space<vmem>>, vector<16xf32>,
          %broadcast_in_dim3A_504 = arith.constant 6 : i32
          %broadcast_in_dim3A_505 = vector.broadcast %broadcast_in_dim3A_504 : i32 to vector<16xi32>
          tpu.vector_store_idx %arg9[%add3A_429, %broadcast_in_dim3A_505], %get3A_503 : memref<768x16xf32, #tpu.memory_space<vmem>>[vector<16xi32>, vector<16xi32>], vector<16xf32>,
          %mul3A_506 = arith.constant 16 : i32
          %mul3A_507 = arith.muli %rem3A_425, %mul3A_506 : i32
          %get3A_508 = arith.constant 0 : i32
          %get3A_509 = arith.constant 7 : i32
          %get3A_510 = arith.index_cast %get3A_508 : i32 to index
          %get3A_511 = arith.index_cast %select_n3A : i32 to index
          %get3A_512 = arith.index_cast %get3A_509 : i32 to index
          %get3A_513 = arith.index_cast %mul3A_507 : i32 to index
          %get3A_514 = tpu.vector_load %arg7[%get3A_510, %get3A_511, %get3A_512, %get3A_513] {strides = array<i32>} : memref<2x6x8x128xf32, #tpu.memory_space<vmem>>, vector<16xf32>,
          %broadcast_in_dim3A_515 = arith.constant 7 : i32
          %broadcast_in_dim3A_516 = vector.broadcast %broadcast_in_dim3A_515 : i32 to vector<16xi32>
          tpu.vector_store_idx %arg9[%add3A_429, %broadcast_in_dim3A_516], %get3A_514 : memref<768x16xf32, #tpu.memory_space<vmem>>[vector<16xi32>, vector<16xi32>], vector<16xf32>,
          %mul3A_517 = arith.constant 16 : i32
          %mul3A_518 = arith.muli %rem3A_425, %mul3A_517 : i32
          %get3A_519 = arith.constant 1 : i32
          %get3A_520 = arith.constant 0 : i32
          %get3A_521 = arith.index_cast %get3A_519 : i32 to index
          %get3A_522 = arith.index_cast %select_n3A : i32 to index
          %get3A_523 = arith.index_cast %get3A_520 : i32 to index
          %get3A_524 = arith.index_cast %mul3A_518 : i32 to index
          %get3A_525 = tpu.vector_load %arg7[%get3A_521, %get3A_522, %get3A_523, %get3A_524] {strides = array<i32>} : memref<2x6x8x128xf32, #tpu.memory_space<vmem>>, vector<16xf32>,
          %broadcast_in_dim3A_526 = arith.constant 8 : i32
          %broadcast_in_dim3A_527 = vector.broadcast %broadcast_in_dim3A_526 : i32 to vector<16xi32>
          tpu.vector_store_idx %arg9[%add3A_429, %broadcast_in_dim3A_527], %get3A_525 : memref<768x16xf32, #tpu.memory_space<vmem>>[vector<16xi32>, vector<16xi32>], vector<16xf32>,
          %mul3A_528 = arith.constant 16 : i32
          %mul3A_529 = arith.muli %rem3A_425, %mul3A_528 : i32
          %get3A_530 = arith.constant 1 : i32
          %get3A_531 = arith.constant 1 : i32
          %get3A_532 = arith.index_cast %get3A_530 : i32 to index
          %get3A_533 = arith.index_cast %select_n3A : i32 to index
          %get3A_534 = arith.index_cast %get3A_531 : i32 to index
          %get3A_535 = arith.index_cast %mul3A_529 : i32 to index
          %get3A_536 = tpu.vector_load %arg7[%get3A_532, %get3A_533, %get3A_534, %get3A_535] {strides = array<i32>} : memref<2x6x8x128xf32, #tpu.memory_space<vmem>>, vector<16xf32>,
          %broadcast_in_dim3A_537 = arith.constant 9 : i32
          %broadcast_in_dim3A_538 = vector.broadcast %broadcast_in_dim3A_537 : i32 to vector<16xi32>
          tpu.vector_store_idx %arg9[%add3A_429, %broadcast_in_dim3A_538], %get3A_536 : memref<768x16xf32, #tpu.memory_space<vmem>>[vector<16xi32>, vector<16xi32>], vector<16xf32>,
          %mul3A_539 = arith.constant 16 : i32
          %mul3A_540 = arith.muli %rem3A_425, %mul3A_539 : i32
          %get3A_541 = arith.constant 1 : i32
          %get3A_542 = arith.constant 2 : i32
          %get3A_543 = arith.index_cast %get3A_541 : i32 to index
          %get3A_544 = arith.index_cast %select_n3A : i32 to index
          %get3A_545 = arith.index_cast %get3A_542 : i32 to index
          %get3A_546 = arith.index_cast %mul3A_540 : i32 to index
          %get3A_547 = tpu.vector_load %arg7[%get3A_543, %get3A_544, %get3A_545, %get3A_546] {strides = array<i32>} : memref<2x6x8x128xf32, #tpu.memory_space<vmem>>, vector<16xf32>,
          %broadcast_in_dim3A_548 = arith.constant 10 : i32
          %broadcast_in_dim3A_549 = vector.broadcast %broadcast_in_dim3A_548 : i32 to vector<16xi32>
          tpu.vector_store_idx %arg9[%add3A_429, %broadcast_in_dim3A_549], %get3A_547 : memref<768x16xf32, #tpu.memory_space<vmem>>[vector<16xi32>, vector<16xi32>], vector<16xf32>,
          %mul3A_550 = arith.constant 16 : i32
          %mul3A_551 = arith.muli %rem3A_425, %mul3A_550 : i32
          %get3A_552 = arith.constant 1 : i32
          %get3A_553 = arith.constant 3 : i32
          %get3A_554 = arith.index_cast %get3A_552 : i32 to index
          %get3A_555 = arith.index_cast %select_n3A : i32 to index
          %get3A_556 = arith.index_cast %get3A_553 : i32 to index
          %get3A_557 = arith.index_cast %mul3A_551 : i32 to index
          %get3A_558 = tpu.vector_load %arg7[%get3A_554, %get3A_555, %get3A_556, %get3A_557] {strides = array<i32>} : memref<2x6x8x128xf32, #tpu.memory_space<vmem>>, vector<16xf32>,
          %broadcast_in_dim3A_559 = arith.constant 11 : i32
          %broadcast_in_dim3A_560 = vector.broadcast %broadcast_in_dim3A_559 : i32 to vector<16xi32>
          tpu.vector_store_idx %arg9[%add3A_429, %broadcast_in_dim3A_560], %get3A_558 : memref<768x16xf32, #tpu.memory_space<vmem>>[vector<16xi32>, vector<16xi32>], vector<16xf32>,
          %mul3A_561 = arith.constant 16 : i32
          %mul3A_562 = arith.muli %rem3A_425, %mul3A_561 : i32
          %get3A_563 = arith.constant 1 : i32
          %get3A_564 = arith.constant 4 : i32
          %get3A_565 = arith.index_cast %get3A_563 : i32 to index
          %get3A_566 = arith.index_cast %select_n3A : i32 to index
          %get3A_567 = arith.index_cast %get3A_564 : i32 to index
          %get3A_568 = arith.index_cast %mul3A_562 : i32 to index
          %get3A_569 = tpu.vector_load %arg7[%get3A_565, %get3A_566, %get3A_567, %get3A_568] {strides = array<i32>} : memref<2x6x8x128xf32, #tpu.memory_space<vmem>>, vector<16xf32>,
          %broadcast_in_dim3A_570 = arith.constant 12 : i32
          %broadcast_in_dim3A_571 = vector.broadcast %broadcast_in_dim3A_570 : i32 to vector<16xi32>
          tpu.vector_store_idx %arg9[%add3A_429, %broadcast_in_dim3A_571], %get3A_569 : memref<768x16xf32, #tpu.memory_space<vmem>>[vector<16xi32>, vector<16xi32>], vector<16xf32>,
          %mul3A_572 = arith.constant 16 : i32
          %mul3A_573 = arith.muli %rem3A_425, %mul3A_572 : i32
          %get3A_574 = arith.constant 1 : i32
          %get3A_575 = arith.constant 5 : i32
          %get3A_576 = arith.index_cast %get3A_574 : i32 to index
          %get3A_577 = arith.index_cast %select_n3A : i32 to index
          %get3A_578 = arith.index_cast %get3A_575 : i32 to index
          %get3A_579 = arith.index_cast %mul3A_573 : i32 to index
          %get3A_580 = tpu.vector_load %arg7[%get3A_576, %get3A_577, %get3A_578, %get3A_579] {strides = array<i32>} : memref<2x6x8x128xf32, #tpu.memory_space<vmem>>, vector<16xf32>,
          %broadcast_in_dim3A_581 = arith.constant 13 : i32
          %broadcast_in_dim3A_582 = vector.broadcast %broadcast_in_dim3A_581 : i32 to vector<16xi32>
          tpu.vector_store_idx %arg9[%add3A_429, %broadcast_in_dim3A_582], %get3A_580 : memref<768x16xf32, #tpu.memory_space<vmem>>[vector<16xi32>, vector<16xi32>], vector<16xf32>,
          %mul3A_583 = arith.constant 16 : i32
          %mul3A_584 = arith.muli %rem3A_425, %mul3A_583 : i32
          %get3A_585 = arith.constant 1 : i32
          %get3A_586 = arith.constant 6 : i32
          %get3A_587 = arith.index_cast %get3A_585 : i32 to index
          %get3A_588 = arith.index_cast %select_n3A : i32 to index
          %get3A_589 = arith.index_cast %get3A_586 : i32 to index
          %get3A_590 = arith.index_cast %mul3A_584 : i32 to index
          %get3A_591 = tpu.vector_load %arg7[%get3A_587, %get3A_588, %get3A_589, %get3A_590] {strides = array<i32>} : memref<2x6x8x128xf32, #tpu.memory_space<vmem>>, vector<16xf32>,
          %broadcast_in_dim3A_592 = arith.constant 14 : i32
          %broadcast_in_dim3A_593 = vector.broadcast %broadcast_in_dim3A_592 : i32 to vector<16xi32>
          tpu.vector_store_idx %arg9[%add3A_429, %broadcast_in_dim3A_593], %get3A_591 : memref<768x16xf32, #tpu.memory_space<vmem>>[vector<16xi32>, vector<16xi32>], vector<16xf32>,
          %mul3A_594 = arith.constant 16 : i32
          %mul3A_595 = arith.muli %rem3A_425, %mul3A_594 : i32
          %get3A_596 = arith.constant 1 : i32
          %get3A_597 = arith.constant 7 : i32
          %get3A_598 = arith.index_cast %get3A_596 : i32 to index
          %get3A_599 = arith.index_cast %select_n3A : i32 to index
          %get3A_600 = arith.index_cast %get3A_597 : i32 to index
          %get3A_601 = arith.index_cast %mul3A_595 : i32 to index
          %get3A_602 = tpu.vector_load %arg7[%get3A_598, %get3A_599, %get3A_600, %get3A_601] {strides = array<i32>} : memref<2x6x8x128xf32, #tpu.memory_space<vmem>>, vector<16xf32>,
          %broadcast_in_dim3A_603 = arith.constant 15 : i32
          %broadcast_in_dim3A_604 = vector.broadcast %broadcast_in_dim3A_603 : i32 to vector<16xi32>
          tpu.vector_store_idx %arg9[%add3A_429, %broadcast_in_dim3A_604], %get3A_602 : memref<768x16xf32, #tpu.memory_space<vmem>>[vector<16xi32>, vector<16xi32>], vector<16xf32>,
        }
        %scan3A_291 = arith.constant 48 : i32
        %mul3A_292 = arith.constant 6 : i32
        %mul3A_293 = arith.muli %scan3A_250, %mul3A_292 : i32
        %add3A_294 = arith.constant 0 : i32
        %add3A_295 = arith.addi %mul3A_293, %add3A_294 : i32
        %dma_start3A_296 = arith.constant 0 : i32
        %dma_start3A_297 = arith.constant 0 : i32
        %dma_start3A_298 = tpu.memref_slice %arg9[%dma_start3A_296, %dma_start3A_297] : memref<768x16xf32, #tpu.memory_space<vmem>> -> memref<128x16xf32, #tpu.memory_space<vmem>>
        %dma_start3A_299 = arith.constant 0 : i32
        %dma_start3A_300 = tpu.memref_slice %arg6[%add3A_295, %dma_start3A_299] : memref<79x128xi32, #tpu.memory_space<vmem>> -> memref<1x128xi32, #tpu.memory_space<vmem>>
        %dma_start3A_301 = tpu.memref_squeeze %dma_start3A_300 : memref<1x128xi32, #tpu.memory_space<vmem>> -> memref<128xi32, #tpu.memory_space<vmem>>
        %dma_start3A_302 = arith.constant 0 : i32
        %dma_start3A_303 = arith.constant 0 : i32
        %dma_start3A_304 = tpu.memref_slice %arg13[%dma_start3A_302, %dma_start3A_303] : memref<10000x16xf32, #tpu.memory_space<vmem_shared>> -> memref<10000x16xf32, #tpu.memory_space<vmem_shared>>
        tpu.enqueue_indirect_dma source(%dma_start3A_298 : memref<128x16xf32, #tpu.memory_space<vmem>>) target(%dma_start3A_304 : memref<10000x16xf32, #tpu.memory_space<vmem_shared>>) offsets(%dma_start3A_301 : memref<128xi32, #tpu.memory_space<vmem>>) semaphore(%arg17 : memref<!tpu.dma_semaphore, #tpu.memory_space<semaphore_mem>>) {add = true}
        %dma_start3A_305 = arith.constant 0 : i32
        %dma_start3A_306 = tpu.memref_slice %arg6[%add3A_295, %dma_start3A_305] : memref<79x128xi32, #tpu.memory_space<vmem>> -> memref<1x128xi32, #tpu.memory_space<vmem>>
        %dma_start3A_307 = tpu.memref_squeeze %dma_start3A_306 : memref<1x128xi32, #tpu.memory_space<vmem>> -> memref<128xi32, #tpu.memory_space<vmem>>
        %dma_start3A_308 = arith.constant 0 : i32
        %dma_start3A_309 = arith.constant 0 : i32
        %dma_start3A_310 = tpu.memref_slice %arg14[%dma_start3A_308, %dma_start3A_309] : memref<10000x16xf32, #tpu.memory_space<vmem_shared>> -> memref<10000x16xf32, #tpu.memory_space<vmem_shared>>
        tpu.enqueue_indirect_dma source(%arg11 : memref<128x16xf32, #tpu.memory_space<vmem>>) target(%dma_start3A_310 : memref<10000x16xf32, #tpu.memory_space<vmem_shared>>) offsets(%dma_start3A_307 : memref<128xi32, #tpu.memory_space<vmem>>) semaphore(%arg17 : memref<!tpu.dma_semaphore, #tpu.memory_space<semaphore_mem>>) {add = true}
        %mul3A_311 = arith.constant 6 : i32
        %mul3A_312 = arith.muli %scan3A_250, %mul3A_311 : i32
        %add3A_313 = arith.constant 1 : i32
        %add3A_314 = arith.addi %mul3A_312, %add3A_313 : i32
        %dma_start3A_315 = arith.constant 128 : i32
        %dma_start3A_316 = arith.constant 0 : i32
        %dma_start3A_317 = tpu.memref_slice %arg9[%dma_start3A_315, %dma_start3A_316] : memref<768x16xf32, #tpu.memory_space<vmem>> -> memref<128x16xf32, #tpu.memory_space<vmem>>
        %dma_start3A_318 = arith.constant 0 : i32
        %dma_start3A_319 = tpu.memref_slice %arg6[%add3A_314, %dma_start3A_318] : memref<79x128xi32, #tpu.memory_space<vmem>> -> memref<1x128xi32, #tpu.memory_space<vmem>>
        %dma_start3A_320 = tpu.memref_squeeze %dma_start3A_319 : memref<1x128xi32, #tpu.memory_space<vmem>> -> memref<128xi32, #tpu.memory_space<vmem>>
        %dma_start3A_321 = arith.constant 0 : i32
        %dma_start3A_322 = arith.constant 0 : i32
        %dma_start3A_323 = tpu.memref_slice %arg13[%dma_start3A_321, %dma_start3A_322] : memref<10000x16xf32, #tpu.memory_space<vmem_shared>> -> memref<10000x16xf32, #tpu.memory_space<vmem_shared>>
        tpu.enqueue_indirect_dma source(%dma_start3A_317 : memref<128x16xf32, #tpu.memory_space<vmem>>) target(%dma_start3A_323 : memref<10000x16xf32, #tpu.memory_space<vmem_shared>>) offsets(%dma_start3A_320 : memref<128xi32, #tpu.memory_space<vmem>>) semaphore(%arg17 : memref<!tpu.dma_semaphore, #tpu.memory_space<semaphore_mem>>) {add = true}
        %dma_start3A_324 = arith.constant 0 : i32
        %dma_start3A_325 = tpu.memref_slice %arg6[%add3A_314, %dma_start3A_324] : memref<79x128xi32, #tpu.memory_space<vmem>> -> memref<1x128xi32, #tpu.memory_space<vmem>>
        %dma_start3A_326 = tpu.memref_squeeze %dma_start3A_325 : memref<1x128xi32, #tpu.memory_space<vmem>> -> memref<128xi32, #tpu.memory_space<vmem>>
        %dma_start3A_327 = arith.constant 0 : i32
        %dma_start3A_328 = arith.constant 0 : i32
        %dma_start3A_329 = tpu.memref_slice %arg14[%dma_start3A_327, %dma_start3A_328] : memref<10000x16xf32, #tpu.memory_space<vmem_shared>> -> memref<10000x16xf32, #tpu.memory_space<vmem_shared>>
        tpu.enqueue_indirect_dma source(%arg11 : memref<128x16xf32, #tpu.memory_space<vmem>>) target(%dma_start3A_329 : memref<10000x16xf32, #tpu.memory_space<vmem_shared>>) offsets(%dma_start3A_326 : memref<128xi32, #tpu.memory_space<vmem>>) semaphore(%arg17 : memref<!tpu.dma_semaphore, #tpu.memory_space<semaphore_mem>>) {add = true}
        %mul3A_330 = arith.constant 6 : i32
        %mul3A_331 = arith.muli %scan3A_250, %mul3A_330 : i32
        %add3A_332 = arith.constant 2 : i32
        %add3A_333 = arith.addi %mul3A_331, %add3A_332 : i32
        %dma_start3A_334 = arith.constant 256 : i32
        %dma_start3A_335 = arith.constant 0 : i32
        %dma_start3A_336 = tpu.memref_slice %arg9[%dma_start3A_334, %dma_start3A_335] : memref<768x16xf32, #tpu.memory_space<vmem>> -> memref<128x16xf32, #tpu.memory_space<vmem>>
        %dma_start3A_337 = arith.constant 0 : i32
        %dma_start3A_338 = tpu.memref_slice %arg6[%add3A_333, %dma_start3A_337] : memref<79x128xi32, #tpu.memory_space<vmem>> -> memref<1x128xi32, #tpu.memory_space<vmem>>
        %dma_start3A_339 = tpu.memref_squeeze %dma_start3A_338 : memref<1x128xi32, #tpu.memory_space<vmem>> -> memref<128xi32, #tpu.memory_space<vmem>>
        %dma_start3A_340 = arith.constant 0 : i32
        %dma_start3A_341 = arith.constant 0 : i32
        %dma_start3A_342 = tpu.memref_slice %arg13[%dma_start3A_340, %dma_start3A_341] : memref<10000x16xf32, #tpu.memory_space<vmem_shared>> -> memref<10000x16xf32, #tpu.memory_space<vmem_shared>>
        tpu.enqueue_indirect_dma source(%dma_start3A_336 : memref<128x16xf32, #tpu.memory_space<vmem>>) target(%dma_start3A_342 : memref<10000x16xf32, #tpu.memory_space<vmem_shared>>) offsets(%dma_start3A_339 : memref<128xi32, #tpu.memory_space<vmem>>) semaphore(%arg17 : memref<!tpu.dma_semaphore, #tpu.memory_space<semaphore_mem>>) {add = true}
        %dma_start3A_343 = arith.constant 0 : i32
        %dma_start3A_344 = tpu.memref_slice %arg6[%add3A_333, %dma_start3A_343] : memref<79x128xi32, #tpu.memory_space<vmem>> -> memref<1x128xi32, #tpu.memory_space<vmem>>
        %dma_start3A_345 = tpu.memref_squeeze %dma_start3A_344 : memref<1x128xi32, #tpu.memory_space<vmem>> -> memref<128xi32, #tpu.memory_space<vmem>>
        %dma_start3A_346 = arith.constant 0 : i32
        %dma_start3A_347 = arith.constant 0 : i32
        %dma_start3A_348 = tpu.memref_slice %arg14[%dma_start3A_346, %dma_start3A_347] : memref<10000x16xf32, #tpu.memory_space<vmem_shared>> -> memref<10000x16xf32, #tpu.memory_space<vmem_shared>>
        tpu.enqueue_indirect_dma source(%arg11 : memref<128x16xf32, #tpu.memory_space<vmem>>) target(%dma_start3A_348 : memref<10000x16xf32, #tpu.memory_space<vmem_shared>>) offsets(%dma_start3A_345 : memref<128xi32, #tpu.memory_space<vmem>>) semaphore(%arg17 : memref<!tpu.dma_semaphore, #tpu.memory_space<semaphore_mem>>) {add = true}
        %mul3A_349 = arith.constant 6 : i32
        %mul3A_350 = arith.muli %scan3A_250, %mul3A_349 : i32
        %add3A_351 = arith.constant 3 : i32
        %add3A_352 = arith.addi %mul3A_350, %add3A_351 : i32
        %dma_start3A_353 = arith.constant 384 : i32
        %dma_start3A_354 = arith.constant 0 : i32
        %dma_start3A_355 = tpu.memref_slice %arg9[%dma_start3A_353, %dma_start3A_354] : memref<768x16xf32, #tpu.memory_space<vmem>> -> memref<128x16xf32, #tpu.memory_space<vmem>>
        %dma_start3A_356 = arith.constant 0 : i32
        %dma_start3A_357 = tpu.memref_slice %arg6[%add3A_352, %dma_start3A_356] : memref<79x128xi32, #tpu.memory_space<vmem>> -> memref<1x128xi32, #tpu.memory_space<vmem>>
        %dma_start3A_358 = tpu.memref_squeeze %dma_start3A_357 : memref<1x128xi32, #tpu.memory_space<vmem>> -> memref<128xi32, #tpu.memory_space<vmem>>
        %dma_start3A_359 = arith.constant 0 : i32
        %dma_start3A_360 = arith.constant 0 : i32
        %dma_start3A_361 = tpu.memref_slice %arg13[%dma_start3A_359, %dma_start3A_360] : memref<10000x16xf32, #tpu.memory_space<vmem_shared>> -> memref<10000x16xf32, #tpu.memory_space<vmem_shared>>
        tpu.enqueue_indirect_dma source(%dma_start3A_355 : memref<128x16xf32, #tpu.memory_space<vmem>>) target(%dma_start3A_361 : memref<10000x16xf32, #tpu.memory_space<vmem_shared>>) offsets(%dma_start3A_358 : memref<128xi32, #tpu.memory_space<vmem>>) semaphore(%arg17 : memref<!tpu.dma_semaphore, #tpu.memory_space<semaphore_mem>>) {add = true}
        %dma_start3A_362 = arith.constant 0 : i32
        %dma_start3A_363 = tpu.memref_slice %arg6[%add3A_352, %dma_start3A_362] : memref<79x128xi32, #tpu.memory_space<vmem>> -> memref<1x128xi32, #tpu.memory_space<vmem>>
        %dma_start3A_364 = tpu.memref_squeeze %dma_start3A_363 : memref<1x128xi32, #tpu.memory_space<vmem>> -> memref<128xi32, #tpu.memory_space<vmem>>
        %dma_start3A_365 = arith.constant 0 : i32
        %dma_start3A_366 = arith.constant 0 : i32
        %dma_start3A_367 = tpu.memref_slice %arg14[%dma_start3A_365, %dma_start3A_366] : memref<10000x16xf32, #tpu.memory_space<vmem_shared>> -> memref<10000x16xf32, #tpu.memory_space<vmem_shared>>
        tpu.enqueue_indirect_dma source(%arg11 : memref<128x16xf32, #tpu.memory_space<vmem>>) target(%dma_start3A_367 : memref<10000x16xf32, #tpu.memory_space<vmem_shared>>) offsets(%dma_start3A_364 : memref<128xi32, #tpu.memory_space<vmem>>) semaphore(%arg17 : memref<!tpu.dma_semaphore, #tpu.memory_space<semaphore_mem>>) {add = true}
        %mul3A_368 = arith.constant 6 : i32
        %mul3A_369 = arith.muli %scan3A_250, %mul3A_368 : i32
        %add3A_370 = arith.constant 4 : i32
        %add3A_371 = arith.addi %mul3A_369, %add3A_370 : i32
        %dma_start3A_372 = arith.constant 512 : i32
        %dma_start3A_373 = arith.constant 0 : i32
        %dma_start3A_374 = tpu.memref_slice %arg9[%dma_start3A_372, %dma_start3A_373] : memref<768x16xf32, #tpu.memory_space<vmem>> -> memref<128x16xf32, #tpu.memory_space<vmem>>
        %dma_start3A_375 = arith.constant 0 : i32
        %dma_start3A_376 = tpu.memref_slice %arg6[%add3A_371, %dma_start3A_375] : memref<79x128xi32, #tpu.memory_space<vmem>> -> memref<1x128xi32, #tpu.memory_space<vmem>>
        %dma_start3A_377 = tpu.memref_squeeze %dma_start3A_376 : memref<1x128xi32, #tpu.memory_space<vmem>> -> memref<128xi32, #tpu.memory_space<vmem>>
        %dma_start3A_378 = arith.constant 0 : i32
        %dma_start3A_379 = arith.constant 0 : i32
        %dma_start3A_380 = tpu.memref_slice %arg13[%dma_start3A_378, %dma_start3A_379] : memref<10000x16xf32, #tpu.memory_space<vmem_shared>> -> memref<10000x16xf32, #tpu.memory_space<vmem_shared>>
        tpu.enqueue_indirect_dma source(%dma_start3A_374 : memref<128x16xf32, #tpu.memory_space<vmem>>) target(%dma_start3A_380 : memref<10000x16xf32, #tpu.memory_space<vmem_shared>>) offsets(%dma_start3A_377 : memref<128xi32, #tpu.memory_space<vmem>>) semaphore(%arg17 : memref<!tpu.dma_semaphore, #tpu.memory_space<semaphore_mem>>) {add = true}
        %dma_start3A_381 = arith.constant 0 : i32
        %dma_start3A_382 = tpu.memref_slice %arg6[%add3A_371, %dma_start3A_381] : memref<79x128xi32, #tpu.memory_space<vmem>> -> memref<1x128xi32, #tpu.memory_space<vmem>>
        %dma_start3A_383 = tpu.memref_squeeze %dma_start3A_382 : memref<1x128xi32, #tpu.memory_space<vmem>> -> memref<128xi32, #tpu.memory_space<vmem>>
        %dma_start3A_384 = arith.constant 0 : i32
        %dma_start3A_385 = arith.constant 0 : i32
        %dma_start3A_386 = tpu.memref_slice %arg14[%dma_start3A_384, %dma_start3A_385] : memref<10000x16xf32, #tpu.memory_space<vmem_shared>> -> memref<10000x16xf32, #tpu.memory_space<vmem_shared>>
        tpu.enqueue_indirect_dma source(%arg11 : memref<128x16xf32, #tpu.memory_space<vmem>>) target(%dma_start3A_386 : memref<10000x16xf32, #tpu.memory_space<vmem_shared>>) offsets(%dma_start3A_383 : memref<128xi32, #tpu.memory_space<vmem>>) semaphore(%arg17 : memref<!tpu.dma_semaphore, #tpu.memory_space<semaphore_mem>>) {add = true}
        %mul3A_387 = arith.constant 6 : i32
        %mul3A_388 = arith.muli %scan3A_250, %mul3A_387 : i32
        %add3A_389 = arith.constant 5 : i32
        %add3A_390 = arith.addi %mul3A_388, %add3A_389 : i32
        %dma_start3A_391 = arith.constant 640 : i32
        %dma_start3A_392 = arith.constant 0 : i32
        %dma_start3A_393 = tpu.memref_slice %arg9[%dma_start3A_391, %dma_start3A_392] : memref<768x16xf32, #tpu.memory_space<vmem>> -> memref<128x16xf32, #tpu.memory_space<vmem>>
        %dma_start3A_394 = arith.constant 0 : i32
        %dma_start3A_395 = tpu.memref_slice %arg6[%add3A_390, %dma_start3A_394] : memref<79x128xi32, #tpu.memory_space<vmem>> -> memref<1x128xi32, #tpu.memory_space<vmem>>
        %dma_start3A_396 = tpu.memref_squeeze %dma_start3A_395 : memref<1x128xi32, #tpu.memory_space<vmem>> -> memref<128xi32, #tpu.memory_space<vmem>>
        %dma_start3A_397 = arith.constant 0 : i32
        %dma_start3A_398 = arith.constant 0 : i32
        %dma_start3A_399 = tpu.memref_slice %arg13[%dma_start3A_397, %dma_start3A_398] : memref<10000x16xf32, #tpu.memory_space<vmem_shared>> -> memref<10000x16xf32, #tpu.memory_space<vmem_shared>>
        tpu.enqueue_indirect_dma source(%dma_start3A_393 : memref<128x16xf32, #tpu.memory_space<vmem>>) target(%dma_start3A_399 : memref<10000x16xf32, #tpu.memory_space<vmem_shared>>) offsets(%dma_start3A_396 : memref<128xi32, #tpu.memory_space<vmem>>) semaphore(%arg17 : memref<!tpu.dma_semaphore, #tpu.memory_space<semaphore_mem>>) {add = true}
        %dma_start3A_400 = arith.constant 0 : i32
        %dma_start3A_401 = tpu.memref_slice %arg6[%add3A_390, %dma_start3A_400] : memref<79x128xi32, #tpu.memory_space<vmem>> -> memref<1x128xi32, #tpu.memory_space<vmem>>
        %dma_start3A_402 = tpu.memref_squeeze %dma_start3A_401 : memref<1x128xi32, #tpu.memory_space<vmem>> -> memref<128xi32, #tpu.memory_space<vmem>>
        %dma_start3A_403 = arith.constant 0 : i32
        %dma_start3A_404 = arith.constant 0 : i32
        %dma_start3A_405 = tpu.memref_slice %arg14[%dma_start3A_403, %dma_start3A_404] : memref<10000x16xf32, #tpu.memory_space<vmem_shared>> -> memref<10000x16xf32, #tpu.memory_space<vmem_shared>>
        tpu.enqueue_indirect_dma source(%arg11 : memref<128x16xf32, #tpu.memory_space<vmem>>) target(%dma_start3A_405 : memref<10000x16xf32, #tpu.memory_space<vmem_shared>>) offsets(%dma_start3A_402 : memref<128xi32, #tpu.memory_space<vmem>>) semaphore(%arg17 : memref<!tpu.dma_semaphore, #tpu.memory_space<semaphore_mem>>) {add = true}
      } else {
      }
      %rem3A_264 = arith.constant 2 : i32
      %rem3A_265 = arith.remsi %scan3A_250, %rem3A_264 : i32
      %eq3A_266 = arith.constant 1 : i32
      %eq3A_267 = arith.cmpi eq, %rem3A_265, %eq3A_266 : i32
      %convert_element_type3A_268 = arith.extui %eq3A_267 : i1 to i32
      %cond3A_269 = arith.constant 0 : i32
      %cond3A_270 = arith.cmpi ne, %convert_element_type3A_268, %cond3A_269 : i32
      scf.if %cond3A_270 {
        %mul3A_271 = arith.constant 6 : i32
        %mul3A_272 = arith.muli %scan3A_250, %mul3A_271 : i32
        %add3A_273 = arith.addi %mul3A_18, %mul3A_272 : i32
        %dma_wait3A_274 = arith.constant 0 : i32
        %dma_wait3A_275 = arith.constant 0 : i32
        %dma_wait3A_276 = arith.constant 0 : i32
        %dma_wait3A_277 = tpu.memref_slice %arg2[%dma_wait3A_274, %add3A_273, %dma_wait3A_275, %dma_wait3A_276] : memref<2x2500x8x128xf32, #tpu.memory_space<hbm>> -> memref<2x6x8x128xf32, #tpu.memory_space<hbm>>
        %dma_wait3A_278 = arith.constant 0 : i32
        %dma_wait3A_279 = arith.constant 0 : i32
        %dma_wait3A_280 = arith.constant 0 : i32
        %dma_wait3A_281 = tpu.memref_slice %arg2[%dma_wait3A_278, %add3A_273, %dma_wait3A_279, %dma_wait3A_280] : memref<2x2500x8x128xf32, #tpu.memory_space<hbm>> -> memref<2x6x8x128xf32, #tpu.memory_space<hbm>>
        tpu.wait_dma2 semaphore(%arg16 : memref<!tpu.dma_semaphore, #tpu.memory_space<semaphore_mem>>) src(%dma_wait3A_281 : memref<2x6x8x128xf32, #tpu.memory_space<hbm>>) dst(%arg8 : memref<2x6x8x128xf32, #tpu.memory_space<vmem>>)
        %ge3A = arith.constant 2 : i32
        %ge3A_282 = arith.cmpi sge, %scan3A_250, %ge3A : i32
        %convert_element_type3A_283 = arith.extui %ge3A_282 : i1 to i32
        %cond3A_284 = arith.constant 0 : i32
        %cond3A_285 = arith.cmpi ne, %convert_element_type3A_283, %cond3A_284 : i32
        scf.if %cond3A_285 {
          %dma_wait3A_406 = arith.constant 0 : i32
          %dma_wait3A_407 = arith.constant 0 : i32
          %dma_wait3A_408 = arith.constant 0 : i32
          %dma_wait3A_409 = tpu.memref_slice %arg10[%dma_wait3A_407, %dma_wait3A_408] : memref<768x16xf32, #tpu.memory_space<vmem>> -> memref<128x16xf32, #tpu.memory_space<vmem>>
          %dma_wait3A_410 = arith.constant 0 : i32
          %dma_wait3A_411 = tpu.memref_slice %arg6[%dma_wait3A_406, %dma_wait3A_410] : memref<79x128xi32, #tpu.memory_space<vmem>> -> memref<1x128xi32, #tpu.memory_space<vmem>>
          %dma_wait3A_412 = tpu.memref_squeeze %dma_wait3A_411 : memref<1x128xi32, #tpu.memory_space<vmem>> -> memref<128xi32, #tpu.memory_space<vmem>>
          %dma_wait3A_413 = arith.constant 0 : i32
          %dma_wait3A_414 = arith.constant 0 : i32
          %dma_wait3A_415 = tpu.memref_slice %arg13[%dma_wait3A_413, %dma_wait3A_414] : memref<10000x16xf32, #tpu.memory_space<vmem_shared>> -> memref<10000x16xf32, #tpu.memory_space<vmem_shared>>
          tpu.wait_indirect_dma semaphore(%arg18 : memref<!tpu.dma_semaphore, #tpu.memory_space<semaphore_mem>>) src(%dma_wait3A_409 : memref<128x16xf32, #tpu.memory_space<vmem>>) dst(%dma_wait3A_415 : memref<10000x16xf32, #tpu.memory_space<vmem_shared>>)
          %dma_wait3A_416 = arith.constant 0 : i32
          %dma_wait3A_417 = arith.constant 0 : i32
          %dma_wait3A_418 = tpu.memref_slice %arg6[%dma_wait3A_416, %dma_wait3A_417] : memref<79x128xi32, #tpu.memory_space<vmem>> -> memref<1x128xi32, #tpu.memory_space<vmem>>
          %dma_wait3A_419 = tpu.memref_squeeze %dma_wait3A_418 : memref<1x128xi32, #tpu.memory_space<vmem>> -> memref<128xi32, #tpu.memory_space<vmem>>
          %dma_wait3A_420 = arith.constant 0 : i32
          %dma_wait3A_421 = arith.constant 0 : i32
          %dma_wait3A_422 = tpu.memref_slice %arg14[%dma_wait3A_420, %dma_wait3A_421] : memref<10000x16xf32, #tpu.memory_space<vmem_shared>> -> memref<10000x16xf32, #tpu.memory_space<vmem_shared>>
          tpu.wait_indirect_dma semaphore(%arg18 : memref<!tpu.dma_semaphore, #tpu.memory_space<semaphore_mem>>) src(%arg11 : memref<128x16xf32, #tpu.memory_space<vmem>>) dst(%dma_wait3A_422 : memref<10000x16xf32, #tpu.memory_space<vmem_shared>>)
          %dma_wait3A_423 = arith.constant 0 : i32
          %dma_wait3A_424 = arith.constant 0 : i32
          %dma_wait3A_425 = arith.constant 0 : i32
          %dma_wait3A_426 = tpu.memref_slice %arg10[%dma_wait3A_424, %dma_wait3A_425] : memref<768x16xf32, #tpu.memory_space<vmem>> -> memref<128x16xf32, #tpu.memory_space<vmem>>
          %dma_wait3A_427 = arith.constant 0 : i32
          %dma_wait3A_428 = tpu.memref_slice %arg6[%dma_wait3A_423, %dma_wait3A_427] : memref<79x128xi32, #tpu.memory_space<vmem>> -> memref<1x128xi32, #tpu.memory_space<vmem>>
          %dma_wait3A_429 = tpu.memref_squeeze %dma_wait3A_428 : memref<1x128xi32, #tpu.memory_space<vmem>> -> memref<128xi32, #tpu.memory_space<vmem>>
          %dma_wait3A_430 = arith.constant 0 : i32
          %dma_wait3A_431 = arith.constant 0 : i32
          %dma_wait3A_432 = tpu.memref_slice %arg13[%dma_wait3A_430, %dma_wait3A_431] : memref<10000x16xf32, #tpu.memory_space<vmem_shared>> -> memref<10000x16xf32, #tpu.memory_space<vmem_shared>>
          tpu.wait_indirect_dma semaphore(%arg18 : memref<!tpu.dma_semaphore, #tpu.memory_space<semaphore_mem>>) src(%dma_wait3A_426 : memref<128x16xf32, #tpu.memory_space<vmem>>) dst(%dma_wait3A_432 : memref<10000x16xf32, #tpu.memory_space<vmem_shared>>)
          %dma_wait3A_433 = arith.constant 0 : i32
          %dma_wait3A_434 = arith.constant 0 : i32
          %dma_wait3A_435 = tpu.memref_slice %arg6[%dma_wait3A_433, %dma_wait3A_434] : memref<79x128xi32, #tpu.memory_space<vmem>> -> memref<1x128xi32, #tpu.memory_space<vmem>>
          %dma_wait3A_436 = tpu.memref_squeeze %dma_wait3A_435 : memref<1x128xi32, #tpu.memory_space<vmem>> -> memref<128xi32, #tpu.memory_space<vmem>>
          %dma_wait3A_437 = arith.constant 0 : i32
          %dma_wait3A_438 = arith.constant 0 : i32
          %dma_wait3A_439 = tpu.memref_slice %arg14[%dma_wait3A_437, %dma_wait3A_438] : memref<10000x16xf32, #tpu.memory_space<vmem_shared>> -> memref<10000x16xf32, #tpu.memory_space<vmem_shared>>
          tpu.wait_indirect_dma semaphore(%arg18 : memref<!tpu.dma_semaphore, #tpu.memory_space<semaphore_mem>>) src(%arg11 : memref<128x16xf32, #tpu.memory_space<vmem>>) dst(%dma_wait3A_439 : memref<10000x16xf32, #tpu.memory_space<vmem_shared>>)
          %dma_wait3A_440 = arith.constant 0 : i32
          %dma_wait3A_441 = arith.constant 0 : i32
          %dma_wait3A_442 = arith.constant 0 : i32
          %dma_wait3A_443 = tpu.memref_slice %arg10[%dma_wait3A_441, %dma_wait3A_442] : memref<768x16xf32, #tpu.memory_space<vmem>> -> memref<128x16xf32, #tpu.memory_space<vmem>>
          %dma_wait3A_444 = arith.constant 0 : i32
          %dma_wait3A_445 = tpu.memref_slice %arg6[%dma_wait3A_440, %dma_wait3A_444] : memref<79x128xi32, #tpu.memory_space<vmem>> -> memref<1x128xi32, #tpu.memory_space<vmem>>
          %dma_wait3A_446 = tpu.memref_squeeze %dma_wait3A_445 : memref<1x128xi32, #tpu.memory_space<vmem>> -> memref<128xi32, #tpu.memory_space<vmem>>
          %dma_wait3A_447 = arith.constant 0 : i32
          %dma_wait3A_448 = arith.constant 0 : i32
          %dma_wait3A_449 = tpu.memref_slice %arg13[%dma_wait3A_447, %dma_wait3A_448] : memref<10000x16xf32, #tpu.memory_space<vmem_shared>> -> memref<10000x16xf32, #tpu.memory_space<vmem_shared>>
          tpu.wait_indirect_dma semaphore(%arg18 : memref<!tpu.dma_semaphore, #tpu.memory_space<semaphore_mem>>) src(%dma_wait3A_443 : memref<128x16xf32, #tpu.memory_space<vmem>>) dst(%dma_wait3A_449 : memref<10000x16xf32, #tpu.memory_space<vmem_shared>>)
          %dma_wait3A_450 = arith.constant 0 : i32
          %dma_wait3A_451 = arith.constant 0 : i32
          %dma_wait3A_452 = tpu.memref_slice %arg6[%dma_wait3A_450, %dma_wait3A_451] : memref<79x128xi32, #tpu.memory_space<vmem>> -> memref<1x128xi32, #tpu.memory_space<vmem>>
          %dma_wait3A_453 = tpu.memref_squeeze %dma_wait3A_452 : memref<1x128xi32, #tpu.memory_space<vmem>> -> memref<128xi32, #tpu.memory_space<vmem>>
          %dma_wait3A_454 = arith.constant 0 : i32
          %dma_wait3A_455 = arith.constant 0 : i32
          %dma_wait3A_456 = tpu.memref_slice %arg14[%dma_wait3A_454, %dma_wait3A_455] : memref<10000x16xf32, #tpu.memory_space<vmem_shared>> -> memref<10000x16xf32, #tpu.memory_space<vmem_shared>>
          tpu.wait_indirect_dma semaphore(%arg18 : memref<!tpu.dma_semaphore, #tpu.memory_space<semaphore_mem>>) src(%arg11 : memref<128x16xf32, #tpu.memory_space<vmem>>) dst(%dma_wait3A_456 : memref<10000x16xf32, #tpu.memory_space<vmem_shared>>)
          %dma_wait3A_457 = arith.constant 0 : i32
          %dma_wait3A_458 = arith.constant 0 : i32
          %dma_wait3A_459 = arith.constant 0 : i32
          %dma_wait3A_460 = tpu.memref_slice %arg10[%dma_wait3A_458, %dma_wait3A_459] : memref<768x16xf32, #tpu.memory_space<vmem>> -> memref<128x16xf32, #tpu.memory_space<vmem>>
          %dma_wait3A_461 = arith.constant 0 : i32
          %dma_wait3A_462 = tpu.memref_slice %arg6[%dma_wait3A_457, %dma_wait3A_461] : memref<79x128xi32, #tpu.memory_space<vmem>> -> memref<1x128xi32, #tpu.memory_space<vmem>>
          %dma_wait3A_463 = tpu.memref_squeeze %dma_wait3A_462 : memref<1x128xi32, #tpu.memory_space<vmem>> -> memref<128xi32, #tpu.memory_space<vmem>>
          %dma_wait3A_464 = arith.constant 0 : i32
          %dma_wait3A_465 = arith.constant 0 : i32
          %dma_wait3A_466 = tpu.memref_slice %arg13[%dma_wait3A_464, %dma_wait3A_465] : memref<10000x16xf32, #tpu.memory_space<vmem_shared>> -> memref<10000x16xf32, #tpu.memory_space<vmem_shared>>
          tpu.wait_indirect_dma semaphore(%arg18 : memref<!tpu.dma_semaphore, #tpu.memory_space<semaphore_mem>>) src(%dma_wait3A_460 : memref<128x16xf32, #tpu.memory_space<vmem>>) dst(%dma_wait3A_466 : memref<10000x16xf32, #tpu.memory_space<vmem_shared>>)
          %dma_wait3A_467 = arith.constant 0 : i32
          %dma_wait3A_468 = arith.constant 0 : i32
          %dma_wait3A_469 = tpu.memref_slice %arg6[%dma_wait3A_467, %dma_wait3A_468] : memref<79x128xi32, #tpu.memory_space<vmem>> -> memref<1x128xi32, #tpu.memory_space<vmem>>
          %dma_wait3A_470 = tpu.memref_squeeze %dma_wait3A_469 : memref<1x128xi32, #tpu.memory_space<vmem>> -> memref<128xi32, #tpu.memory_space<vmem>>
          %dma_wait3A_471 = arith.constant 0 : i32
          %dma_wait3A_472 = arith.constant 0 : i32
          %dma_wait3A_473 = tpu.memref_slice %arg14[%dma_wait3A_471, %dma_wait3A_472] : memref<10000x16xf32, #tpu.memory_space<vmem_shared>> -> memref<10000x16xf32, #tpu.memory_space<vmem_shared>>
          tpu.wait_indirect_dma semaphore(%arg18 : memref<!tpu.dma_semaphore, #tpu.memory_space<semaphore_mem>>) src(%arg11 : memref<128x16xf32, #tpu.memory_space<vmem>>) dst(%dma_wait3A_473 : memref<10000x16xf32, #tpu.memory_space<vmem_shared>>)
          %dma_wait3A_474 = arith.constant 0 : i32
          %dma_wait3A_475 = arith.constant 0 : i32
          %dma_wait3A_476 = arith.constant 0 : i32
          %dma_wait3A_477 = tpu.memref_slice %arg10[%dma_wait3A_475, %dma_wait3A_476] : memref<768x16xf32, #tpu.memory_space<vmem>> -> memref<128x16xf32, #tpu.memory_space<vmem>>
          %dma_wait3A_478 = arith.constant 0 : i32
          %dma_wait3A_479 = tpu.memref_slice %arg6[%dma_wait3A_474, %dma_wait3A_478] : memref<79x128xi32, #tpu.memory_space<vmem>> -> memref<1x128xi32, #tpu.memory_space<vmem>>
          %dma_wait3A_480 = tpu.memref_squeeze %dma_wait3A_479 : memref<1x128xi32, #tpu.memory_space<vmem>> -> memref<128xi32, #tpu.memory_space<vmem>>
          %dma_wait3A_481 = arith.constant 0 : i32
          %dma_wait3A_482 = arith.constant 0 : i32
          %dma_wait3A_483 = tpu.memref_slice %arg13[%dma_wait3A_481, %dma_wait3A_482] : memref<10000x16xf32, #tpu.memory_space<vmem_shared>> -> memref<10000x16xf32, #tpu.memory_space<vmem_shared>>
          tpu.wait_indirect_dma semaphore(%arg18 : memref<!tpu.dma_semaphore, #tpu.memory_space<semaphore_mem>>) src(%dma_wait3A_477 : memref<128x16xf32, #tpu.memory_space<vmem>>) dst(%dma_wait3A_483 : memref<10000x16xf32, #tpu.memory_space<vmem_shared>>)
          %dma_wait3A_484 = arith.constant 0 : i32
          %dma_wait3A_485 = arith.constant 0 : i32
          %dma_wait3A_486 = tpu.memref_slice %arg6[%dma_wait3A_484, %dma_wait3A_485] : memref<79x128xi32, #tpu.memory_space<vmem>> -> memref<1x128xi32, #tpu.memory_space<vmem>>
          %dma_wait3A_487 = tpu.memref_squeeze %dma_wait3A_486 : memref<1x128xi32, #tpu.memory_space<vmem>> -> memref<128xi32, #tpu.memory_space<vmem>>
          %dma_wait3A_488 = arith.constant 0 : i32
          %dma_wait3A_489 = arith.constant 0 : i32
          %dma_wait3A_490 = tpu.memref_slice %arg14[%dma_wait3A_488, %dma_wait3A_489] : memref<10000x16xf32, #tpu.memory_space<vmem_shared>> -> memref<10000x16xf32, #tpu.memory_space<vmem_shared>>
          tpu.wait_indirect_dma semaphore(%arg18 : memref<!tpu.dma_semaphore, #tpu.memory_space<semaphore_mem>>) src(%arg11 : memref<128x16xf32, #tpu.memory_space<vmem>>) dst(%dma_wait3A_490 : memref<10000x16xf32, #tpu.memory_space<vmem_shared>>)
          %dma_wait3A_491 = arith.constant 0 : i32
          %dma_wait3A_492 = arith.constant 0 : i32
          %dma_wait3A_493 = arith.constant 0 : i32
          %dma_wait3A_494 = tpu.memref_slice %arg10[%dma_wait3A_492, %dma_wait3A_493] : memref<768x16xf32, #tpu.memory_space<vmem>> -> memref<128x16xf32, #tpu.memory_space<vmem>>
          %dma_wait3A_495 = arith.constant 0 : i32
          %dma_wait3A_496 = tpu.memref_slice %arg6[%dma_wait3A_491, %dma_wait3A_495] : memref<79x128xi32, #tpu.memory_space<vmem>> -> memref<1x128xi32, #tpu.memory_space<vmem>>
          %dma_wait3A_497 = tpu.memref_squeeze %dma_wait3A_496 : memref<1x128xi32, #tpu.memory_space<vmem>> -> memref<128xi32, #tpu.memory_space<vmem>>
          %dma_wait3A_498 = arith.constant 0 : i32
          %dma_wait3A_499 = arith.constant 0 : i32
          %dma_wait3A_500 = tpu.memref_slice %arg13[%dma_wait3A_498, %dma_wait3A_499] : memref<10000x16xf32, #tpu.memory_space<vmem_shared>> -> memref<10000x16xf32, #tpu.memory_space<vmem_shared>>
          tpu.wait_indirect_dma semaphore(%arg18 : memref<!tpu.dma_semaphore, #tpu.memory_space<semaphore_mem>>) src(%dma_wait3A_494 : memref<128x16xf32, #tpu.memory_space<vmem>>) dst(%dma_wait3A_500 : memref<10000x16xf32, #tpu.memory_space<vmem_shared>>)
          %dma_wait3A_501 = arith.constant 0 : i32
          %dma_wait3A_502 = arith.constant 0 : i32
          %dma_wait3A_503 = tpu.memref_slice %arg6[%dma_wait3A_501, %dma_wait3A_502] : memref<79x128xi32, #tpu.memory_space<vmem>> -> memref<1x128xi32, #tpu.memory_space<vmem>>
          %dma_wait3A_504 = tpu.memref_squeeze %dma_wait3A_503 : memref<1x128xi32, #tpu.memory_space<vmem>> -> memref<128xi32, #tpu.memory_space<vmem>>
          %dma_wait3A_505 = arith.constant 0 : i32
          %dma_wait3A_506 = arith.constant 0 : i32
          %dma_wait3A_507 = tpu.memref_slice %arg14[%dma_wait3A_505, %dma_wait3A_506] : memref<10000x16xf32, #tpu.memory_space<vmem_shared>> -> memref<10000x16xf32, #tpu.memory_space<vmem_shared>>
          tpu.wait_indirect_dma semaphore(%arg18 : memref<!tpu.dma_semaphore, #tpu.memory_space<semaphore_mem>>) src(%arg11 : memref<128x16xf32, #tpu.memory_space<vmem>>) dst(%dma_wait3A_507 : memref<10000x16xf32, #tpu.memory_space<vmem_shared>>)
        } else {
        }
        %scan3A_286 = arith.constant 0 : i32
        %scan3A_287 = arith.constant 0 : i32
        %scan3A_288 = arith.constant 48 : i32
        %scan3A_289 = arith.addi %scan3A_287, %scan3A_288 : i32
        %scan3A_290 = arith.constant 1 : i32
        scf.for %scan3A_406 = %scan3A_287 to %scan3A_289 step %scan3A_290  : i32 {
          %jit3A = arith.constant 8 : i32
          %div3A = arith.divsi %scan3A_406, %jit3A : i32
          %sign3A = arith.constant 0 : i32
          %sign3A_407 = arith.cmpi sgt, %scan3A_406, %sign3A : i32
          %sign3A_408 = arith.extui %sign3A_407 : i1 to i32
          %sign3A_409 = arith.constant 0 : i32
          %sign3A_410 = arith.cmpi slt, %scan3A_406, %sign3A_409 : i32
          %sign3A_411 = arith.extui %sign3A_410 : i1 to i32
          %sign3A_412 = arith.subi %sign3A_408, %sign3A_411 : i32
          %sign3A_413 = arith.constant 0 : i32
          %sign3A_414 = arith.cmpi sgt, %jit3A, %sign3A_413 : i32
          %sign3A_415 = arith.extui %sign3A_414 : i1 to i32
          %sign3A_416 = arith.constant 0 : i32
          %sign3A_417 = arith.cmpi slt, %jit3A, %sign3A_416 : i32
          %sign3A_418 = arith.extui %sign3A_417 : i1 to i32
          %sign3A_419 = arith.subi %sign3A_415, %sign3A_418 : i32
          %ne3A = arith.cmpi ne, %sign3A_412, %sign3A_419 : i32
          %rem3A_420 = arith.remsi %scan3A_406, %jit3A : i32
          %ne3A_421 = arith.constant 0 : i32
          %ne3A_422 = arith.cmpi ne, %rem3A_420, %ne3A_421 : i32
          %and3A = arith.andi %ne3A, %ne3A_422 : i1
          %sub3A = arith.constant 1 : i32
          %sub3A_423 = arith.subi %div3A, %sub3A : i32
          %select_n3A = arith.select %and3A, %sub3A_423, %div3A : i32
          %rem3A_424 = arith.constant 8 : i32
          %rem3A_425 = arith.remsi %scan3A_406, %rem3A_424 : i32
          %mul3A_426 = arith.constant 16 : i32
          %mul3A_427 = arith.muli %scan3A_406, %mul3A_426 : i32
          %add3A_428 = vector.broadcast %mul3A_427 : i32 to vector<16xi32>
          %add3A_429 = arith.addi %add3A_428, %iota3A : vector<16xi32>
          %mul3A_430 = arith.constant 16 : i32
          %mul3A_431 = arith.muli %rem3A_425, %mul3A_430 : i32
          %get3A = arith.constant 0 : i32
          %get3A_432 = arith.constant 0 : i32
          %get3A_433 = arith.index_cast %get3A : i32 to index
          %get3A_434 = arith.index_cast %select_n3A : i32 to index
          %get3A_435 = arith.index_cast %get3A_432 : i32 to index
          %get3A_436 = arith.index_cast %mul3A_431 : i32 to index
          %get3A_437 = tpu.vector_load %arg8[%get3A_433, %get3A_434, %get3A_435, %get3A_436] {strides = array<i32>} : memref<2x6x8x128xf32, #tpu.memory_space<vmem>>, vector<16xf32>,
          %broadcast_in_dim3A_438 = arith.constant 0 : i32
          %broadcast_in_dim3A_439 = vector.broadcast %broadcast_in_dim3A_438 : i32 to vector<16xi32>
          tpu.vector_store_idx %arg10[%add3A_429, %broadcast_in_dim3A_439], %get3A_437 : memref<768x16xf32, #tpu.memory_space<vmem>>[vector<16xi32>, vector<16xi32>], vector<16xf32>,
          %mul3A_440 = arith.constant 16 : i32
          %mul3A_441 = arith.muli %rem3A_425, %mul3A_440 : i32
          %get3A_442 = arith.constant 0 : i32
          %get3A_443 = arith.constant 1 : i32
          %get3A_444 = arith.index_cast %get3A_442 : i32 to index
          %get3A_445 = arith.index_cast %select_n3A : i32 to index
          %get3A_446 = arith.index_cast %get3A_443 : i32 to index
          %get3A_447 = arith.index_cast %mul3A_441 : i32 to index
          %get3A_448 = tpu.vector_load %arg8[%get3A_444, %get3A_445, %get3A_446, %get3A_447] {strides = array<i32>} : memref<2x6x8x128xf32, #tpu.memory_space<vmem>>, vector<16xf32>,
          %broadcast_in_dim3A_449 = arith.constant 1 : i32
          %broadcast_in_dim3A_450 = vector.broadcast %broadcast_in_dim3A_449 : i32 to vector<16xi32>
          tpu.vector_store_idx %arg10[%add3A_429, %broadcast_in_dim3A_450], %get3A_448 : memref<768x16xf32, #tpu.memory_space<vmem>>[vector<16xi32>, vector<16xi32>], vector<16xf32>,
          %mul3A_451 = arith.constant 16 : i32
          %mul3A_452 = arith.muli %rem3A_425, %mul3A_451 : i32
          %get3A_453 = arith.constant 0 : i32
          %get3A_454 = arith.constant 2 : i32
          %get3A_455 = arith.index_cast %get3A_453 : i32 to index
          %get3A_456 = arith.index_cast %select_n3A : i32 to index
          %get3A_457 = arith.index_cast %get3A_454 : i32 to index
          %get3A_458 = arith.index_cast %mul3A_452 : i32 to index
          %get3A_459 = tpu.vector_load %arg8[%get3A_455, %get3A_456, %get3A_457, %get3A_458] {strides = array<i32>} : memref<2x6x8x128xf32, #tpu.memory_space<vmem>>, vector<16xf32>,
          %broadcast_in_dim3A_460 = arith.constant 2 : i32
          %broadcast_in_dim3A_461 = vector.broadcast %broadcast_in_dim3A_460 : i32 to vector<16xi32>
          tpu.vector_store_idx %arg10[%add3A_429, %broadcast_in_dim3A_461], %get3A_459 : memref<768x16xf32, #tpu.memory_space<vmem>>[vector<16xi32>, vector<16xi32>], vector<16xf32>,
          %mul3A_462 = arith.constant 16 : i32
          %mul3A_463 = arith.muli %rem3A_425, %mul3A_462 : i32
          %get3A_464 = arith.constant 0 : i32
          %get3A_465 = arith.constant 3 : i32
          %get3A_466 = arith.index_cast %get3A_464 : i32 to index
          %get3A_467 = arith.index_cast %select_n3A : i32 to index
          %get3A_468 = arith.index_cast %get3A_465 : i32 to index
          %get3A_469 = arith.index_cast %mul3A_463 : i32 to index
          %get3A_470 = tpu.vector_load %arg8[%get3A_466, %get3A_467, %get3A_468, %get3A_469] {strides = array<i32>} : memref<2x6x8x128xf32, #tpu.memory_space<vmem>>, vector<16xf32>,
          %broadcast_in_dim3A_471 = arith.constant 3 : i32
          %broadcast_in_dim3A_472 = vector.broadcast %broadcast_in_dim3A_471 : i32 to vector<16xi32>
          tpu.vector_store_idx %arg10[%add3A_429, %broadcast_in_dim3A_472], %get3A_470 : memref<768x16xf32, #tpu.memory_space<vmem>>[vector<16xi32>, vector<16xi32>], vector<16xf32>,
          %mul3A_473 = arith.constant 16 : i32
          %mul3A_474 = arith.muli %rem3A_425, %mul3A_473 : i32
          %get3A_475 = arith.constant 0 : i32
          %get3A_476 = arith.constant 4 : i32
          %get3A_477 = arith.index_cast %get3A_475 : i32 to index
          %get3A_478 = arith.index_cast %select_n3A : i32 to index
          %get3A_479 = arith.index_cast %get3A_476 : i32 to index
          %get3A_480 = arith.index_cast %mul3A_474 : i32 to index
          %get3A_481 = tpu.vector_load %arg8[%get3A_477, %get3A_478, %get3A_479, %get3A_480] {strides = array<i32>} : memref<2x6x8x128xf32, #tpu.memory_space<vmem>>, vector<16xf32>,
          %broadcast_in_dim3A_482 = arith.constant 4 : i32
          %broadcast_in_dim3A_483 = vector.broadcast %broadcast_in_dim3A_482 : i32 to vector<16xi32>
          tpu.vector_store_idx %arg10[%add3A_429, %broadcast_in_dim3A_483], %get3A_481 : memref<768x16xf32, #tpu.memory_space<vmem>>[vector<16xi32>, vector<16xi32>], vector<16xf32>,
          %mul3A_484 = arith.constant 16 : i32
          %mul3A_485 = arith.muli %rem3A_425, %mul3A_484 : i32
          %get3A_486 = arith.constant 0 : i32
          %get3A_487 = arith.constant 5 : i32
          %get3A_488 = arith.index_cast %get3A_486 : i32 to index
          %get3A_489 = arith.index_cast %select_n3A : i32 to index
          %get3A_490 = arith.index_cast %get3A_487 : i32 to index
          %get3A_491 = arith.index_cast %mul3A_485 : i32 to index
          %get3A_492 = tpu.vector_load %arg8[%get3A_488, %get3A_489, %get3A_490, %get3A_491] {strides = array<i32>} : memref<2x6x8x128xf32, #tpu.memory_space<vmem>>, vector<16xf32>,
          %broadcast_in_dim3A_493 = arith.constant 5 : i32
          %broadcast_in_dim3A_494 = vector.broadcast %broadcast_in_dim3A_493 : i32 to vector<16xi32>
          tpu.vector_store_idx %arg10[%add3A_429, %broadcast_in_dim3A_494], %get3A_492 : memref<768x16xf32, #tpu.memory_space<vmem>>[vector<16xi32>, vector<16xi32>], vector<16xf32>,
          %mul3A_495 = arith.constant 16 : i32
          %mul3A_496 = arith.muli %rem3A_425, %mul3A_495 : i32
          %get3A_497 = arith.constant 0 : i32
          %get3A_498 = arith.constant 6 : i32
          %get3A_499 = arith.index_cast %get3A_497 : i32 to index
          %get3A_500 = arith.index_cast %select_n3A : i32 to index
          %get3A_501 = arith.index_cast %get3A_498 : i32 to index
          %get3A_502 = arith.index_cast %mul3A_496 : i32 to index
          %get3A_503 = tpu.vector_load %arg8[%get3A_499, %get3A_500, %get3A_501, %get3A_502] {strides = array<i32>} : memref<2x6x8x128xf32, #tpu.memory_space<vmem>>, vector<16xf32>,
          %broadcast_in_dim3A_504 = arith.constant 6 : i32
          %broadcast_in_dim3A_505 = vector.broadcast %broadcast_in_dim3A_504 : i32 to vector<16xi32>
          tpu.vector_store_idx %arg10[%add3A_429, %broadcast_in_dim3A_505], %get3A_503 : memref<768x16xf32, #tpu.memory_space<vmem>>[vector<16xi32>, vector<16xi32>], vector<16xf32>,
          %mul3A_506 = arith.constant 16 : i32
          %mul3A_507 = arith.muli %rem3A_425, %mul3A_506 : i32
          %get3A_508 = arith.constant 0 : i32
          %get3A_509 = arith.constant 7 : i32
          %get3A_510 = arith.index_cast %get3A_508 : i32 to index
          %get3A_511 = arith.index_cast %select_n3A : i32 to index
          %get3A_512 = arith.index_cast %get3A_509 : i32 to index
          %get3A_513 = arith.index_cast %mul3A_507 : i32 to index
          %get3A_514 = tpu.vector_load %arg8[%get3A_510, %get3A_511, %get3A_512, %get3A_513] {strides = array<i32>} : memref<2x6x8x128xf32, #tpu.memory_space<vmem>>, vector<16xf32>,
          %broadcast_in_dim3A_515 = arith.constant 7 : i32
          %broadcast_in_dim3A_516 = vector.broadcast %broadcast_in_dim3A_515 : i32 to vector<16xi32>
          tpu.vector_store_idx %arg10[%add3A_429, %broadcast_in_dim3A_516], %get3A_514 : memref<768x16xf32, #tpu.memory_space<vmem>>[vector<16xi32>, vector<16xi32>], vector<16xf32>,
          %mul3A_517 = arith.constant 16 : i32
          %mul3A_518 = arith.muli %rem3A_425, %mul3A_517 : i32
          %get3A_519 = arith.constant 1 : i32
          %get3A_520 = arith.constant 0 : i32
          %get3A_521 = arith.index_cast %get3A_519 : i32 to index
          %get3A_522 = arith.index_cast %select_n3A : i32 to index
          %get3A_523 = arith.index_cast %get3A_520 : i32 to index
          %get3A_524 = arith.index_cast %mul3A_518 : i32 to index
          %get3A_525 = tpu.vector_load %arg8[%get3A_521, %get3A_522, %get3A_523, %get3A_524] {strides = array<i32>} : memref<2x6x8x128xf32, #tpu.memory_space<vmem>>, vector<16xf32>,
          %broadcast_in_dim3A_526 = arith.constant 8 : i32
          %broadcast_in_dim3A_527 = vector.broadcast %broadcast_in_dim3A_526 : i32 to vector<16xi32>
          tpu.vector_store_idx %arg10[%add3A_429, %broadcast_in_dim3A_527], %get3A_525 : memref<768x16xf32, #tpu.memory_space<vmem>>[vector<16xi32>, vector<16xi32>], vector<16xf32>,
          %mul3A_528 = arith.constant 16 : i32
          %mul3A_529 = arith.muli %rem3A_425, %mul3A_528 : i32
          %get3A_530 = arith.constant 1 : i32
          %get3A_531 = arith.constant 1 : i32
          %get3A_532 = arith.index_cast %get3A_530 : i32 to index
          %get3A_533 = arith.index_cast %select_n3A : i32 to index
          %get3A_534 = arith.index_cast %get3A_531 : i32 to index
          %get3A_535 = arith.index_cast %mul3A_529 : i32 to index
          %get3A_536 = tpu.vector_load %arg8[%get3A_532, %get3A_533, %get3A_534, %get3A_535] {strides = array<i32>} : memref<2x6x8x128xf32, #tpu.memory_space<vmem>>, vector<16xf32>,
          %broadcast_in_dim3A_537 = arith.constant 9 : i32
          %broadcast_in_dim3A_538 = vector.broadcast %broadcast_in_dim3A_537 : i32 to vector<16xi32>
          tpu.vector_store_idx %arg10[%add3A_429, %broadcast_in_dim3A_538], %get3A_536 : memref<768x16xf32, #tpu.memory_space<vmem>>[vector<16xi32>, vector<16xi32>], vector<16xf32>,
          %mul3A_539 = arith.constant 16 : i32
          %mul3A_540 = arith.muli %rem3A_425, %mul3A_539 : i32
          %get3A_541 = arith.constant 1 : i32
          %get3A_542 = arith.constant 2 : i32
          %get3A_543 = arith.index_cast %get3A_541 : i32 to index
          %get3A_544 = arith.index_cast %select_n3A : i32 to index
          %get3A_545 = arith.index_cast %get3A_542 : i32 to index
          %get3A_546 = arith.index_cast %mul3A_540 : i32 to index
          %get3A_547 = tpu.vector_load %arg8[%get3A_543, %get3A_544, %get3A_545, %get3A_546] {strides = array<i32>} : memref<2x6x8x128xf32, #tpu.memory_space<vmem>>, vector<16xf32>,
          %broadcast_in_dim3A_548 = arith.constant 10 : i32
          %broadcast_in_dim3A_549 = vector.broadcast %broadcast_in_dim3A_548 : i32 to vector<16xi32>
          tpu.vector_store_idx %arg10[%add3A_429, %broadcast_in_dim3A_549], %get3A_547 : memref<768x16xf32, #tpu.memory_space<vmem>>[vector<16xi32>, vector<16xi32>], vector<16xf32>,
          %mul3A_550 = arith.constant 16 : i32
          %mul3A_551 = arith.muli %rem3A_425, %mul3A_550 : i32
          %get3A_552 = arith.constant 1 : i32
          %get3A_553 = arith.constant 3 : i32
          %get3A_554 = arith.index_cast %get3A_552 : i32 to index
          %get3A_555 = arith.index_cast %select_n3A : i32 to index
          %get3A_556 = arith.index_cast %get3A_553 : i32 to index
          %get3A_557 = arith.index_cast %mul3A_551 : i32 to index
          %get3A_558 = tpu.vector_load %arg8[%get3A_554, %get3A_555, %get3A_556, %get3A_557] {strides = array<i32>} : memref<2x6x8x128xf32, #tpu.memory_space<vmem>>, vector<16xf32>,
          %broadcast_in_dim3A_559 = arith.constant 11 : i32
          %broadcast_in_dim3A_560 = vector.broadcast %broadcast_in_dim3A_559 : i32 to vector<16xi32>
          tpu.vector_store_idx %arg10[%add3A_429, %broadcast_in_dim3A_560], %get3A_558 : memref<768x16xf32, #tpu.memory_space<vmem>>[vector<16xi32>, vector<16xi32>], vector<16xf32>,
          %mul3A_561 = arith.constant 16 : i32
          %mul3A_562 = arith.muli %rem3A_425, %mul3A_561 : i32
          %get3A_563 = arith.constant 1 : i32
          %get3A_564 = arith.constant 4 : i32
          %get3A_565 = arith.index_cast %get3A_563 : i32 to index
          %get3A_566 = arith.index_cast %select_n3A : i32 to index
          %get3A_567 = arith.index_cast %get3A_564 : i32 to index
          %get3A_568 = arith.index_cast %mul3A_562 : i32 to index
          %get3A_569 = tpu.vector_load %arg8[%get3A_565, %get3A_566, %get3A_567, %get3A_568] {strides = array<i32>} : memref<2x6x8x128xf32, #tpu.memory_space<vmem>>, vector<16xf32>,
          %broadcast_in_dim3A_570 = arith.constant 12 : i32
          %broadcast_in_dim3A_571 = vector.broadcast %broadcast_in_dim3A_570 : i32 to vector<16xi32>
          tpu.vector_store_idx %arg10[%add3A_429, %broadcast_in_dim3A_571], %get3A_569 : memref<768x16xf32, #tpu.memory_space<vmem>>[vector<16xi32>, vector<16xi32>], vector<16xf32>,
          %mul3A_572 = arith.constant 16 : i32
          %mul3A_573 = arith.muli %rem3A_425, %mul3A_572 : i32
          %get3A_574 = arith.constant 1 : i32
          %get3A_575 = arith.constant 5 : i32
          %get3A_576 = arith.index_cast %get3A_574 : i32 to index
          %get3A_577 = arith.index_cast %select_n3A : i32 to index
          %get3A_578 = arith.index_cast %get3A_575 : i32 to index
          %get3A_579 = arith.index_cast %mul3A_573 : i32 to index
          %get3A_580 = tpu.vector_load %arg8[%get3A_576, %get3A_577, %get3A_578, %get3A_579] {strides = array<i32>} : memref<2x6x8x128xf32, #tpu.memory_space<vmem>>, vector<16xf32>,
          %broadcast_in_dim3A_581 = arith.constant 13 : i32
          %broadcast_in_dim3A_582 = vector.broadcast %broadcast_in_dim3A_581 : i32 to vector<16xi32>
          tpu.vector_store_idx %arg10[%add3A_429, %broadcast_in_dim3A_582], %get3A_580 : memref<768x16xf32, #tpu.memory_space<vmem>>[vector<16xi32>, vector<16xi32>], vector<16xf32>,
          %mul3A_583 = arith.constant 16 : i32
          %mul3A_584 = arith.muli %rem3A_425, %mul3A_583 : i32
          %get3A_585 = arith.constant 1 : i32
          %get3A_586 = arith.constant 6 : i32
          %get3A_587 = arith.index_cast %get3A_585 : i32 to index
          %get3A_588 = arith.index_cast %select_n3A : i32 to index
          %get3A_589 = arith.index_cast %get3A_586 : i32 to index
          %get3A_590 = arith.index_cast %mul3A_584 : i32 to index
          %get3A_591 = tpu.vector_load %arg8[%get3A_587, %get3A_588, %get3A_589, %get3A_590] {strides = array<i32>} : memref<2x6x8x128xf32, #tpu.memory_space<vmem>>, vector<16xf32>,
          %broadcast_in_dim3A_592 = arith.constant 14 : i32
          %broadcast_in_dim3A_593 = vector.broadcast %broadcast_in_dim3A_592 : i32 to vector<16xi32>
          tpu.vector_store_idx %arg10[%add3A_429, %broadcast_in_dim3A_593], %get3A_591 : memref<768x16xf32, #tpu.memory_space<vmem>>[vector<16xi32>, vector<16xi32>], vector<16xf32>,
          %mul3A_594 = arith.constant 16 : i32
          %mul3A_595 = arith.muli %rem3A_425, %mul3A_594 : i32
          %get3A_596 = arith.constant 1 : i32
          %get3A_597 = arith.constant 7 : i32
          %get3A_598 = arith.index_cast %get3A_596 : i32 to index
          %get3A_599 = arith.index_cast %select_n3A : i32 to index
          %get3A_600 = arith.index_cast %get3A_597 : i32 to index
          %get3A_601 = arith.index_cast %mul3A_595 : i32 to index
          %get3A_602 = tpu.vector_load %arg8[%get3A_598, %get3A_599, %get3A_600, %get3A_601] {strides = array<i32>} : memref<2x6x8x128xf32, #tpu.memory_space<vmem>>, vector<16xf32>,
          %broadcast_in_dim3A_603 = arith.constant 15 : i32
          %broadcast_in_dim3A_604 = vector.broadcast %broadcast_in_dim3A_603 : i32 to vector<16xi32>
          tpu.vector_store_idx %arg10[%add3A_429, %broadcast_in_dim3A_604], %get3A_602 : memref<768x16xf32, #tpu.memory_space<vmem>>[vector<16xi32>, vector<16xi32>], vector<16xf32>,
        }
        %scan3A_291 = arith.constant 48 : i32
        %mul3A_292 = arith.constant 6 : i32
        %mul3A_293 = arith.muli %scan3A_250, %mul3A_292 : i32
        %add3A_294 = arith.constant 0 : i32
        %add3A_295 = arith.addi %mul3A_293, %add3A_294 : i32
        %dma_start3A_296 = arith.constant 0 : i32
        %dma_start3A_297 = arith.constant 0 : i32
        %dma_start3A_298 = tpu.memref_slice %arg10[%dma_start3A_296, %dma_start3A_297] : memref<768x16xf32, #tpu.memory_space<vmem>> -> memref<128x16xf32, #tpu.memory_space<vmem>>
        %dma_start3A_299 = arith.constant 0 : i32
        %dma_start3A_300 = tpu.memref_slice %arg6[%add3A_295, %dma_start3A_299] : memref<79x128xi32, #tpu.memory_space<vmem>> -> memref<1x128xi32, #tpu.memory_space<vmem>>
        %dma_start3A_301 = tpu.memref_squeeze %dma_start3A_300 : memref<1x128xi32, #tpu.memory_space<vmem>> -> memref<128xi32, #tpu.memory_space<vmem>>
        %dma_start3A_302 = arith.constant 0 : i32
        %dma_start3A_303 = arith.constant 0 : i32
        %dma_start3A_304 = tpu.memref_slice %arg13[%dma_start3A_302, %dma_start3A_303] : memref<10000x16xf32, #tpu.memory_space<vmem_shared>> -> memref<10000x16xf32, #tpu.memory_space<vmem_shared>>
        tpu.enqueue_indirect_dma source(%dma_start3A_298 : memref<128x16xf32, #tpu.memory_space<vmem>>) target(%dma_start3A_304 : memref<10000x16xf32, #tpu.memory_space<vmem_shared>>) offsets(%dma_start3A_301 : memref<128xi32, #tpu.memory_space<vmem>>) semaphore(%arg18 : memref<!tpu.dma_semaphore, #tpu.memory_space<semaphore_mem>>) {add = true}
        %dma_start3A_305 = arith.constant 0 : i32
        %dma_start3A_306 = tpu.memref_slice %arg6[%add3A_295, %dma_start3A_305] : memref<79x128xi32, #tpu.memory_space<vmem>> -> memref<1x128xi32, #tpu.memory_space<vmem>>
        %dma_start3A_307 = tpu.memref_squeeze %dma_start3A_306 : memref<1x128xi32, #tpu.memory_space<vmem>> -> memref<128xi32, #tpu.memory_space<vmem>>
        %dma_start3A_308 = arith.constant 0 : i32
        %dma_start3A_309 = arith.constant 0 : i32
        %dma_start3A_310 = tpu.memref_slice %arg14[%dma_start3A_308, %dma_start3A_309] : memref<10000x16xf32, #tpu.memory_space<vmem_shared>> -> memref<10000x16xf32, #tpu.memory_space<vmem_shared>>
        tpu.enqueue_indirect_dma source(%arg11 : memref<128x16xf32, #tpu.memory_space<vmem>>) target(%dma_start3A_310 : memref<10000x16xf32, #tpu.memory_space<vmem_shared>>) offsets(%dma_start3A_307 : memref<128xi32, #tpu.memory_space<vmem>>) semaphore(%arg18 : memref<!tpu.dma_semaphore, #tpu.memory_space<semaphore_mem>>) {add = true}
        %mul3A_311 = arith.constant 6 : i32
        %mul3A_312 = arith.muli %scan3A_250, %mul3A_311 : i32
        %add3A_313 = arith.constant 1 : i32
        %add3A_314 = arith.addi %mul3A_312, %add3A_313 : i32
        %dma_start3A_315 = arith.constant 128 : i32
        %dma_start3A_316 = arith.constant 0 : i32
        %dma_start3A_317 = tpu.memref_slice %arg10[%dma_start3A_315, %dma_start3A_316] : memref<768x16xf32, #tpu.memory_space<vmem>> -> memref<128x16xf32, #tpu.memory_space<vmem>>
        %dma_start3A_318 = arith.constant 0 : i32
        %dma_start3A_319 = tpu.memref_slice %arg6[%add3A_314, %dma_start3A_318] : memref<79x128xi32, #tpu.memory_space<vmem>> -> memref<1x128xi32, #tpu.memory_space<vmem>>
        %dma_start3A_320 = tpu.memref_squeeze %dma_start3A_319 : memref<1x128xi32, #tpu.memory_space<vmem>> -> memref<128xi32, #tpu.memory_space<vmem>>
        %dma_start3A_321 = arith.constant 0 : i32
        %dma_start3A_322 = arith.constant 0 : i32
        %dma_start3A_323 = tpu.memref_slice %arg13[%dma_start3A_321, %dma_start3A_322] : memref<10000x16xf32, #tpu.memory_space<vmem_shared>> -> memref<10000x16xf32, #tpu.memory_space<vmem_shared>>
        tpu.enqueue_indirect_dma source(%dma_start3A_317 : memref<128x16xf32, #tpu.memory_space<vmem>>) target(%dma_start3A_323 : memref<10000x16xf32, #tpu.memory_space<vmem_shared>>) offsets(%dma_start3A_320 : memref<128xi32, #tpu.memory_space<vmem>>) semaphore(%arg18 : memref<!tpu.dma_semaphore, #tpu.memory_space<semaphore_mem>>) {add = true}
        %dma_start3A_324 = arith.constant 0 : i32
        %dma_start3A_325 = tpu.memref_slice %arg6[%add3A_314, %dma_start3A_324] : memref<79x128xi32, #tpu.memory_space<vmem>> -> memref<1x128xi32, #tpu.memory_space<vmem>>
        %dma_start3A_326 = tpu.memref_squeeze %dma_start3A_325 : memref<1x128xi32, #tpu.memory_space<vmem>> -> memref<128xi32, #tpu.memory_space<vmem>>
        %dma_start3A_327 = arith.constant 0 : i32
        %dma_start3A_328 = arith.constant 0 : i32
        %dma_start3A_329 = tpu.memref_slice %arg14[%dma_start3A_327, %dma_start3A_328] : memref<10000x16xf32, #tpu.memory_space<vmem_shared>> -> memref<10000x16xf32, #tpu.memory_space<vmem_shared>>
        tpu.enqueue_indirect_dma source(%arg11 : memref<128x16xf32, #tpu.memory_space<vmem>>) target(%dma_start3A_329 : memref<10000x16xf32, #tpu.memory_space<vmem_shared>>) offsets(%dma_start3A_326 : memref<128xi32, #tpu.memory_space<vmem>>) semaphore(%arg18 : memref<!tpu.dma_semaphore, #tpu.memory_space<semaphore_mem>>) {add = true}
        %mul3A_330 = arith.constant 6 : i32
        %mul3A_331 = arith.muli %scan3A_250, %mul3A_330 : i32
        %add3A_332 = arith.constant 2 : i32
        %add3A_333 = arith.addi %mul3A_331, %add3A_332 : i32
        %dma_start3A_334 = arith.constant 256 : i32
        %dma_start3A_335 = arith.constant 0 : i32
        %dma_start3A_336 = tpu.memref_slice %arg10[%dma_start3A_334, %dma_start3A_335] : memref<768x16xf32, #tpu.memory_space<vmem>> -> memref<128x16xf32, #tpu.memory_space<vmem>>
        %dma_start3A_337 = arith.constant 0 : i32
        %dma_start3A_338 = tpu.memref_slice %arg6[%add3A_333, %dma_start3A_337] : memref<79x128xi32, #tpu.memory_space<vmem>> -> memref<1x128xi32, #tpu.memory_space<vmem>>
        %dma_start3A_339 = tpu.memref_squeeze %dma_start3A_338 : memref<1x128xi32, #tpu.memory_space<vmem>> -> memref<128xi32, #tpu.memory_space<vmem>>
        %dma_start3A_340 = arith.constant 0 : i32
        %dma_start3A_341 = arith.constant 0 : i32
        %dma_start3A_342 = tpu.memref_slice %arg13[%dma_start3A_340, %dma_start3A_341] : memref<10000x16xf32, #tpu.memory_space<vmem_shared>> -> memref<10000x16xf32, #tpu.memory_space<vmem_shared>>
        tpu.enqueue_indirect_dma source(%dma_start3A_336 : memref<128x16xf32, #tpu.memory_space<vmem>>) target(%dma_start3A_342 : memref<10000x16xf32, #tpu.memory_space<vmem_shared>>) offsets(%dma_start3A_339 : memref<128xi32, #tpu.memory_space<vmem>>) semaphore(%arg18 : memref<!tpu.dma_semaphore, #tpu.memory_space<semaphore_mem>>) {add = true}
        %dma_start3A_343 = arith.constant 0 : i32
        %dma_start3A_344 = tpu.memref_slice %arg6[%add3A_333, %dma_start3A_343] : memref<79x128xi32, #tpu.memory_space<vmem>> -> memref<1x128xi32, #tpu.memory_space<vmem>>
        %dma_start3A_345 = tpu.memref_squeeze %dma_start3A_344 : memref<1x128xi32, #tpu.memory_space<vmem>> -> memref<128xi32, #tpu.memory_space<vmem>>
        %dma_start3A_346 = arith.constant 0 : i32
        %dma_start3A_347 = arith.constant 0 : i32
        %dma_start3A_348 = tpu.memref_slice %arg14[%dma_start3A_346, %dma_start3A_347] : memref<10000x16xf32, #tpu.memory_space<vmem_shared>> -> memref<10000x16xf32, #tpu.memory_space<vmem_shared>>
        tpu.enqueue_indirect_dma source(%arg11 : memref<128x16xf32, #tpu.memory_space<vmem>>) target(%dma_start3A_348 : memref<10000x16xf32, #tpu.memory_space<vmem_shared>>) offsets(%dma_start3A_345 : memref<128xi32, #tpu.memory_space<vmem>>) semaphore(%arg18 : memref<!tpu.dma_semaphore, #tpu.memory_space<semaphore_mem>>) {add = true}
        %mul3A_349 = arith.constant 6 : i32
        %mul3A_350 = arith.muli %scan3A_250, %mul3A_349 : i32
        %add3A_351 = arith.constant 3 : i32
        %add3A_352 = arith.addi %mul3A_350, %add3A_351 : i32
        %dma_start3A_353 = arith.constant 384 : i32
        %dma_start3A_354 = arith.constant 0 : i32
        %dma_start3A_355 = tpu.memref_slice %arg10[%dma_start3A_353, %dma_start3A_354] : memref<768x16xf32, #tpu.memory_space<vmem>> -> memref<128x16xf32, #tpu.memory_space<vmem>>
        %dma_start3A_356 = arith.constant 0 : i32
        %dma_start3A_357 = tpu.memref_slice %arg6[%add3A_352, %dma_start3A_356] : memref<79x128xi32, #tpu.memory_space<vmem>> -> memref<1x128xi32, #tpu.memory_space<vmem>>
        %dma_start3A_358 = tpu.memref_squeeze %dma_start3A_357 : memref<1x128xi32, #tpu.memory_space<vmem>> -> memref<128xi32, #tpu.memory_space<vmem>>
        %dma_start3A_359 = arith.constant 0 : i32
        %dma_start3A_360 = arith.constant 0 : i32
        %dma_start3A_361 = tpu.memref_slice %arg13[%dma_start3A_359, %dma_start3A_360] : memref<10000x16xf32, #tpu.memory_space<vmem_shared>> -> memref<10000x16xf32, #tpu.memory_space<vmem_shared>>
        tpu.enqueue_indirect_dma source(%dma_start3A_355 : memref<128x16xf32, #tpu.memory_space<vmem>>) target(%dma_start3A_361 : memref<10000x16xf32, #tpu.memory_space<vmem_shared>>) offsets(%dma_start3A_358 : memref<128xi32, #tpu.memory_space<vmem>>) semaphore(%arg18 : memref<!tpu.dma_semaphore, #tpu.memory_space<semaphore_mem>>) {add = true}
        %dma_start3A_362 = arith.constant 0 : i32
        %dma_start3A_363 = tpu.memref_slice %arg6[%add3A_352, %dma_start3A_362] : memref<79x128xi32, #tpu.memory_space<vmem>> -> memref<1x128xi32, #tpu.memory_space<vmem>>
        %dma_start3A_364 = tpu.memref_squeeze %dma_start3A_363 : memref<1x128xi32, #tpu.memory_space<vmem>> -> memref<128xi32, #tpu.memory_space<vmem>>
        %dma_start3A_365 = arith.constant 0 : i32
        %dma_start3A_366 = arith.constant 0 : i32
        %dma_start3A_367 = tpu.memref_slice %arg14[%dma_start3A_365, %dma_start3A_366] : memref<10000x16xf32, #tpu.memory_space<vmem_shared>> -> memref<10000x16xf32, #tpu.memory_space<vmem_shared>>
        tpu.enqueue_indirect_dma source(%arg11 : memref<128x16xf32, #tpu.memory_space<vmem>>) target(%dma_start3A_367 : memref<10000x16xf32, #tpu.memory_space<vmem_shared>>) offsets(%dma_start3A_364 : memref<128xi32, #tpu.memory_space<vmem>>) semaphore(%arg18 : memref<!tpu.dma_semaphore, #tpu.memory_space<semaphore_mem>>) {add = true}
        %mul3A_368 = arith.constant 6 : i32
        %mul3A_369 = arith.muli %scan3A_250, %mul3A_368 : i32
        %add3A_370 = arith.constant 4 : i32
        %add3A_371 = arith.addi %mul3A_369, %add3A_370 : i32
        %dma_start3A_372 = arith.constant 512 : i32
        %dma_start3A_373 = arith.constant 0 : i32
        %dma_start3A_374 = tpu.memref_slice %arg10[%dma_start3A_372, %dma_start3A_373] : memref<768x16xf32, #tpu.memory_space<vmem>> -> memref<128x16xf32, #tpu.memory_space<vmem>>
        %dma_start3A_375 = arith.constant 0 : i32
        %dma_start3A_376 = tpu.memref_slice %arg6[%add3A_371, %dma_start3A_375] : memref<79x128xi32, #tpu.memory_space<vmem>> -> memref<1x128xi32, #tpu.memory_space<vmem>>
        %dma_start3A_377 = tpu.memref_squeeze %dma_start3A_376 : memref<1x128xi32, #tpu.memory_space<vmem>> -> memref<128xi32, #tpu.memory_space<vmem>>
        %dma_start3A_378 = arith.constant 0 : i32
        %dma_start3A_379 = arith.constant 0 : i32
        %dma_start3A_380 = tpu.memref_slice %arg13[%dma_start3A_378, %dma_start3A_379] : memref<10000x16xf32, #tpu.memory_space<vmem_shared>> -> memref<10000x16xf32, #tpu.memory_space<vmem_shared>>
        tpu.enqueue_indirect_dma source(%dma_start3A_374 : memref<128x16xf32, #tpu.memory_space<vmem>>) target(%dma_start3A_380 : memref<10000x16xf32, #tpu.memory_space<vmem_shared>>) offsets(%dma_start3A_377 : memref<128xi32, #tpu.memory_space<vmem>>) semaphore(%arg18 : memref<!tpu.dma_semaphore, #tpu.memory_space<semaphore_mem>>) {add = true}
        %dma_start3A_381 = arith.constant 0 : i32
        %dma_start3A_382 = tpu.memref_slice %arg6[%add3A_371, %dma_start3A_381] : memref<79x128xi32, #tpu.memory_space<vmem>> -> memref<1x128xi32, #tpu.memory_space<vmem>>
        %dma_start3A_383 = tpu.memref_squeeze %dma_start3A_382 : memref<1x128xi32, #tpu.memory_space<vmem>> -> memref<128xi32, #tpu.memory_space<vmem>>
        %dma_start3A_384 = arith.constant 0 : i32
        %dma_start3A_385 = arith.constant 0 : i32
        %dma_start3A_386 = tpu.memref_slice %arg14[%dma_start3A_384, %dma_start3A_385] : memref<10000x16xf32, #tpu.memory_space<vmem_shared>> -> memref<10000x16xf32, #tpu.memory_space<vmem_shared>>
        tpu.enqueue_indirect_dma source(%arg11 : memref<128x16xf32, #tpu.memory_space<vmem>>) target(%dma_start3A_386 : memref<10000x16xf32, #tpu.memory_space<vmem_shared>>) offsets(%dma_start3A_383 : memref<128xi32, #tpu.memory_space<vmem>>) semaphore(%arg18 : memref<!tpu.dma_semaphore, #tpu.memory_space<semaphore_mem>>) {add = true}
        %mul3A_387 = arith.constant 6 : i32
        %mul3A_388 = arith.muli %scan3A_250, %mul3A_387 : i32
        %add3A_389 = arith.constant 5 : i32
        %add3A_390 = arith.addi %mul3A_388, %add3A_389 : i32
        %dma_start3A_391 = arith.constant 640 : i32
        %dma_start3A_392 = arith.constant 0 : i32
        %dma_start3A_393 = tpu.memref_slice %arg10[%dma_start3A_391, %dma_start3A_392] : memref<768x16xf32, #tpu.memory_space<vmem>> -> memref<128x16xf32, #tpu.memory_space<vmem>>
        %dma_start3A_394 = arith.constant 0 : i32
        %dma_start3A_395 = tpu.memref_slice %arg6[%add3A_390, %dma_start3A_394] : memref<79x128xi32, #tpu.memory_space<vmem>> -> memref<1x128xi32, #tpu.memory_space<vmem>>
        %dma_start3A_396 = tpu.memref_squeeze %dma_start3A_395 : memref<1x128xi32, #tpu.memory_space<vmem>> -> memref<128xi32, #tpu.memory_space<vmem>>
        %dma_start3A_397 = arith.constant 0 : i32
        %dma_start3A_398 = arith.constant 0 : i32
        %dma_start3A_399 = tpu.memref_slice %arg13[%dma_start3A_397, %dma_start3A_398] : memref<10000x16xf32, #tpu.memory_space<vmem_shared>> -> memref<10000x16xf32, #tpu.memory_space<vmem_shared>>
        tpu.enqueue_indirect_dma source(%dma_start3A_393 : memref<128x16xf32, #tpu.memory_space<vmem>>) target(%dma_start3A_399 : memref<10000x16xf32, #tpu.memory_space<vmem_shared>>) offsets(%dma_start3A_396 : memref<128xi32, #tpu.memory_space<vmem>>) semaphore(%arg18 : memref<!tpu.dma_semaphore, #tpu.memory_space<semaphore_mem>>) {add = true}
        %dma_start3A_400 = arith.constant 0 : i32
        %dma_start3A_401 = tpu.memref_slice %arg6[%add3A_390, %dma_start3A_400] : memref<79x128xi32, #tpu.memory_space<vmem>> -> memref<1x128xi32, #tpu.memory_space<vmem>>
        %dma_start3A_402 = tpu.memref_squeeze %dma_start3A_401 : memref<1x128xi32, #tpu.memory_space<vmem>> -> memref<128xi32, #tpu.memory_space<vmem>>
        %dma_start3A_403 = arith.constant 0 : i32
        %dma_start3A_404 = arith.constant 0 : i32
        %dma_start3A_405 = tpu.memref_slice %arg14[%dma_start3A_403, %dma_start3A_404] : memref<10000x16xf32, #tpu.memory_space<vmem_shared>> -> memref<10000x16xf32, #tpu.memory_space<vmem_shared>>
        tpu.enqueue_indirect_dma source(%arg11 : memref<128x16xf32, #tpu.memory_space<vmem>>) target(%dma_start3A_405 : memref<10000x16xf32, #tpu.memory_space<vmem_shared>>) offsets(%dma_start3A_402 : memref<128xi32, #tpu.memory_space<vmem>>) semaphore(%arg18 : memref<!tpu.dma_semaphore, #tpu.memory_space<semaphore_mem>>) {add = true}
      } else {
      }
    }
    %scan3A_35 = arith.constant 13 : i32
    %dma_wait3A = arith.constant 0 : i32
    %dma_wait3A_36 = arith.constant 0 : i32
    %dma_wait3A_37 = arith.constant 0 : i32
    %dma_wait3A_38 = tpu.memref_slice %arg9[%dma_wait3A_36, %dma_wait3A_37] : memref<768x16xf32, #tpu.memory_space<vmem>> -> memref<128x16xf32, #tpu.memory_space<vmem>>
    %dma_wait3A_39 = arith.constant 0 : i32
    %dma_wait3A_40 = tpu.memref_slice %arg6[%dma_wait3A, %dma_wait3A_39] : memref<79x128xi32, #tpu.memory_space<vmem>> -> memref<1x128xi32, #tpu.memory_space<vmem>>
    %dma_wait3A_41 = tpu.memref_squeeze %dma_wait3A_40 : memref<1x128xi32, #tpu.memory_space<vmem>> -> memref<128xi32, #tpu.memory_space<vmem>>
    %dma_wait3A_42 = arith.constant 0 : i32
    %dma_wait3A_43 = arith.constant 0 : i32
    %dma_wait3A_44 = tpu.memref_slice %arg13[%dma_wait3A_42, %dma_wait3A_43] : memref<10000x16xf32, #tpu.memory_space<vmem_shared>> -> memref<10000x16xf32, #tpu.memory_space<vmem_shared>>
    tpu.wait_indirect_dma semaphore(%arg17 : memref<!tpu.dma_semaphore, #tpu.memory_space<semaphore_mem>>) src(%dma_wait3A_38 : memref<128x16xf32, #tpu.memory_space<vmem>>) dst(%dma_wait3A_44 : memref<10000x16xf32, #tpu.memory_space<vmem_shared>>)
    %dma_wait3A_45 = arith.constant 0 : i32
    %dma_wait3A_46 = arith.constant 0 : i32
    %dma_wait3A_47 = tpu.memref_slice %arg6[%dma_wait3A_45, %dma_wait3A_46] : memref<79x128xi32, #tpu.memory_space<vmem>> -> memref<1x128xi32, #tpu.memory_space<vmem>>
    %dma_wait3A_48 = tpu.memref_squeeze %dma_wait3A_47 : memref<1x128xi32, #tpu.memory_space<vmem>> -> memref<128xi32, #tpu.memory_space<vmem>>
    %dma_wait3A_49 = arith.constant 0 : i32
    %dma_wait3A_50 = arith.constant 0 : i32
    %dma_wait3A_51 = tpu.memref_slice %arg14[%dma_wait3A_49, %dma_wait3A_50] : memref<10000x16xf32, #tpu.memory_space<vmem_shared>> -> memref<10000x16xf32, #tpu.memory_space<vmem_shared>>
    tpu.wait_indirect_dma semaphore(%arg17 : memref<!tpu.dma_semaphore, #tpu.memory_space<semaphore_mem>>) src(%arg11 : memref<128x16xf32, #tpu.memory_space<vmem>>) dst(%dma_wait3A_51 : memref<10000x16xf32, #tpu.memory_space<vmem_shared>>)
    %dma_wait3A_52 = arith.constant 0 : i32
    %dma_wait3A_53 = arith.constant 0 : i32
    %dma_wait3A_54 = arith.constant 0 : i32
    %dma_wait3A_55 = tpu.memref_slice %arg9[%dma_wait3A_53, %dma_wait3A_54] : memref<768x16xf32, #tpu.memory_space<vmem>> -> memref<128x16xf32, #tpu.memory_space<vmem>>
    %dma_wait3A_56 = arith.constant 0 : i32
    %dma_wait3A_57 = tpu.memref_slice %arg6[%dma_wait3A_52, %dma_wait3A_56] : memref<79x128xi32, #tpu.memory_space<vmem>> -> memref<1x128xi32, #tpu.memory_space<vmem>>
    %dma_wait3A_58 = tpu.memref_squeeze %dma_wait3A_57 : memref<1x128xi32, #tpu.memory_space<vmem>> -> memref<128xi32, #tpu.memory_space<vmem>>
    %dma_wait3A_59 = arith.constant 0 : i32
    %dma_wait3A_60 = arith.constant 0 : i32
    %dma_wait3A_61 = tpu.memref_slice %arg13[%dma_wait3A_59, %dma_wait3A_60] : memref<10000x16xf32, #tpu.memory_space<vmem_shared>> -> memref<10000x16xf32, #tpu.memory_space<vmem_shared>>
    tpu.wait_indirect_dma semaphore(%arg17 : memref<!tpu.dma_semaphore, #tpu.memory_space<semaphore_mem>>) src(%dma_wait3A_55 : memref<128x16xf32, #tpu.memory_space<vmem>>) dst(%dma_wait3A_61 : memref<10000x16xf32, #tpu.memory_space<vmem_shared>>)
    %dma_wait3A_62 = arith.constant 0 : i32
    %dma_wait3A_63 = arith.constant 0 : i32
    %dma_wait3A_64 = tpu.memref_slice %arg6[%dma_wait3A_62, %dma_wait3A_63] : memref<79x128xi32, #tpu.memory_space<vmem>> -> memref<1x128xi32, #tpu.memory_space<vmem>>
    %dma_wait3A_65 = tpu.memref_squeeze %dma_wait3A_64 : memref<1x128xi32, #tpu.memory_space<vmem>> -> memref<128xi32, #tpu.memory_space<vmem>>
    %dma_wait3A_66 = arith.constant 0 : i32
    %dma_wait3A_67 = arith.constant 0 : i32
    %dma_wait3A_68 = tpu.memref_slice %arg14[%dma_wait3A_66, %dma_wait3A_67] : memref<10000x16xf32, #tpu.memory_space<vmem_shared>> -> memref<10000x16xf32, #tpu.memory_space<vmem_shared>>
    tpu.wait_indirect_dma semaphore(%arg17 : memref<!tpu.dma_semaphore, #tpu.memory_space<semaphore_mem>>) src(%arg11 : memref<128x16xf32, #tpu.memory_space<vmem>>) dst(%dma_wait3A_68 : memref<10000x16xf32, #tpu.memory_space<vmem_shared>>)
    %dma_wait3A_69 = arith.constant 0 : i32
    %dma_wait3A_70 = arith.constant 0 : i32
    %dma_wait3A_71 = arith.constant 0 : i32
    %dma_wait3A_72 = tpu.memref_slice %arg9[%dma_wait3A_70, %dma_wait3A_71] : memref<768x16xf32, #tpu.memory_space<vmem>> -> memref<128x16xf32, #tpu.memory_space<vmem>>
    %dma_wait3A_73 = arith.constant 0 : i32
    %dma_wait3A_74 = tpu.memref_slice %arg6[%dma_wait3A_69, %dma_wait3A_73] : memref<79x128xi32, #tpu.memory_space<vmem>> -> memref<1x128xi32, #tpu.memory_space<vmem>>
    %dma_wait3A_75 = tpu.memref_squeeze %dma_wait3A_74 : memref<1x128xi32, #tpu.memory_space<vmem>> -> memref<128xi32, #tpu.memory_space<vmem>>
    %dma_wait3A_76 = arith.constant 0 : i32
    %dma_wait3A_77 = arith.constant 0 : i32
    %dma_wait3A_78 = tpu.memref_slice %arg13[%dma_wait3A_76, %dma_wait3A_77] : memref<10000x16xf32, #tpu.memory_space<vmem_shared>> -> memref<10000x16xf32, #tpu.memory_space<vmem_shared>>
    tpu.wait_indirect_dma semaphore(%arg17 : memref<!tpu.dma_semaphore, #tpu.memory_space<semaphore_mem>>) src(%dma_wait3A_72 : memref<128x16xf32, #tpu.memory_space<vmem>>) dst(%dma_wait3A_78 : memref<10000x16xf32, #tpu.memory_space<vmem_shared>>)
    %dma_wait3A_79 = arith.constant 0 : i32
    %dma_wait3A_80 = arith.constant 0 : i32
    %dma_wait3A_81 = tpu.memref_slice %arg6[%dma_wait3A_79, %dma_wait3A_80] : memref<79x128xi32, #tpu.memory_space<vmem>> -> memref<1x128xi32, #tpu.memory_space<vmem>>
    %dma_wait3A_82 = tpu.memref_squeeze %dma_wait3A_81 : memref<1x128xi32, #tpu.memory_space<vmem>> -> memref<128xi32, #tpu.memory_space<vmem>>
    %dma_wait3A_83 = arith.constant 0 : i32
    %dma_wait3A_84 = arith.constant 0 : i32
    %dma_wait3A_85 = tpu.memref_slice %arg14[%dma_wait3A_83, %dma_wait3A_84] : memref<10000x16xf32, #tpu.memory_space<vmem_shared>> -> memref<10000x16xf32, #tpu.memory_space<vmem_shared>>
    tpu.wait_indirect_dma semaphore(%arg17 : memref<!tpu.dma_semaphore, #tpu.memory_space<semaphore_mem>>) src(%arg11 : memref<128x16xf32, #tpu.memory_space<vmem>>) dst(%dma_wait3A_85 : memref<10000x16xf32, #tpu.memory_space<vmem_shared>>)
    %dma_wait3A_86 = arith.constant 0 : i32
    %dma_wait3A_87 = arith.constant 0 : i32
    %dma_wait3A_88 = arith.constant 0 : i32
    %dma_wait3A_89 = tpu.memref_slice %arg9[%dma_wait3A_87, %dma_wait3A_88] : memref<768x16xf32, #tpu.memory_space<vmem>> -> memref<128x16xf32, #tpu.memory_space<vmem>>
    %dma_wait3A_90 = arith.constant 0 : i32
    %dma_wait3A_91 = tpu.memref_slice %arg6[%dma_wait3A_86, %dma_wait3A_90] : memref<79x128xi32, #tpu.memory_space<vmem>> -> memref<1x128xi32, #tpu.memory_space<vmem>>
    %dma_wait3A_92 = tpu.memref_squeeze %dma_wait3A_91 : memref<1x128xi32, #tpu.memory_space<vmem>> -> memref<128xi32, #tpu.memory_space<vmem>>
    %dma_wait3A_93 = arith.constant 0 : i32
    %dma_wait3A_94 = arith.constant 0 : i32
    %dma_wait3A_95 = tpu.memref_slice %arg13[%dma_wait3A_93, %dma_wait3A_94] : memref<10000x16xf32, #tpu.memory_space<vmem_shared>> -> memref<10000x16xf32, #tpu.memory_space<vmem_shared>>
    tpu.wait_indirect_dma semaphore(%arg17 : memref<!tpu.dma_semaphore, #tpu.memory_space<semaphore_mem>>) src(%dma_wait3A_89 : memref<128x16xf32, #tpu.memory_space<vmem>>) dst(%dma_wait3A_95 : memref<10000x16xf32, #tpu.memory_space<vmem_shared>>)
    %dma_wait3A_96 = arith.constant 0 : i32
    %dma_wait3A_97 = arith.constant 0 : i32
    %dma_wait3A_98 = tpu.memref_slice %arg6[%dma_wait3A_96, %dma_wait3A_97] : memref<79x128xi32, #tpu.memory_space<vmem>> -> memref<1x128xi32, #tpu.memory_space<vmem>>
    %dma_wait3A_99 = tpu.memref_squeeze %dma_wait3A_98 : memref<1x128xi32, #tpu.memory_space<vmem>> -> memref<128xi32, #tpu.memory_space<vmem>>
    %dma_wait3A_100 = arith.constant 0 : i32
    %dma_wait3A_101 = arith.constant 0 : i32
    %dma_wait3A_102 = tpu.memref_slice %arg14[%dma_wait3A_100, %dma_wait3A_101] : memref<10000x16xf32, #tpu.memory_space<vmem_shared>> -> memref<10000x16xf32, #tpu.memory_space<vmem_shared>>
    tpu.wait_indirect_dma semaphore(%arg17 : memref<!tpu.dma_semaphore, #tpu.memory_space<semaphore_mem>>) src(%arg11 : memref<128x16xf32, #tpu.memory_space<vmem>>) dst(%dma_wait3A_102 : memref<10000x16xf32, #tpu.memory_space<vmem_shared>>)
    %dma_wait3A_103 = arith.constant 0 : i32
    %dma_wait3A_104 = arith.constant 0 : i32
    %dma_wait3A_105 = arith.constant 0 : i32
    %dma_wait3A_106 = tpu.memref_slice %arg9[%dma_wait3A_104, %dma_wait3A_105] : memref<768x16xf32, #tpu.memory_space<vmem>> -> memref<128x16xf32, #tpu.memory_space<vmem>>
    %dma_wait3A_107 = arith.constant 0 : i32
    %dma_wait3A_108 = tpu.memref_slice %arg6[%dma_wait3A_103, %dma_wait3A_107] : memref<79x128xi32, #tpu.memory_space<vmem>> -> memref<1x128xi32, #tpu.memory_space<vmem>>
    %dma_wait3A_109 = tpu.memref_squeeze %dma_wait3A_108 : memref<1x128xi32, #tpu.memory_space<vmem>> -> memref<128xi32, #tpu.memory_space<vmem>>
    %dma_wait3A_110 = arith.constant 0 : i32
    %dma_wait3A_111 = arith.constant 0 : i32
    %dma_wait3A_112 = tpu.memref_slice %arg13[%dma_wait3A_110, %dma_wait3A_111] : memref<10000x16xf32, #tpu.memory_space<vmem_shared>> -> memref<10000x16xf32, #tpu.memory_space<vmem_shared>>
    tpu.wait_indirect_dma semaphore(%arg17 : memref<!tpu.dma_semaphore, #tpu.memory_space<semaphore_mem>>) src(%dma_wait3A_106 : memref<128x16xf32, #tpu.memory_space<vmem>>) dst(%dma_wait3A_112 : memref<10000x16xf32, #tpu.memory_space<vmem_shared>>)
    %dma_wait3A_113 = arith.constant 0 : i32
    %dma_wait3A_114 = arith.constant 0 : i32
    %dma_wait3A_115 = tpu.memref_slice %arg6[%dma_wait3A_113, %dma_wait3A_114] : memref<79x128xi32, #tpu.memory_space<vmem>> -> memref<1x128xi32, #tpu.memory_space<vmem>>
    %dma_wait3A_116 = tpu.memref_squeeze %dma_wait3A_115 : memref<1x128xi32, #tpu.memory_space<vmem>> -> memref<128xi32, #tpu.memory_space<vmem>>
    %dma_wait3A_117 = arith.constant 0 : i32
    %dma_wait3A_118 = arith.constant 0 : i32
    %dma_wait3A_119 = tpu.memref_slice %arg14[%dma_wait3A_117, %dma_wait3A_118] : memref<10000x16xf32, #tpu.memory_space<vmem_shared>> -> memref<10000x16xf32, #tpu.memory_space<vmem_shared>>
    tpu.wait_indirect_dma semaphore(%arg17 : memref<!tpu.dma_semaphore, #tpu.memory_space<semaphore_mem>>) src(%arg11 : memref<128x16xf32, #tpu.memory_space<vmem>>) dst(%dma_wait3A_119 : memref<10000x16xf32, #tpu.memory_space<vmem_shared>>)
    %dma_wait3A_120 = arith.constant 0 : i32
    %dma_wait3A_121 = arith.constant 0 : i32
    %dma_wait3A_122 = arith.constant 0 : i32
    %dma_wait3A_123 = tpu.memref_slice %arg9[%dma_wait3A_121, %dma_wait3A_122] : memref<768x16xf32, #tpu.memory_space<vmem>> -> memref<128x16xf32, #tpu.memory_space<vmem>>
    %dma_wait3A_124 = arith.constant 0 : i32
    %dma_wait3A_125 = tpu.memref_slice %arg6[%dma_wait3A_120, %dma_wait3A_124] : memref<79x128xi32, #tpu.memory_space<vmem>> -> memref<1x128xi32, #tpu.memory_space<vmem>>
    %dma_wait3A_126 = tpu.memref_squeeze %dma_wait3A_125 : memref<1x128xi32, #tpu.memory_space<vmem>> -> memref<128xi32, #tpu.memory_space<vmem>>
    %dma_wait3A_127 = arith.constant 0 : i32
    %dma_wait3A_128 = arith.constant 0 : i32
    %dma_wait3A_129 = tpu.memref_slice %arg13[%dma_wait3A_127, %dma_wait3A_128] : memref<10000x16xf32, #tpu.memory_space<vmem_shared>> -> memref<10000x16xf32, #tpu.memory_space<vmem_shared>>
    tpu.wait_indirect_dma semaphore(%arg17 : memref<!tpu.dma_semaphore, #tpu.memory_space<semaphore_mem>>) src(%dma_wait3A_123 : memref<128x16xf32, #tpu.memory_space<vmem>>) dst(%dma_wait3A_129 : memref<10000x16xf32, #tpu.memory_space<vmem_shared>>)
    %dma_wait3A_130 = arith.constant 0 : i32
    %dma_wait3A_131 = arith.constant 0 : i32
    %dma_wait3A_132 = tpu.memref_slice %arg6[%dma_wait3A_130, %dma_wait3A_131] : memref<79x128xi32, #tpu.memory_space<vmem>> -> memref<1x128xi32, #tpu.memory_space<vmem>>
    %dma_wait3A_133 = tpu.memref_squeeze %dma_wait3A_132 : memref<1x128xi32, #tpu.memory_space<vmem>> -> memref<128xi32, #tpu.memory_space<vmem>>
    %dma_wait3A_134 = arith.constant 0 : i32
    %dma_wait3A_135 = arith.constant 0 : i32
    %dma_wait3A_136 = tpu.memref_slice %arg14[%dma_wait3A_134, %dma_wait3A_135] : memref<10000x16xf32, #tpu.memory_space<vmem_shared>> -> memref<10000x16xf32, #tpu.memory_space<vmem_shared>>
    tpu.wait_indirect_dma semaphore(%arg17 : memref<!tpu.dma_semaphore, #tpu.memory_space<semaphore_mem>>) src(%arg11 : memref<128x16xf32, #tpu.memory_space<vmem>>) dst(%dma_wait3A_136 : memref<10000x16xf32, #tpu.memory_space<vmem_shared>>)
    %dma_wait3A_137 = arith.constant 0 : i32
    %dma_wait3A_138 = arith.constant 0 : i32
    %dma_wait3A_139 = arith.constant 0 : i32
    %dma_wait3A_140 = tpu.memref_slice %arg10[%dma_wait3A_138, %dma_wait3A_139] : memref<768x16xf32, #tpu.memory_space<vmem>> -> memref<128x16xf32, #tpu.memory_space<vmem>>
    %dma_wait3A_141 = arith.constant 0 : i32
    %dma_wait3A_142 = tpu.memref_slice %arg6[%dma_wait3A_137, %dma_wait3A_141] : memref<79x128xi32, #tpu.memory_space<vmem>> -> memref<1x128xi32, #tpu.memory_space<vmem>>
    %dma_wait3A_143 = tpu.memref_squeeze %dma_wait3A_142 : memref<1x128xi32, #tpu.memory_space<vmem>> -> memref<128xi32, #tpu.memory_space<vmem>>
    %dma_wait3A_144 = arith.constant 0 : i32
    %dma_wait3A_145 = arith.constant 0 : i32
    %dma_wait3A_146 = tpu.memref_slice %arg13[%dma_wait3A_144, %dma_wait3A_145] : memref<10000x16xf32, #tpu.memory_space<vmem_shared>> -> memref<10000x16xf32, #tpu.memory_space<vmem_shared>>
    tpu.wait_indirect_dma semaphore(%arg18 : memref<!tpu.dma_semaphore, #tpu.memory_space<semaphore_mem>>) src(%dma_wait3A_140 : memref<128x16xf32, #tpu.memory_space<vmem>>) dst(%dma_wait3A_146 : memref<10000x16xf32, #tpu.memory_space<vmem_shared>>)
    %dma_wait3A_147 = arith.constant 0 : i32
    %dma_wait3A_148 = arith.constant 0 : i32
    %dma_wait3A_149 = tpu.memref_slice %arg6[%dma_wait3A_147, %dma_wait3A_148] : memref<79x128xi32, #tpu.memory_space<vmem>> -> memref<1x128xi32, #tpu.memory_space<vmem>>
    %dma_wait3A_150 = tpu.memref_squeeze %dma_wait3A_149 : memref<1x128xi32, #tpu.memory_space<vmem>> -> memref<128xi32, #tpu.memory_space<vmem>>
    %dma_wait3A_151 = arith.constant 0 : i32
    %dma_wait3A_152 = arith.constant 0 : i32
    %dma_wait3A_153 = tpu.memref_slice %arg14[%dma_wait3A_151, %dma_wait3A_152] : memref<10000x16xf32, #tpu.memory_space<vmem_shared>> -> memref<10000x16xf32, #tpu.memory_space<vmem_shared>>
    tpu.wait_indirect_dma semaphore(%arg18 : memref<!tpu.dma_semaphore, #tpu.memory_space<semaphore_mem>>) src(%arg11 : memref<128x16xf32, #tpu.memory_space<vmem>>) dst(%dma_wait3A_153 : memref<10000x16xf32, #tpu.memory_space<vmem_shared>>)
    %dma_wait3A_154 = arith.constant 0 : i32
    %dma_wait3A_155 = arith.constant 0 : i32
    %dma_wait3A_156 = arith.constant 0 : i32
    %dma_wait3A_157 = tpu.memref_slice %arg10[%dma_wait3A_155, %dma_wait3A_156] : memref<768x16xf32, #tpu.memory_space<vmem>> -> memref<128x16xf32, #tpu.memory_space<vmem>>
    %dma_wait3A_158 = arith.constant 0 : i32
    %dma_wait3A_159 = tpu.memref_slice %arg6[%dma_wait3A_154, %dma_wait3A_158] : memref<79x128xi32, #tpu.memory_space<vmem>> -> memref<1x128xi32, #tpu.memory_space<vmem>>
    %dma_wait3A_160 = tpu.memref_squeeze %dma_wait3A_159 : memref<1x128xi32, #tpu.memory_space<vmem>> -> memref<128xi32, #tpu.memory_space<vmem>>
    %dma_wait3A_161 = arith.constant 0 : i32
    %dma_wait3A_162 = arith.constant 0 : i32
    %dma_wait3A_163 = tpu.memref_slice %arg13[%dma_wait3A_161, %dma_wait3A_162] : memref<10000x16xf32, #tpu.memory_space<vmem_shared>> -> memref<10000x16xf32, #tpu.memory_space<vmem_shared>>
    tpu.wait_indirect_dma semaphore(%arg18 : memref<!tpu.dma_semaphore, #tpu.memory_space<semaphore_mem>>) src(%dma_wait3A_157 : memref<128x16xf32, #tpu.memory_space<vmem>>) dst(%dma_wait3A_163 : memref<10000x16xf32, #tpu.memory_space<vmem_shared>>)
    %dma_wait3A_164 = arith.constant 0 : i32
    %dma_wait3A_165 = arith.constant 0 : i32
    %dma_wait3A_166 = tpu.memref_slice %arg6[%dma_wait3A_164, %dma_wait3A_165] : memref<79x128xi32, #tpu.memory_space<vmem>> -> memref<1x128xi32, #tpu.memory_space<vmem>>
    %dma_wait3A_167 = tpu.memref_squeeze %dma_wait3A_166 : memref<1x128xi32, #tpu.memory_space<vmem>> -> memref<128xi32, #tpu.memory_space<vmem>>
    %dma_wait3A_168 = arith.constant 0 : i32
    %dma_wait3A_169 = arith.constant 0 : i32
    %dma_wait3A_170 = tpu.memref_slice %arg14[%dma_wait3A_168, %dma_wait3A_169] : memref<10000x16xf32, #tpu.memory_space<vmem_shared>> -> memref<10000x16xf32, #tpu.memory_space<vmem_shared>>
    tpu.wait_indirect_dma semaphore(%arg18 : memref<!tpu.dma_semaphore, #tpu.memory_space<semaphore_mem>>) src(%arg11 : memref<128x16xf32, #tpu.memory_space<vmem>>) dst(%dma_wait3A_170 : memref<10000x16xf32, #tpu.memory_space<vmem_shared>>)
    %dma_wait3A_171 = arith.constant 0 : i32
    %dma_wait3A_172 = arith.constant 0 : i32
    %dma_wait3A_173 = arith.constant 0 : i32
    %dma_wait3A_174 = tpu.memref_slice %arg10[%dma_wait3A_172, %dma_wait3A_173] : memref<768x16xf32, #tpu.memory_space<vmem>> -> memref<128x16xf32, #tpu.memory_space<vmem>>
    %dma_wait3A_175 = arith.constant 0 : i32
    %dma_wait3A_176 = tpu.memref_slice %arg6[%dma_wait3A_171, %dma_wait3A_175] : memref<79x128xi32, #tpu.memory_space<vmem>> -> memref<1x128xi32, #tpu.memory_space<vmem>>
    %dma_wait3A_177 = tpu.memref_squeeze %dma_wait3A_176 : memref<1x128xi32, #tpu.memory_space<vmem>> -> memref<128xi32, #tpu.memory_space<vmem>>
    %dma_wait3A_178 = arith.constant 0 : i32
    %dma_wait3A_179 = arith.constant 0 : i32
    %dma_wait3A_180 = tpu.memref_slice %arg13[%dma_wait3A_178, %dma_wait3A_179] : memref<10000x16xf32, #tpu.memory_space<vmem_shared>> -> memref<10000x16xf32, #tpu.memory_space<vmem_shared>>
    tpu.wait_indirect_dma semaphore(%arg18 : memref<!tpu.dma_semaphore, #tpu.memory_space<semaphore_mem>>) src(%dma_wait3A_174 : memref<128x16xf32, #tpu.memory_space<vmem>>) dst(%dma_wait3A_180 : memref<10000x16xf32, #tpu.memory_space<vmem_shared>>)
    %dma_wait3A_181 = arith.constant 0 : i32
    %dma_wait3A_182 = arith.constant 0 : i32
    %dma_wait3A_183 = tpu.memref_slice %arg6[%dma_wait3A_181, %dma_wait3A_182] : memref<79x128xi32, #tpu.memory_space<vmem>> -> memref<1x128xi32, #tpu.memory_space<vmem>>
    %dma_wait3A_184 = tpu.memref_squeeze %dma_wait3A_183 : memref<1x128xi32, #tpu.memory_space<vmem>> -> memref<128xi32, #tpu.memory_space<vmem>>
    %dma_wait3A_185 = arith.constant 0 : i32
    %dma_wait3A_186 = arith.constant 0 : i32
    %dma_wait3A_187 = tpu.memref_slice %arg14[%dma_wait3A_185, %dma_wait3A_186] : memref<10000x16xf32, #tpu.memory_space<vmem_shared>> -> memref<10000x16xf32, #tpu.memory_space<vmem_shared>>
    tpu.wait_indirect_dma semaphore(%arg18 : memref<!tpu.dma_semaphore, #tpu.memory_space<semaphore_mem>>) src(%arg11 : memref<128x16xf32, #tpu.memory_space<vmem>>) dst(%dma_wait3A_187 : memref<10000x16xf32, #tpu.memory_space<vmem_shared>>)
    %dma_wait3A_188 = arith.constant 0 : i32
    %dma_wait3A_189 = arith.constant 0 : i32
    %dma_wait3A_190 = arith.constant 0 : i32
    %dma_wait3A_191 = tpu.memref_slice %arg10[%dma_wait3A_189, %dma_wait3A_190] : memref<768x16xf32, #tpu.memory_space<vmem>> -> memref<128x16xf32, #tpu.memory_space<vmem>>
    %dma_wait3A_192 = arith.constant 0 : i32
    %dma_wait3A_193 = tpu.memref_slice %arg6[%dma_wait3A_188, %dma_wait3A_192] : memref<79x128xi32, #tpu.memory_space<vmem>> -> memref<1x128xi32, #tpu.memory_space<vmem>>
    %dma_wait3A_194 = tpu.memref_squeeze %dma_wait3A_193 : memref<1x128xi32, #tpu.memory_space<vmem>> -> memref<128xi32, #tpu.memory_space<vmem>>
    %dma_wait3A_195 = arith.constant 0 : i32
    %dma_wait3A_196 = arith.constant 0 : i32
    %dma_wait3A_197 = tpu.memref_slice %arg13[%dma_wait3A_195, %dma_wait3A_196] : memref<10000x16xf32, #tpu.memory_space<vmem_shared>> -> memref<10000x16xf32, #tpu.memory_space<vmem_shared>>
    tpu.wait_indirect_dma semaphore(%arg18 : memref<!tpu.dma_semaphore, #tpu.memory_space<semaphore_mem>>) src(%dma_wait3A_191 : memref<128x16xf32, #tpu.memory_space<vmem>>) dst(%dma_wait3A_197 : memref<10000x16xf32, #tpu.memory_space<vmem_shared>>)
    %dma_wait3A_198 = arith.constant 0 : i32
    %dma_wait3A_199 = arith.constant 0 : i32
    %dma_wait3A_200 = tpu.memref_slice %arg6[%dma_wait3A_198, %dma_wait3A_199] : memref<79x128xi32, #tpu.memory_space<vmem>> -> memref<1x128xi32, #tpu.memory_space<vmem>>
    %dma_wait3A_201 = tpu.memref_squeeze %dma_wait3A_200 : memref<1x128xi32, #tpu.memory_space<vmem>> -> memref<128xi32, #tpu.memory_space<vmem>>
    %dma_wait3A_202 = arith.constant 0 : i32
    %dma_wait3A_203 = arith.constant 0 : i32
    %dma_wait3A_204 = tpu.memref_slice %arg14[%dma_wait3A_202, %dma_wait3A_203] : memref<10000x16xf32, #tpu.memory_space<vmem_shared>> -> memref<10000x16xf32, #tpu.memory_space<vmem_shared>>
    tpu.wait_indirect_dma semaphore(%arg18 : memref<!tpu.dma_semaphore, #tpu.memory_space<semaphore_mem>>) src(%arg11 : memref<128x16xf32, #tpu.memory_space<vmem>>) dst(%dma_wait3A_204 : memref<10000x16xf32, #tpu.memory_space<vmem_shared>>)
    %dma_wait3A_205 = arith.constant 0 : i32
    %dma_wait3A_206 = arith.constant 0 : i32
    %dma_wait3A_207 = arith.constant 0 : i32
    %dma_wait3A_208 = tpu.memref_slice %arg10[%dma_wait3A_206, %dma_wait3A_207] : memref<768x16xf32, #tpu.memory_space<vmem>> -> memref<128x16xf32, #tpu.memory_space<vmem>>
    %dma_wait3A_209 = arith.constant 0 : i32
    %dma_wait3A_210 = tpu.memref_slice %arg6[%dma_wait3A_205, %dma_wait3A_209] : memref<79x128xi32, #tpu.memory_space<vmem>> -> memref<1x128xi32, #tpu.memory_space<vmem>>
    %dma_wait3A_211 = tpu.memref_squeeze %dma_wait3A_210 : memref<1x128xi32, #tpu.memory_space<vmem>> -> memref<128xi32, #tpu.memory_space<vmem>>
    %dma_wait3A_212 = arith.constant 0 : i32
    %dma_wait3A_213 = arith.constant 0 : i32
    %dma_wait3A_214 = tpu.memref_slice %arg13[%dma_wait3A_212, %dma_wait3A_213] : memref<10000x16xf32, #tpu.memory_space<vmem_shared>> -> memref<10000x16xf32, #tpu.memory_space<vmem_shared>>
    tpu.wait_indirect_dma semaphore(%arg18 : memref<!tpu.dma_semaphore, #tpu.memory_space<semaphore_mem>>) src(%dma_wait3A_208 : memref<128x16xf32, #tpu.memory_space<vmem>>) dst(%dma_wait3A_214 : memref<10000x16xf32, #tpu.memory_space<vmem_shared>>)
    %dma_wait3A_215 = arith.constant 0 : i32
    %dma_wait3A_216 = arith.constant 0 : i32
    %dma_wait3A_217 = tpu.memref_slice %arg6[%dma_wait3A_215, %dma_wait3A_216] : memref<79x128xi32, #tpu.memory_space<vmem>> -> memref<1x128xi32, #tpu.memory_space<vmem>>
    %dma_wait3A_218 = tpu.memref_squeeze %dma_wait3A_217 : memref<1x128xi32, #tpu.memory_space<vmem>> -> memref<128xi32, #tpu.memory_space<vmem>>
    %dma_wait3A_219 = arith.constant 0 : i32
    %dma_wait3A_220 = arith.constant 0 : i32
    %dma_wait3A_221 = tpu.memref_slice %arg14[%dma_wait3A_219, %dma_wait3A_220] : memref<10000x16xf32, #tpu.memory_space<vmem_shared>> -> memref<10000x16xf32, #tpu.memory_space<vmem_shared>>
    tpu.wait_indirect_dma semaphore(%arg18 : memref<!tpu.dma_semaphore, #tpu.memory_space<semaphore_mem>>) src(%arg11 : memref<128x16xf32, #tpu.memory_space<vmem>>) dst(%dma_wait3A_221 : memref<10000x16xf32, #tpu.memory_space<vmem_shared>>)
    %dma_wait3A_222 = arith.constant 0 : i32
    %dma_wait3A_223 = arith.constant 0 : i32
    %dma_wait3A_224 = arith.constant 0 : i32
    %dma_wait3A_225 = tpu.memref_slice %arg10[%dma_wait3A_223, %dma_wait3A_224] : memref<768x16xf32, #tpu.memory_space<vmem>> -> memref<128x16xf32, #tpu.memory_space<vmem>>
    %dma_wait3A_226 = arith.constant 0 : i32
    %dma_wait3A_227 = tpu.memref_slice %arg6[%dma_wait3A_222, %dma_wait3A_226] : memref<79x128xi32, #tpu.memory_space<vmem>> -> memref<1x128xi32, #tpu.memory_space<vmem>>
    %dma_wait3A_228 = tpu.memref_squeeze %dma_wait3A_227 : memref<1x128xi32, #tpu.memory_space<vmem>> -> memref<128xi32, #tpu.memory_space<vmem>>
    %dma_wait3A_229 = arith.constant 0 : i32
    %dma_wait3A_230 = arith.constant 0 : i32
    %dma_wait3A_231 = tpu.memref_slice %arg13[%dma_wait3A_229, %dma_wait3A_230] : memref<10000x16xf32, #tpu.memory_space<vmem_shared>> -> memref<10000x16xf32, #tpu.memory_space<vmem_shared>>
    tpu.wait_indirect_dma semaphore(%arg18 : memref<!tpu.dma_semaphore, #tpu.memory_space<semaphore_mem>>) src(%dma_wait3A_225 : memref<128x16xf32, #tpu.memory_space<vmem>>) dst(%dma_wait3A_231 : memref<10000x16xf32, #tpu.memory_space<vmem_shared>>)
    %dma_wait3A_232 = arith.constant 0 : i32
    %dma_wait3A_233 = arith.constant 0 : i32
    %dma_wait3A_234 = tpu.memref_slice %arg6[%dma_wait3A_232, %dma_wait3A_233] : memref<79x128xi32, #tpu.memory_space<vmem>> -> memref<1x128xi32, #tpu.memory_space<vmem>>
    %dma_wait3A_235 = tpu.memref_squeeze %dma_wait3A_234 : memref<1x128xi32, #tpu.memory_space<vmem>> -> memref<128xi32, #tpu.memory_space<vmem>>
    %dma_wait3A_236 = arith.constant 0 : i32
    %dma_wait3A_237 = arith.constant 0 : i32
    %dma_wait3A_238 = tpu.memref_slice %arg14[%dma_wait3A_236, %dma_wait3A_237] : memref<10000x16xf32, #tpu.memory_space<vmem_shared>> -> memref<10000x16xf32, #tpu.memory_space<vmem_shared>>
    tpu.wait_indirect_dma semaphore(%arg18 : memref<!tpu.dma_semaphore, #tpu.memory_space<semaphore_mem>>) src(%arg11 : memref<128x16xf32, #tpu.memory_space<vmem>>) dst(%dma_wait3A_238 : memref<10000x16xf32, #tpu.memory_space<vmem_shared>>)
    %lt3A_239 = arith.constant 4 : i32
    %lt3A_240 = arith.cmpi slt, %add3A, %lt3A_239 : i32
    %convert_element_type3A_241 = arith.extui %lt3A_240 : i1 to i32
    %cond3A_242 = arith.constant 0 : i32
    %cond3A_243 = arith.cmpi ne, %convert_element_type3A_241, %cond3A_242 : i32
    scf.if %cond3A_243 {
      %add3A_250 = arith.constant 2496 : i32
      %add3A_251 = arith.addi %add3A_250, %add3A : i32
      "tpu.region"() ({
        %run_scoped3A_260 = tpu.sem_alloc : memref<!tpu.dma_semaphore, #tpu.memory_space<semaphore_mem>>
        %dma_start3A_261 = arith.constant 0 : i32
        %dma_start3A_262 = arith.constant 0 : i32
        %dma_start3A_263 = arith.constant 0 : i32
        %dma_start3A_264 = arith.constant 0 : i32
        %dma_start3A_265 = tpu.memref_slice %arg7[%dma_start3A_261, %dma_start3A_262, %dma_start3A_263, %dma_start3A_264] : memref<2x6x8x128xf32, #tpu.memory_space<vmem>> -> memref<2x1x8x128xf32, #tpu.memory_space<vmem>>
        %dma_start3A_266 = arith.constant 0 : i32
        %dma_start3A_267 = arith.constant 0 : i32
        %dma_start3A_268 = arith.constant 0 : i32
        %dma_start3A_269 = tpu.memref_slice %arg2[%dma_start3A_266, %add3A_251, %dma_start3A_267, %dma_start3A_268] : memref<2x2500x8x128xf32, #tpu.memory_space<hbm>> -> memref<2x1x8x128xf32, #tpu.memory_space<hbm>>
        %dma_start3A_270 = arith.constant 0 : i32
        %dma_start3A_271 = arith.constant 0 : i32
        %dma_start3A_272 = arith.constant 0 : i32
        %dma_start3A_273 = arith.constant 0 : i32
        %dma_start3A_274 = tpu.memref_slice %arg7[%dma_start3A_270, %dma_start3A_271, %dma_start3A_272, %dma_start3A_273] : memref<2x6x8x128xf32, #tpu.memory_space<vmem>> -> memref<2x1x8x128xf32, #tpu.memory_space<vmem>>
        %dma_start3A_275 = arith.constant 0 : i32
        %dma_start3A_276 = arith.constant 0 : i32
        %dma_start3A_277 = arith.constant 0 : i32
        %dma_start3A_278 = tpu.memref_slice %arg2[%dma_start3A_275, %add3A_251, %dma_start3A_276, %dma_start3A_277] : memref<2x2500x8x128xf32, #tpu.memory_space<hbm>> -> memref<2x1x8x128xf32, #tpu.memory_space<hbm>>
        tpu.enqueue_dma source(%dma_start3A_278 : memref<2x1x8x128xf32, #tpu.memory_space<hbm>>) target(%dma_start3A_274 : memref<2x1x8x128xf32, #tpu.memory_space<vmem>>) target_semaphore(%run_scoped3A_260 : memref<!tpu.dma_semaphore, #tpu.memory_space<semaphore_mem>>)
        %dma_wait3A_279 = arith.constant 0 : i32
        %dma_wait3A_280 = arith.constant 0 : i32
        %dma_wait3A_281 = arith.constant 0 : i32
        %dma_wait3A_282 = arith.constant 0 : i32
        %dma_wait3A_283 = tpu.memref_slice %arg7[%dma_wait3A_279, %dma_wait3A_280, %dma_wait3A_281, %dma_wait3A_282] : memref<2x6x8x128xf32, #tpu.memory_space<vmem>> -> memref<2x1x8x128xf32, #tpu.memory_space<vmem>>
        %dma_wait3A_284 = arith.constant 0 : i32
        %dma_wait3A_285 = arith.constant 0 : i32
        %dma_wait3A_286 = arith.constant 0 : i32
        %dma_wait3A_287 = tpu.memref_slice %arg2[%dma_wait3A_284, %add3A_251, %dma_wait3A_285, %dma_wait3A_286] : memref<2x2500x8x128xf32, #tpu.memory_space<hbm>> -> memref<2x1x8x128xf32, #tpu.memory_space<hbm>>
        %dma_wait3A_288 = arith.constant 0 : i32
        %dma_wait3A_289 = arith.constant 0 : i32
        %dma_wait3A_290 = arith.constant 0 : i32
        %dma_wait3A_291 = arith.constant 0 : i32
        %dma_wait3A_292 = tpu.memref_slice %arg7[%dma_wait3A_288, %dma_wait3A_289, %dma_wait3A_290, %dma_wait3A_291] : memref<2x6x8x128xf32, #tpu.memory_space<vmem>> -> memref<2x1x8x128xf32, #tpu.memory_space<vmem>>
        %dma_wait3A_293 = arith.constant 0 : i32
        %dma_wait3A_294 = arith.constant 0 : i32
        %dma_wait3A_295 = arith.constant 0 : i32
        %dma_wait3A_296 = tpu.memref_slice %arg2[%dma_wait3A_293, %add3A_251, %dma_wait3A_294, %dma_wait3A_295] : memref<2x2500x8x128xf32, #tpu.memory_space<hbm>> -> memref<2x1x8x128xf32, #tpu.memory_space<hbm>>
        tpu.wait_dma2 semaphore(%run_scoped3A_260 : memref<!tpu.dma_semaphore, #tpu.memory_space<semaphore_mem>>) src(%dma_wait3A_296 : memref<2x1x8x128xf32, #tpu.memory_space<hbm>>) dst(%dma_wait3A_292 : memref<2x1x8x128xf32, #tpu.memory_space<vmem>>)
        tpu.yield
      }) : () -> ()
      %scan3A_252 = arith.constant 0 : i32
      %scan3A_253 = arith.constant 0 : i32
      %scan3A_254 = arith.constant 8 : i32
      %scan3A_255 = arith.addi %scan3A_253, %scan3A_254 : i32
      %scan3A_256 = arith.constant 1 : i32
      scf.for %scan3A_260 = %scan3A_253 to %scan3A_255 step %scan3A_256  : i32 {
        %jit3A = arith.constant 8 : i32
        %div3A = arith.divsi %scan3A_260, %jit3A : i32
        %sign3A = arith.constant 0 : i32
        %sign3A_261 = arith.cmpi sgt, %scan3A_260, %sign3A : i32
        %sign3A_262 = arith.extui %sign3A_261 : i1 to i32
        %sign3A_263 = arith.constant 0 : i32
        %sign3A_264 = arith.cmpi slt, %scan3A_260, %sign3A_263 : i32
        %sign3A_265 = arith.extui %sign3A_264 : i1 to i32
        %sign3A_266 = arith.subi %sign3A_262, %sign3A_265 : i32
        %sign3A_267 = arith.constant 0 : i32
        %sign3A_268 = arith.cmpi sgt, %jit3A, %sign3A_267 : i32
        %sign3A_269 = arith.extui %sign3A_268 : i1 to i32
        %sign3A_270 = arith.constant 0 : i32
        %sign3A_271 = arith.cmpi slt, %jit3A, %sign3A_270 : i32
        %sign3A_272 = arith.extui %sign3A_271 : i1 to i32
        %sign3A_273 = arith.subi %sign3A_269, %sign3A_272 : i32
        %ne3A = arith.cmpi ne, %sign3A_266, %sign3A_273 : i32
        %rem3A = arith.remsi %scan3A_260, %jit3A : i32
        %ne3A_274 = arith.constant 0 : i32
        %ne3A_275 = arith.cmpi ne, %rem3A, %ne3A_274 : i32
        %and3A = arith.andi %ne3A, %ne3A_275 : i1
        %sub3A = arith.constant 1 : i32
        %sub3A_276 = arith.subi %div3A, %sub3A : i32
        %select_n3A = arith.select %and3A, %sub3A_276, %div3A : i32
        %rem3A_277 = arith.constant 8 : i32
        %rem3A_278 = arith.remsi %scan3A_260, %rem3A_277 : i32
        %mul3A_279 = arith.constant 16 : i32
        %mul3A_280 = arith.muli %scan3A_260, %mul3A_279 : i32
        %add3A_281 = vector.broadcast %mul3A_280 : i32 to vector<16xi32>
        %add3A_282 = arith.addi %add3A_281, %iota3A : vector<16xi32>
        %mul3A_283 = arith.constant 16 : i32
        %mul3A_284 = arith.muli %rem3A_278, %mul3A_283 : i32
        %get3A = arith.constant 0 : i32
        %get3A_285 = arith.constant 0 : i32
        %get3A_286 = arith.index_cast %get3A : i32 to index
        %get3A_287 = arith.index_cast %select_n3A : i32 to index
        %get3A_288 = arith.index_cast %get3A_285 : i32 to index
        %get3A_289 = arith.index_cast %mul3A_284 : i32 to index
        %get3A_290 = tpu.vector_load %arg7[%get3A_286, %get3A_287, %get3A_288, %get3A_289] {strides = array<i32>} : memref<2x6x8x128xf32, #tpu.memory_space<vmem>>, vector<16xf32>,
        %broadcast_in_dim3A_291 = arith.constant 0 : i32
        %broadcast_in_dim3A_292 = vector.broadcast %broadcast_in_dim3A_291 : i32 to vector<16xi32>
        tpu.vector_store_idx %arg9[%add3A_282, %broadcast_in_dim3A_292], %get3A_290 : memref<768x16xf32, #tpu.memory_space<vmem>>[vector<16xi32>, vector<16xi32>], vector<16xf32>,
        %mul3A_293 = arith.constant 16 : i32
        %mul3A_294 = arith.muli %rem3A_278, %mul3A_293 : i32
        %get3A_295 = arith.constant 0 : i32
        %get3A_296 = arith.constant 1 : i32
        %get3A_297 = arith.index_cast %get3A_295 : i32 to index
        %get3A_298 = arith.index_cast %select_n3A : i32 to index
        %get3A_299 = arith.index_cast %get3A_296 : i32 to index
        %get3A_300 = arith.index_cast %mul3A_294 : i32 to index
        %get3A_301 = tpu.vector_load %arg7[%get3A_297, %get3A_298, %get3A_299, %get3A_300] {strides = array<i32>} : memref<2x6x8x128xf32, #tpu.memory_space<vmem>>, vector<16xf32>,
        %broadcast_in_dim3A_302 = arith.constant 1 : i32
        %broadcast_in_dim3A_303 = vector.broadcast %broadcast_in_dim3A_302 : i32 to vector<16xi32>
        tpu.vector_store_idx %arg9[%add3A_282, %broadcast_in_dim3A_303], %get3A_301 : memref<768x16xf32, #tpu.memory_space<vmem>>[vector<16xi32>, vector<16xi32>], vector<16xf32>,
        %mul3A_304 = arith.constant 16 : i32
        %mul3A_305 = arith.muli %rem3A_278, %mul3A_304 : i32
        %get3A_306 = arith.constant 0 : i32
        %get3A_307 = arith.constant 2 : i32
        %get3A_308 = arith.index_cast %get3A_306 : i32 to index
        %get3A_309 = arith.index_cast %select_n3A : i32 to index
        %get3A_310 = arith.index_cast %get3A_307 : i32 to index
        %get3A_311 = arith.index_cast %mul3A_305 : i32 to index
        %get3A_312 = tpu.vector_load %arg7[%get3A_308, %get3A_309, %get3A_310, %get3A_311] {strides = array<i32>} : memref<2x6x8x128xf32, #tpu.memory_space<vmem>>, vector<16xf32>,
        %broadcast_in_dim3A_313 = arith.constant 2 : i32
        %broadcast_in_dim3A_314 = vector.broadcast %broadcast_in_dim3A_313 : i32 to vector<16xi32>
        tpu.vector_store_idx %arg9[%add3A_282, %broadcast_in_dim3A_314], %get3A_312 : memref<768x16xf32, #tpu.memory_space<vmem>>[vector<16xi32>, vector<16xi32>], vector<16xf32>,
        %mul3A_315 = arith.constant 16 : i32
        %mul3A_316 = arith.muli %rem3A_278, %mul3A_315 : i32
        %get3A_317 = arith.constant 0 : i32
        %get3A_318 = arith.constant 3 : i32
        %get3A_319 = arith.index_cast %get3A_317 : i32 to index
        %get3A_320 = arith.index_cast %select_n3A : i32 to index
        %get3A_321 = arith.index_cast %get3A_318 : i32 to index
        %get3A_322 = arith.index_cast %mul3A_316 : i32 to index
        %get3A_323 = tpu.vector_load %arg7[%get3A_319, %get3A_320, %get3A_321, %get3A_322] {strides = array<i32>} : memref<2x6x8x128xf32, #tpu.memory_space<vmem>>, vector<16xf32>,
        %broadcast_in_dim3A_324 = arith.constant 3 : i32
        %broadcast_in_dim3A_325 = vector.broadcast %broadcast_in_dim3A_324 : i32 to vector<16xi32>
        tpu.vector_store_idx %arg9[%add3A_282, %broadcast_in_dim3A_325], %get3A_323 : memref<768x16xf32, #tpu.memory_space<vmem>>[vector<16xi32>, vector<16xi32>], vector<16xf32>,
        %mul3A_326 = arith.constant 16 : i32
        %mul3A_327 = arith.muli %rem3A_278, %mul3A_326 : i32
        %get3A_328 = arith.constant 0 : i32
        %get3A_329 = arith.constant 4 : i32
        %get3A_330 = arith.index_cast %get3A_328 : i32 to index
        %get3A_331 = arith.index_cast %select_n3A : i32 to index
        %get3A_332 = arith.index_cast %get3A_329 : i32 to index
        %get3A_333 = arith.index_cast %mul3A_327 : i32 to index
        %get3A_334 = tpu.vector_load %arg7[%get3A_330, %get3A_331, %get3A_332, %get3A_333] {strides = array<i32>} : memref<2x6x8x128xf32, #tpu.memory_space<vmem>>, vector<16xf32>,
        %broadcast_in_dim3A_335 = arith.constant 4 : i32
        %broadcast_in_dim3A_336 = vector.broadcast %broadcast_in_dim3A_335 : i32 to vector<16xi32>
        tpu.vector_store_idx %arg9[%add3A_282, %broadcast_in_dim3A_336], %get3A_334 : memref<768x16xf32, #tpu.memory_space<vmem>>[vector<16xi32>, vector<16xi32>], vector<16xf32>,
        %mul3A_337 = arith.constant 16 : i32
        %mul3A_338 = arith.muli %rem3A_278, %mul3A_337 : i32
        %get3A_339 = arith.constant 0 : i32
        %get3A_340 = arith.constant 5 : i32
        %get3A_341 = arith.index_cast %get3A_339 : i32 to index
        %get3A_342 = arith.index_cast %select_n3A : i32 to index
        %get3A_343 = arith.index_cast %get3A_340 : i32 to index
        %get3A_344 = arith.index_cast %mul3A_338 : i32 to index
        %get3A_345 = tpu.vector_load %arg7[%get3A_341, %get3A_342, %get3A_343, %get3A_344] {strides = array<i32>} : memref<2x6x8x128xf32, #tpu.memory_space<vmem>>, vector<16xf32>,
        %broadcast_in_dim3A_346 = arith.constant 5 : i32
        %broadcast_in_dim3A_347 = vector.broadcast %broadcast_in_dim3A_346 : i32 to vector<16xi32>
        tpu.vector_store_idx %arg9[%add3A_282, %broadcast_in_dim3A_347], %get3A_345 : memref<768x16xf32, #tpu.memory_space<vmem>>[vector<16xi32>, vector<16xi32>], vector<16xf32>,
        %mul3A_348 = arith.constant 16 : i32
        %mul3A_349 = arith.muli %rem3A_278, %mul3A_348 : i32
        %get3A_350 = arith.constant 0 : i32
        %get3A_351 = arith.constant 6 : i32
        %get3A_352 = arith.index_cast %get3A_350 : i32 to index
        %get3A_353 = arith.index_cast %select_n3A : i32 to index
        %get3A_354 = arith.index_cast %get3A_351 : i32 to index
        %get3A_355 = arith.index_cast %mul3A_349 : i32 to index
        %get3A_356 = tpu.vector_load %arg7[%get3A_352, %get3A_353, %get3A_354, %get3A_355] {strides = array<i32>} : memref<2x6x8x128xf32, #tpu.memory_space<vmem>>, vector<16xf32>,
        %broadcast_in_dim3A_357 = arith.constant 6 : i32
        %broadcast_in_dim3A_358 = vector.broadcast %broadcast_in_dim3A_357 : i32 to vector<16xi32>
        tpu.vector_store_idx %arg9[%add3A_282, %broadcast_in_dim3A_358], %get3A_356 : memref<768x16xf32, #tpu.memory_space<vmem>>[vector<16xi32>, vector<16xi32>], vector<16xf32>,
        %mul3A_359 = arith.constant 16 : i32
        %mul3A_360 = arith.muli %rem3A_278, %mul3A_359 : i32
        %get3A_361 = arith.constant 0 : i32
        %get3A_362 = arith.constant 7 : i32
        %get3A_363 = arith.index_cast %get3A_361 : i32 to index
        %get3A_364 = arith.index_cast %select_n3A : i32 to index
        %get3A_365 = arith.index_cast %get3A_362 : i32 to index
        %get3A_366 = arith.index_cast %mul3A_360 : i32 to index
        %get3A_367 = tpu.vector_load %arg7[%get3A_363, %get3A_364, %get3A_365, %get3A_366] {strides = array<i32>} : memref<2x6x8x128xf32, #tpu.memory_space<vmem>>, vector<16xf32>,
        %broadcast_in_dim3A_368 = arith.constant 7 : i32
        %broadcast_in_dim3A_369 = vector.broadcast %broadcast_in_dim3A_368 : i32 to vector<16xi32>
        tpu.vector_store_idx %arg9[%add3A_282, %broadcast_in_dim3A_369], %get3A_367 : memref<768x16xf32, #tpu.memory_space<vmem>>[vector<16xi32>, vector<16xi32>], vector<16xf32>,
        %mul3A_370 = arith.constant 16 : i32
        %mul3A_371 = arith.muli %rem3A_278, %mul3A_370 : i32
        %get3A_372 = arith.constant 1 : i32
        %get3A_373 = arith.constant 0 : i32
        %get3A_374 = arith.index_cast %get3A_372 : i32 to index
        %get3A_375 = arith.index_cast %select_n3A : i32 to index
        %get3A_376 = arith.index_cast %get3A_373 : i32 to index
        %get3A_377 = arith.index_cast %mul3A_371 : i32 to index
        %get3A_378 = tpu.vector_load %arg7[%get3A_374, %get3A_375, %get3A_376, %get3A_377] {strides = array<i32>} : memref<2x6x8x128xf32, #tpu.memory_space<vmem>>, vector<16xf32>,
        %broadcast_in_dim3A_379 = arith.constant 8 : i32
        %broadcast_in_dim3A_380 = vector.broadcast %broadcast_in_dim3A_379 : i32 to vector<16xi32>
        tpu.vector_store_idx %arg9[%add3A_282, %broadcast_in_dim3A_380], %get3A_378 : memref<768x16xf32, #tpu.memory_space<vmem>>[vector<16xi32>, vector<16xi32>], vector<16xf32>,
        %mul3A_381 = arith.constant 16 : i32
        %mul3A_382 = arith.muli %rem3A_278, %mul3A_381 : i32
        %get3A_383 = arith.constant 1 : i32
        %get3A_384 = arith.constant 1 : i32
        %get3A_385 = arith.index_cast %get3A_383 : i32 to index
        %get3A_386 = arith.index_cast %select_n3A : i32 to index
        %get3A_387 = arith.index_cast %get3A_384 : i32 to index
        %get3A_388 = arith.index_cast %mul3A_382 : i32 to index
        %get3A_389 = tpu.vector_load %arg7[%get3A_385, %get3A_386, %get3A_387, %get3A_388] {strides = array<i32>} : memref<2x6x8x128xf32, #tpu.memory_space<vmem>>, vector<16xf32>,
        %broadcast_in_dim3A_390 = arith.constant 9 : i32
        %broadcast_in_dim3A_391 = vector.broadcast %broadcast_in_dim3A_390 : i32 to vector<16xi32>
        tpu.vector_store_idx %arg9[%add3A_282, %broadcast_in_dim3A_391], %get3A_389 : memref<768x16xf32, #tpu.memory_space<vmem>>[vector<16xi32>, vector<16xi32>], vector<16xf32>,
        %mul3A_392 = arith.constant 16 : i32
        %mul3A_393 = arith.muli %rem3A_278, %mul3A_392 : i32
        %get3A_394 = arith.constant 1 : i32
        %get3A_395 = arith.constant 2 : i32
        %get3A_396 = arith.index_cast %get3A_394 : i32 to index
        %get3A_397 = arith.index_cast %select_n3A : i32 to index
        %get3A_398 = arith.index_cast %get3A_395 : i32 to index
        %get3A_399 = arith.index_cast %mul3A_393 : i32 to index
        %get3A_400 = tpu.vector_load %arg7[%get3A_396, %get3A_397, %get3A_398, %get3A_399] {strides = array<i32>} : memref<2x6x8x128xf32, #tpu.memory_space<vmem>>, vector<16xf32>,
        %broadcast_in_dim3A_401 = arith.constant 10 : i32
        %broadcast_in_dim3A_402 = vector.broadcast %broadcast_in_dim3A_401 : i32 to vector<16xi32>
        tpu.vector_store_idx %arg9[%add3A_282, %broadcast_in_dim3A_402], %get3A_400 : memref<768x16xf32, #tpu.memory_space<vmem>>[vector<16xi32>, vector<16xi32>], vector<16xf32>,
        %mul3A_403 = arith.constant 16 : i32
        %mul3A_404 = arith.muli %rem3A_278, %mul3A_403 : i32
        %get3A_405 = arith.constant 1 : i32
        %get3A_406 = arith.constant 3 : i32
        %get3A_407 = arith.index_cast %get3A_405 : i32 to index
        %get3A_408 = arith.index_cast %select_n3A : i32 to index
        %get3A_409 = arith.index_cast %get3A_406 : i32 to index
        %get3A_410 = arith.index_cast %mul3A_404 : i32 to index
        %get3A_411 = tpu.vector_load %arg7[%get3A_407, %get3A_408, %get3A_409, %get3A_410] {strides = array<i32>} : memref<2x6x8x128xf32, #tpu.memory_space<vmem>>, vector<16xf32>,
        %broadcast_in_dim3A_412 = arith.constant 11 : i32
        %broadcast_in_dim3A_413 = vector.broadcast %broadcast_in_dim3A_412 : i32 to vector<16xi32>
        tpu.vector_store_idx %arg9[%add3A_282, %broadcast_in_dim3A_413], %get3A_411 : memref<768x16xf32, #tpu.memory_space<vmem>>[vector<16xi32>, vector<16xi32>], vector<16xf32>,
        %mul3A_414 = arith.constant 16 : i32
        %mul3A_415 = arith.muli %rem3A_278, %mul3A_414 : i32
        %get3A_416 = arith.constant 1 : i32
        %get3A_417 = arith.constant 4 : i32
        %get3A_418 = arith.index_cast %get3A_416 : i32 to index
        %get3A_419 = arith.index_cast %select_n3A : i32 to index
        %get3A_420 = arith.index_cast %get3A_417 : i32 to index
        %get3A_421 = arith.index_cast %mul3A_415 : i32 to index
        %get3A_422 = tpu.vector_load %arg7[%get3A_418, %get3A_419, %get3A_420, %get3A_421] {strides = array<i32>} : memref<2x6x8x128xf32, #tpu.memory_space<vmem>>, vector<16xf32>,
        %broadcast_in_dim3A_423 = arith.constant 12 : i32
        %broadcast_in_dim3A_424 = vector.broadcast %broadcast_in_dim3A_423 : i32 to vector<16xi32>
        tpu.vector_store_idx %arg9[%add3A_282, %broadcast_in_dim3A_424], %get3A_422 : memref<768x16xf32, #tpu.memory_space<vmem>>[vector<16xi32>, vector<16xi32>], vector<16xf32>,
        %mul3A_425 = arith.constant 16 : i32
        %mul3A_426 = arith.muli %rem3A_278, %mul3A_425 : i32
        %get3A_427 = arith.constant 1 : i32
        %get3A_428 = arith.constant 5 : i32
        %get3A_429 = arith.index_cast %get3A_427 : i32 to index
        %get3A_430 = arith.index_cast %select_n3A : i32 to index
        %get3A_431 = arith.index_cast %get3A_428 : i32 to index
        %get3A_432 = arith.index_cast %mul3A_426 : i32 to index
        %get3A_433 = tpu.vector_load %arg7[%get3A_429, %get3A_430, %get3A_431, %get3A_432] {strides = array<i32>} : memref<2x6x8x128xf32, #tpu.memory_space<vmem>>, vector<16xf32>,
        %broadcast_in_dim3A_434 = arith.constant 13 : i32
        %broadcast_in_dim3A_435 = vector.broadcast %broadcast_in_dim3A_434 : i32 to vector<16xi32>
        tpu.vector_store_idx %arg9[%add3A_282, %broadcast_in_dim3A_435], %get3A_433 : memref<768x16xf32, #tpu.memory_space<vmem>>[vector<16xi32>, vector<16xi32>], vector<16xf32>,
        %mul3A_436 = arith.constant 16 : i32
        %mul3A_437 = arith.muli %rem3A_278, %mul3A_436 : i32
        %get3A_438 = arith.constant 1 : i32
        %get3A_439 = arith.constant 6 : i32
        %get3A_440 = arith.index_cast %get3A_438 : i32 to index
        %get3A_441 = arith.index_cast %select_n3A : i32 to index
        %get3A_442 = arith.index_cast %get3A_439 : i32 to index
        %get3A_443 = arith.index_cast %mul3A_437 : i32 to index
        %get3A_444 = tpu.vector_load %arg7[%get3A_440, %get3A_441, %get3A_442, %get3A_443] {strides = array<i32>} : memref<2x6x8x128xf32, #tpu.memory_space<vmem>>, vector<16xf32>,
        %broadcast_in_dim3A_445 = arith.constant 14 : i32
        %broadcast_in_dim3A_446 = vector.broadcast %broadcast_in_dim3A_445 : i32 to vector<16xi32>
        tpu.vector_store_idx %arg9[%add3A_282, %broadcast_in_dim3A_446], %get3A_444 : memref<768x16xf32, #tpu.memory_space<vmem>>[vector<16xi32>, vector<16xi32>], vector<16xf32>,
        %mul3A_447 = arith.constant 16 : i32
        %mul3A_448 = arith.muli %rem3A_278, %mul3A_447 : i32
        %get3A_449 = arith.constant 1 : i32
        %get3A_450 = arith.constant 7 : i32
        %get3A_451 = arith.index_cast %get3A_449 : i32 to index
        %get3A_452 = arith.index_cast %select_n3A : i32 to index
        %get3A_453 = arith.index_cast %get3A_450 : i32 to index
        %get3A_454 = arith.index_cast %mul3A_448 : i32 to index
        %get3A_455 = tpu.vector_load %arg7[%get3A_451, %get3A_452, %get3A_453, %get3A_454] {strides = array<i32>} : memref<2x6x8x128xf32, #tpu.memory_space<vmem>>, vector<16xf32>,
        %broadcast_in_dim3A_456 = arith.constant 15 : i32
        %broadcast_in_dim3A_457 = vector.broadcast %broadcast_in_dim3A_456 : i32 to vector<16xi32>
        tpu.vector_store_idx %arg9[%add3A_282, %broadcast_in_dim3A_457], %get3A_455 : memref<768x16xf32, #tpu.memory_space<vmem>>[vector<16xi32>, vector<16xi32>], vector<16xf32>,
      }
      %scan3A_257 = arith.constant 8 : i32
      %run_scoped3A_258 = arith.constant 78 : i32
      "tpu.region"() ({
        %run_scoped3A_260 = tpu.sem_alloc : memref<!tpu.dma_semaphore, #tpu.memory_space<semaphore_mem>>
        %dma_start3A_261 = arith.constant 0 : i32
        %dma_start3A_262 = arith.constant 0 : i32
        %dma_start3A_263 = tpu.memref_slice %arg9[%dma_start3A_261, %dma_start3A_262] : memref<768x16xf32, #tpu.memory_space<vmem>> -> memref<128x16xf32, #tpu.memory_space<vmem>>
        %dma_start3A_264 = arith.constant 0 : i32
        %dma_start3A_265 = tpu.memref_slice %arg6[%run_scoped3A_258, %dma_start3A_264] : memref<79x128xi32, #tpu.memory_space<vmem>> -> memref<1x128xi32, #tpu.memory_space<vmem>>
        %dma_start3A_266 = tpu.memref_squeeze %dma_start3A_265 : memref<1x128xi32, #tpu.memory_space<vmem>> -> memref<128xi32, #tpu.memory_space<vmem>>
        %dma_start3A_267 = arith.constant 0 : i32
        %dma_start3A_268 = arith.constant 0 : i32
        %dma_start3A_269 = tpu.memref_slice %arg13[%dma_start3A_267, %dma_start3A_268] : memref<10000x16xf32, #tpu.memory_space<vmem_shared>> -> memref<10000x16xf32, #tpu.memory_space<vmem_shared>>
        tpu.enqueue_indirect_dma source(%dma_start3A_263 : memref<128x16xf32, #tpu.memory_space<vmem>>) target(%dma_start3A_269 : memref<10000x16xf32, #tpu.memory_space<vmem_shared>>) offsets(%dma_start3A_266 : memref<128xi32, #tpu.memory_space<vmem>>) semaphore(%run_scoped3A_260 : memref<!tpu.dma_semaphore, #tpu.memory_space<semaphore_mem>>) {add = true}
        %dma_wait3A_270 = arith.constant 0 : i32
        %dma_wait3A_271 = arith.constant 0 : i32
        %dma_wait3A_272 = tpu.memref_slice %arg9[%dma_wait3A_270, %dma_wait3A_271] : memref<768x16xf32, #tpu.memory_space<vmem>> -> memref<128x16xf32, #tpu.memory_space<vmem>>
        %dma_wait3A_273 = arith.constant 0 : i32
        %dma_wait3A_274 = tpu.memref_slice %arg6[%run_scoped3A_258, %dma_wait3A_273] : memref<79x128xi32, #tpu.memory_space<vmem>> -> memref<1x128xi32, #tpu.memory_space<vmem>>
        %dma_wait3A_275 = tpu.memref_squeeze %dma_wait3A_274 : memref<1x128xi32, #tpu.memory_space<vmem>> -> memref<128xi32, #tpu.memory_space<vmem>>
        %dma_wait3A_276 = arith.constant 0 : i32
        %dma_wait3A_277 = arith.constant 0 : i32
        %dma_wait3A_278 = tpu.memref_slice %arg13[%dma_wait3A_276, %dma_wait3A_277] : memref<10000x16xf32, #tpu.memory_space<vmem_shared>> -> memref<10000x16xf32, #tpu.memory_space<vmem_shared>>
        tpu.wait_indirect_dma semaphore(%run_scoped3A_260 : memref<!tpu.dma_semaphore, #tpu.memory_space<semaphore_mem>>) src(%dma_wait3A_272 : memref<128x16xf32, #tpu.memory_space<vmem>>) dst(%dma_wait3A_278 : memref<10000x16xf32, #tpu.memory_space<vmem_shared>>)
        tpu.yield
      }) : () -> ()
      %run_scoped3A_259 = arith.constant 78 : i32
      "tpu.region"() ({
        %run_scoped3A_260 = tpu.sem_alloc : memref<!tpu.dma_semaphore, #tpu.memory_space<semaphore_mem>>
        %dma_start3A_261 = arith.constant 0 : i32
        %dma_start3A_262 = tpu.memref_slice %arg6[%run_scoped3A_259, %dma_start3A_261] : memref<79x128xi32, #tpu.memory_space<vmem>> -> memref<1x128xi32, #tpu.memory_space<vmem>>
        %dma_start3A_263 = tpu.memref_squeeze %dma_start3A_262 : memref<1x128xi32, #tpu.memory_space<vmem>> -> memref<128xi32, #tpu.memory_space<vmem>>
        %dma_start3A_264 = arith.constant 0 : i32
        %dma_start3A_265 = arith.constant 0 : i32
        %dma_start3A_266 = tpu.memref_slice %arg14[%dma_start3A_264, %dma_start3A_265] : memref<10000x16xf32, #tpu.memory_space<vmem_shared>> -> memref<10000x16xf32, #tpu.memory_space<vmem_shared>>
        tpu.enqueue_indirect_dma source(%arg11 : memref<128x16xf32, #tpu.memory_space<vmem>>) target(%dma_start3A_266 : memref<10000x16xf32, #tpu.memory_space<vmem_shared>>) offsets(%dma_start3A_263 : memref<128xi32, #tpu.memory_space<vmem>>) semaphore(%run_scoped3A_260 : memref<!tpu.dma_semaphore, #tpu.memory_space<semaphore_mem>>) {add = true}
        %dma_wait3A_267 = arith.constant 0 : i32
        %dma_wait3A_268 = tpu.memref_slice %arg6[%run_scoped3A_259, %dma_wait3A_267] : memref<79x128xi32, #tpu.memory_space<vmem>> -> memref<1x128xi32, #tpu.memory_space<vmem>>
        %dma_wait3A_269 = tpu.memref_squeeze %dma_wait3A_268 : memref<1x128xi32, #tpu.memory_space<vmem>> -> memref<128xi32, #tpu.memory_space<vmem>>
        %dma_wait3A_270 = arith.constant 0 : i32
        %dma_wait3A_271 = arith.constant 0 : i32
        %dma_wait3A_272 = tpu.memref_slice %arg14[%dma_wait3A_270, %dma_wait3A_271] : memref<10000x16xf32, #tpu.memory_space<vmem_shared>> -> memref<10000x16xf32, #tpu.memory_space<vmem_shared>>
        tpu.wait_indirect_dma semaphore(%run_scoped3A_260 : memref<!tpu.dma_semaphore, #tpu.memory_space<semaphore_mem>>) src(%arg11 : memref<128x16xf32, #tpu.memory_space<vmem>>) dst(%dma_wait3A_272 : memref<10000x16xf32, #tpu.memory_space<vmem_shared>>)
        tpu.yield
      }) : () -> ()
    } else {
    }
    %barrier3A_244 = arith.constant 0 : index
    tpu.barrier barrier_id(%barrier3A_244)
    "tpu.region"() ({
      %run_scoped3A_250 = tpu.sem_alloc : memref<!tpu.dma_semaphore, #tpu.memory_space<semaphore_mem>>
      %dma_start3A_251 = arith.constant 0 : i32
      %dma_start3A_252 = tpu.memref_slice %arg13[%mul3A_8, %dma_start3A_251] : memref<10000x16xf32, #tpu.memory_space<vmem_shared>> -> memref<624x16xf32, #tpu.memory_space<vmem_shared>>
      %dma_start3A_253 = arith.constant 0 : i32
      %dma_start3A_254 = tpu.memref_slice %arg13[%mul3A_8, %dma_start3A_253] : memref<10000x16xf32, #tpu.memory_space<vmem_shared>> -> memref<624x16xf32, #tpu.memory_space<vmem_shared>>
      tpu.enqueue_dma source(%dma_start3A_254 : memref<624x16xf32, #tpu.memory_space<vmem_shared>>) target(%arg12 : memref<624x16xf32, #tpu.memory_space<vmem>>) target_semaphore(%run_scoped3A_250 : memref<!tpu.dma_semaphore, #tpu.memory_space<semaphore_mem>>)
      %dma_wait3A_255 = arith.constant 0 : i32
      %dma_wait3A_256 = tpu.memref_slice %arg13[%mul3A_8, %dma_wait3A_255] : memref<10000x16xf32, #tpu.memory_space<vmem_shared>> -> memref<624x16xf32, #tpu.memory_space<vmem_shared>>
      %dma_wait3A_257 = arith.constant 0 : i32
      %dma_wait3A_258 = tpu.memref_slice %arg13[%mul3A_8, %dma_wait3A_257] : memref<10000x16xf32, #tpu.memory_space<vmem_shared>> -> memref<624x16xf32, #tpu.memory_space<vmem_shared>>
      tpu.wait_dma2 semaphore(%run_scoped3A_250 : memref<!tpu.dma_semaphore, #tpu.memory_space<semaphore_mem>>) src(%dma_wait3A_258 : memref<624x16xf32, #tpu.memory_space<vmem_shared>>) dst(%arg12 : memref<624x16xf32, #tpu.memory_space<vmem>>)
      tpu.yield
    }) : () -> ()
    "tpu.region"() ({
      %run_scoped3A_250 = tpu.sem_alloc : memref<!tpu.dma_semaphore, #tpu.memory_space<semaphore_mem>>
      %dma_start3A_251 = arith.constant 0 : i32
      %dma_start3A_252 = arith.constant 0 : i32
      %dma_start3A_253 = tpu.memref_slice %arg4[%arg0, %dma_start3A_251, %dma_start3A_252] : memref<2x10048x16xf32, #tpu.memory_space<hbm>> -> memref<1x10048x16xf32, #tpu.memory_space<hbm>>
      %dma_start3A_254 = tpu.memref_squeeze %dma_start3A_253 : memref<1x10048x16xf32, #tpu.memory_space<hbm>> -> memref<10048x16xf32, #tpu.memory_space<hbm>>
      %dma_start3A_255 = arith.constant 0 : i32
      %dma_start3A_256 = tpu.memref_slice %dma_start3A_254[%mul3A_8, %dma_start3A_255] : memref<10048x16xf32, #tpu.memory_space<hbm>> -> memref<624x16xf32, #tpu.memory_space<hbm>>
      %dma_start3A_257 = arith.constant 0 : i32
      %dma_start3A_258 = arith.constant 0 : i32
      %dma_start3A_259 = tpu.memref_slice %arg4[%arg0, %dma_start3A_257, %dma_start3A_258] : memref<2x10048x16xf32, #tpu.memory_space<hbm>> -> memref<1x10048x16xf32, #tpu.memory_space<hbm>>
      %dma_start3A_260 = tpu.memref_squeeze %dma_start3A_259 : memref<1x10048x16xf32, #tpu.memory_space<hbm>> -> memref<10048x16xf32, #tpu.memory_space<hbm>>
      %dma_start3A_261 = arith.constant 0 : i32
      %dma_start3A_262 = tpu.memref_slice %dma_start3A_260[%mul3A_8, %dma_start3A_261] : memref<10048x16xf32, #tpu.memory_space<hbm>> -> memref<624x16xf32, #tpu.memory_space<hbm>>
      tpu.enqueue_dma source(%arg12 : memref<624x16xf32, #tpu.memory_space<vmem>>) target(%dma_start3A_262 : memref<624x16xf32, #tpu.memory_space<hbm>>) target_semaphore(%run_scoped3A_250 : memref<!tpu.dma_semaphore, #tpu.memory_space<semaphore_mem>>)
      %dma_wait3A_263 = arith.constant 0 : i32
      %dma_wait3A_264 = arith.constant 0 : i32
      %dma_wait3A_265 = tpu.memref_slice %arg4[%arg0, %dma_wait3A_263, %dma_wait3A_264] : memref<2x10048x16xf32, #tpu.memory_space<hbm>> -> memref<1x10048x16xf32, #tpu.memory_space<hbm>>
      %dma_wait3A_266 = tpu.memref_squeeze %dma_wait3A_265 : memref<1x10048x16xf32, #tpu.memory_space<hbm>> -> memref<10048x16xf32, #tpu.memory_space<hbm>>
      %dma_wait3A_267 = arith.constant 0 : i32
      %dma_wait3A_268 = tpu.memref_slice %dma_wait3A_266[%mul3A_8, %dma_wait3A_267] : memref<10048x16xf32, #tpu.memory_space<hbm>> -> memref<624x16xf32, #tpu.memory_space<hbm>>
      %dma_wait3A_269 = arith.constant 0 : i32
      %dma_wait3A_270 = arith.constant 0 : i32
      %dma_wait3A_271 = tpu.memref_slice %arg4[%arg0, %dma_wait3A_269, %dma_wait3A_270] : memref<2x10048x16xf32, #tpu.memory_space<hbm>> -> memref<1x10048x16xf32, #tpu.memory_space<hbm>>
      %dma_wait3A_272 = tpu.memref_squeeze %dma_wait3A_271 : memref<1x10048x16xf32, #tpu.memory_space<hbm>> -> memref<10048x16xf32, #tpu.memory_space<hbm>>
      %dma_wait3A_273 = arith.constant 0 : i32
      %dma_wait3A_274 = tpu.memref_slice %dma_wait3A_272[%mul3A_8, %dma_wait3A_273] : memref<10048x16xf32, #tpu.memory_space<hbm>> -> memref<624x16xf32, #tpu.memory_space<hbm>>
      tpu.wait_dma2 semaphore(%run_scoped3A_250 : memref<!tpu.dma_semaphore, #tpu.memory_space<semaphore_mem>>) src(%arg12 : memref<624x16xf32, #tpu.memory_space<vmem>>) dst(%dma_wait3A_274 : memref<624x16xf32, #tpu.memory_space<hbm>>)
      tpu.yield
    }) : () -> ()
    "tpu.region"() ({
      %run_scoped3A_250 = tpu.sem_alloc : memref<!tpu.dma_semaphore, #tpu.memory_space<semaphore_mem>>
      %dma_start3A_251 = arith.constant 0 : i32
      %dma_start3A_252 = tpu.memref_slice %arg14[%mul3A_8, %dma_start3A_251] : memref<10000x16xf32, #tpu.memory_space<vmem_shared>> -> memref<624x16xf32, #tpu.memory_space<vmem_shared>>
      %dma_start3A_253 = arith.constant 0 : i32
      %dma_start3A_254 = tpu.memref_slice %arg14[%mul3A_8, %dma_start3A_253] : memref<10000x16xf32, #tpu.memory_space<vmem_shared>> -> memref<624x16xf32, #tpu.memory_space<vmem_shared>>
      tpu.enqueue_dma source(%dma_start3A_254 : memref<624x16xf32, #tpu.memory_space<vmem_shared>>) target(%arg12 : memref<624x16xf32, #tpu.memory_space<vmem>>) target_semaphore(%run_scoped3A_250 : memref<!tpu.dma_semaphore, #tpu.memory_space<semaphore_mem>>)
      %dma_wait3A_255 = arith.constant 0 : i32
      %dma_wait3A_256 = tpu.memref_slice %arg14[%mul3A_8, %dma_wait3A_255] : memref<10000x16xf32, #tpu.memory_space<vmem_shared>> -> memref<624x16xf32, #tpu.memory_space<vmem_shared>>
      %dma_wait3A_257 = arith.constant 0 : i32
      %dma_wait3A_258 = tpu.memref_slice %arg14[%mul3A_8, %dma_wait3A_257] : memref<10000x16xf32, #tpu.memory_space<vmem_shared>> -> memref<624x16xf32, #tpu.memory_space<vmem_shared>>
      tpu.wait_dma2 semaphore(%run_scoped3A_250 : memref<!tpu.dma_semaphore, #tpu.memory_space<semaphore_mem>>) src(%dma_wait3A_258 : memref<624x16xf32, #tpu.memory_space<vmem_shared>>) dst(%arg12 : memref<624x16xf32, #tpu.memory_space<vmem>>)
      tpu.yield
    }) : () -> ()
    "tpu.region"() ({
      %run_scoped3A_250 = tpu.sem_alloc : memref<!tpu.dma_semaphore, #tpu.memory_space<semaphore_mem>>
      %dma_start3A_251 = arith.constant 0 : i32
      %dma_start3A_252 = arith.constant 0 : i32
      %dma_start3A_253 = tpu.memref_slice %arg5[%arg0, %dma_start3A_251, %dma_start3A_252] : memref<2x10048x16xf32, #tpu.memory_space<hbm>> -> memref<1x10048x16xf32, #tpu.memory_space<hbm>>
      %dma_start3A_254 = tpu.memref_squeeze %dma_start3A_253 : memref<1x10048x16xf32, #tpu.memory_space<hbm>> -> memref<10048x16xf32, #tpu.memory_space<hbm>>
      %dma_start3A_255 = arith.constant 0 : i32
      %dma_start3A_256 = tpu.memref_slice %dma_start3A_254[%mul3A_8, %dma_start3A_255] : memref<10048x16xf32, #tpu.memory_space<hbm>> -> memref<624x16xf32, #tpu.memory_space<hbm>>
      %dma_start3A_257 = arith.constant 0 : i32
      %dma_start3A_258 = arith.constant 0 : i32
      %dma_start3A_259 = tpu.memref_slice %arg5[%arg0, %dma_start3A_257, %dma_start3A_258] : memref<2x10048x16xf32, #tpu.memory_space<hbm>> -> memref<1x10048x16xf32, #tpu.memory_space<hbm>>
      %dma_start3A_260 = tpu.memref_squeeze %dma_start3A_259 : memref<1x10048x16xf32, #tpu.memory_space<hbm>> -> memref<10048x16xf32, #tpu.memory_space<hbm>>
      %dma_start3A_261 = arith.constant 0 : i32
      %dma_start3A_262 = tpu.memref_slice %dma_start3A_260[%mul3A_8, %dma_start3A_261] : memref<10048x16xf32, #tpu.memory_space<hbm>> -> memref<624x16xf32, #tpu.memory_space<hbm>>
      tpu.enqueue_dma source(%arg12 : memref<624x16xf32, #tpu.memory_space<vmem>>) target(%dma_start3A_262 : memref<624x16xf32, #tpu.memory_space<hbm>>) target_semaphore(%run_scoped3A_250 : memref<!tpu.dma_semaphore, #tpu.memory_space<semaphore_mem>>)
      %dma_wait3A_263 = arith.constant 0 : i32
      %dma_wait3A_264 = arith.constant 0 : i32
      %dma_wait3A_265 = tpu.memref_slice %arg5[%arg0, %dma_wait3A_263, %dma_wait3A_264] : memref<2x10048x16xf32, #tpu.memory_space<hbm>> -> memref<1x10048x16xf32, #tpu.memory_space<hbm>>
      %dma_wait3A_266 = tpu.memref_squeeze %dma_wait3A_265 : memref<1x10048x16xf32, #tpu.memory_space<hbm>> -> memref<10048x16xf32, #tpu.memory_space<hbm>>
      %dma_wait3A_267 = arith.constant 0 : i32
      %dma_wait3A_268 = tpu.memref_slice %dma_wait3A_266[%mul3A_8, %dma_wait3A_267] : memref<10048x16xf32, #tpu.memory_space<hbm>> -> memref<624x16xf32, #tpu.memory_space<hbm>>
      %dma_wait3A_269 = arith.constant 0 : i32
      %dma_wait3A_270 = arith.constant 0 : i32
      %dma_wait3A_271 = tpu.memref_slice %arg5[%arg0, %dma_wait3A_269, %dma_wait3A_270] : memref<2x10048x16xf32, #tpu.memory_space<hbm>> -> memref<1x10048x16xf32, #tpu.memory_space<hbm>>
      %dma_wait3A_272 = tpu.memref_squeeze %dma_wait3A_271 : memref<1x10048x16xf32, #tpu.memory_space<hbm>> -> memref<10048x16xf32, #tpu.memory_space<hbm>>
      %dma_wait3A_273 = arith.constant 0 : i32
      %dma_wait3A_274 = tpu.memref_slice %dma_wait3A_272[%mul3A_8, %dma_wait3A_273] : memref<10048x16xf32, #tpu.memory_space<hbm>> -> memref<624x16xf32, #tpu.memory_space<hbm>>
      tpu.wait_dma2 semaphore(%run_scoped3A_250 : memref<!tpu.dma_semaphore, #tpu.memory_space<semaphore_mem>>) src(%arg12 : memref<624x16xf32, #tpu.memory_space<vmem>>) dst(%dma_wait3A_274 : memref<624x16xf32, #tpu.memory_space<hbm>>)
      tpu.yield
    }) : () -> ()
    %eq3A_245 = arith.constant 0 : i32
    %eq3A_246 = arith.cmpi eq, %arg1, %eq3A_245 : i32
    %convert_element_type3A_247 = arith.extui %eq3A_246 : i1 to i32
    %cond3A_248 = arith.constant 0 : i32
    %cond3A_249 = arith.cmpi ne, %convert_element_type3A_247, %cond3A_248 : i32
    scf.if %cond3A_249 {
      "tpu.region"() ({
        %run_scoped3A_250 = tpu.sem_alloc : memref<!tpu.dma_semaphore, #tpu.memory_space<semaphore_mem>>
        %dma_start3A_251 = arith.constant 0 : i32
        %dma_start3A_252 = arith.constant 0 : i32
        %dma_start3A_253 = tpu.memref_slice %arg12[%dma_start3A_251, %dma_start3A_252] : memref<624x16xf32, #tpu.memory_space<vmem>> -> memref<16x16xf32, #tpu.memory_space<vmem>>
        %dma_start3A_254 = arith.constant 9984 : i32
        %dma_start3A_255 = arith.constant 0 : i32
        %dma_start3A_256 = tpu.memref_slice %arg13[%dma_start3A_254, %dma_start3A_255] : memref<10000x16xf32, #tpu.memory_space<vmem_shared>> -> memref<16x16xf32, #tpu.memory_space<vmem_shared>>
        %dma_start3A_257 = arith.constant 0 : i32
        %dma_start3A_258 = arith.constant 0 : i32
        %dma_start3A_259 = tpu.memref_slice %arg12[%dma_start3A_257, %dma_start3A_258] : memref<624x16xf32, #tpu.memory_space<vmem>> -> memref<16x16xf32, #tpu.memory_space<vmem>>
        %dma_start3A_260 = arith.constant 9984 : i32
        %dma_start3A_261 = arith.constant 0 : i32
        %dma_start3A_262 = tpu.memref_slice %arg13[%dma_start3A_260, %dma_start3A_261] : memref<10000x16xf32, #tpu.memory_space<vmem_shared>> -> memref<16x16xf32, #tpu.memory_space<vmem_shared>>
        tpu.enqueue_dma source(%dma_start3A_262 : memref<16x16xf32, #tpu.memory_space<vmem_shared>>) target(%dma_start3A_259 : memref<16x16xf32, #tpu.memory_space<vmem>>) target_semaphore(%run_scoped3A_250 : memref<!tpu.dma_semaphore, #tpu.memory_space<semaphore_mem>>)
        %dma_wait3A_263 = arith.constant 0 : i32
        %dma_wait3A_264 = arith.constant 0 : i32
        %dma_wait3A_265 = tpu.memref_slice %arg12[%dma_wait3A_263, %dma_wait3A_264] : memref<624x16xf32, #tpu.memory_space<vmem>> -> memref<16x16xf32, #tpu.memory_space<vmem>>
        %dma_wait3A_266 = arith.constant 9984 : i32
        %dma_wait3A_267 = arith.constant 0 : i32
        %dma_wait3A_268 = tpu.memref_slice %arg13[%dma_wait3A_266, %dma_wait3A_267] : memref<10000x16xf32, #tpu.memory_space<vmem_shared>> -> memref<16x16xf32, #tpu.memory_space<vmem_shared>>
        %dma_wait3A_269 = arith.constant 0 : i32
        %dma_wait3A_270 = arith.constant 0 : i32
        %dma_wait3A_271 = tpu.memref_slice %arg12[%dma_wait3A_269, %dma_wait3A_270] : memref<624x16xf32, #tpu.memory_space<vmem>> -> memref<16x16xf32, #tpu.memory_space<vmem>>
        %dma_wait3A_272 = arith.constant 9984 : i32
        %dma_wait3A_273 = arith.constant 0 : i32
        %dma_wait3A_274 = tpu.memref_slice %arg13[%dma_wait3A_272, %dma_wait3A_273] : memref<10000x16xf32, #tpu.memory_space<vmem_shared>> -> memref<16x16xf32, #tpu.memory_space<vmem_shared>>
        tpu.wait_dma2 semaphore(%run_scoped3A_250 : memref<!tpu.dma_semaphore, #tpu.memory_space<semaphore_mem>>) src(%dma_wait3A_274 : memref<16x16xf32, #tpu.memory_space<vmem_shared>>) dst(%dma_wait3A_271 : memref<16x16xf32, #tpu.memory_space<vmem>>)
        tpu.yield
      }) : () -> ()
      "tpu.region"() ({
        %run_scoped3A_250 = tpu.sem_alloc : memref<!tpu.dma_semaphore, #tpu.memory_space<semaphore_mem>>
        %dma_start3A_251 = arith.constant 0 : i32
        %dma_start3A_252 = arith.constant 0 : i32
        %dma_start3A_253 = tpu.memref_slice %arg12[%dma_start3A_251, %dma_start3A_252] : memref<624x16xf32, #tpu.memory_space<vmem>> -> memref<16x16xf32, #tpu.memory_space<vmem>>
        %dma_start3A_254 = arith.constant 0 : i32
        %dma_start3A_255 = arith.constant 0 : i32
        %dma_start3A_256 = tpu.memref_slice %arg4[%arg0, %dma_start3A_254, %dma_start3A_255] : memref<2x10048x16xf32, #tpu.memory_space<hbm>> -> memref<1x10048x16xf32, #tpu.memory_space<hbm>>
        %dma_start3A_257 = tpu.memref_squeeze %dma_start3A_256 : memref<1x10048x16xf32, #tpu.memory_space<hbm>> -> memref<10048x16xf32, #tpu.memory_space<hbm>>
        %dma_start3A_258 = arith.constant 9984 : i32
        %dma_start3A_259 = arith.constant 0 : i32
        %dma_start3A_260 = tpu.memref_slice %dma_start3A_257[%dma_start3A_258, %dma_start3A_259] : memref<10048x16xf32, #tpu.memory_space<hbm>> -> memref<16x16xf32, #tpu.memory_space<hbm>>
        %dma_start3A_261 = arith.constant 0 : i32
        %dma_start3A_262 = arith.constant 0 : i32
        %dma_start3A_263 = tpu.memref_slice %arg4[%arg0, %dma_start3A_261, %dma_start3A_262] : memref<2x10048x16xf32, #tpu.memory_space<hbm>> -> memref<1x10048x16xf32, #tpu.memory_space<hbm>>
        %dma_start3A_264 = tpu.memref_squeeze %dma_start3A_263 : memref<1x10048x16xf32, #tpu.memory_space<hbm>> -> memref<10048x16xf32, #tpu.memory_space<hbm>>
        %dma_start3A_265 = arith.constant 9984 : i32
        %dma_start3A_266 = arith.constant 0 : i32
        %dma_start3A_267 = tpu.memref_slice %dma_start3A_264[%dma_start3A_265, %dma_start3A_266] : memref<10048x16xf32, #tpu.memory_space<hbm>> -> memref<16x16xf32, #tpu.memory_space<hbm>>
        %dma_start3A_268 = arith.constant 0 : i32
        %dma_start3A_269 = arith.constant 0 : i32
        %dma_start3A_270 = tpu.memref_slice %arg12[%dma_start3A_268, %dma_start3A_269] : memref<624x16xf32, #tpu.memory_space<vmem>> -> memref<16x16xf32, #tpu.memory_space<vmem>>
        tpu.enqueue_dma source(%dma_start3A_270 : memref<16x16xf32, #tpu.memory_space<vmem>>) target(%dma_start3A_267 : memref<16x16xf32, #tpu.memory_space<hbm>>) target_semaphore(%run_scoped3A_250 : memref<!tpu.dma_semaphore, #tpu.memory_space<semaphore_mem>>)
        %dma_wait3A_271 = arith.constant 0 : i32
        %dma_wait3A_272 = arith.constant 0 : i32
        %dma_wait3A_273 = tpu.memref_slice %arg12[%dma_wait3A_271, %dma_wait3A_272] : memref<624x16xf32, #tpu.memory_space<vmem>> -> memref<16x16xf32, #tpu.memory_space<vmem>>
        %dma_wait3A_274 = arith.constant 0 : i32
        %dma_wait3A_275 = arith.constant 0 : i32
        %dma_wait3A_276 = tpu.memref_slice %arg4[%arg0, %dma_wait3A_274, %dma_wait3A_275] : memref<2x10048x16xf32, #tpu.memory_space<hbm>> -> memref<1x10048x16xf32, #tpu.memory_space<hbm>>
        %dma_wait3A_277 = tpu.memref_squeeze %dma_wait3A_276 : memref<1x10048x16xf32, #tpu.memory_space<hbm>> -> memref<10048x16xf32, #tpu.memory_space<hbm>>
        %dma_wait3A_278 = arith.constant 9984 : i32
        %dma_wait3A_279 = arith.constant 0 : i32
        %dma_wait3A_280 = tpu.memref_slice %dma_wait3A_277[%dma_wait3A_278, %dma_wait3A_279] : memref<10048x16xf32, #tpu.memory_space<hbm>> -> memref<16x16xf32, #tpu.memory_space<hbm>>
        %dma_wait3A_281 = arith.constant 0 : i32
        %dma_wait3A_282 = arith.constant 0 : i32
        %dma_wait3A_283 = tpu.memref_slice %arg4[%arg0, %dma_wait3A_281, %dma_wait3A_282] : memref<2x10048x16xf32, #tpu.memory_space<hbm>> -> memref<1x10048x16xf32, #tpu.memory_space<hbm>>
        %dma_wait3A_284 = tpu.memref_squeeze %dma_wait3A_283 : memref<1x10048x16xf32, #tpu.memory_space<hbm>> -> memref<10048x16xf32, #tpu.memory_space<hbm>>
        %dma_wait3A_285 = arith.constant 9984 : i32
        %dma_wait3A_286 = arith.constant 0 : i32
        %dma_wait3A_287 = tpu.memref_slice %dma_wait3A_284[%dma_wait3A_285, %dma_wait3A_286] : memref<10048x16xf32, #tpu.memory_space<hbm>> -> memref<16x16xf32, #tpu.memory_space<hbm>>
        %dma_wait3A_288 = arith.constant 0 : i32
        %dma_wait3A_289 = arith.constant 0 : i32
        %dma_wait3A_290 = tpu.memref_slice %arg12[%dma_wait3A_288, %dma_wait3A_289] : memref<624x16xf32, #tpu.memory_space<vmem>> -> memref<16x16xf32, #tpu.memory_space<vmem>>
        tpu.wait_dma2 semaphore(%run_scoped3A_250 : memref<!tpu.dma_semaphore, #tpu.memory_space<semaphore_mem>>) src(%dma_wait3A_290 : memref<16x16xf32, #tpu.memory_space<vmem>>) dst(%dma_wait3A_287 : memref<16x16xf32, #tpu.memory_space<hbm>>)
        tpu.yield
      }) : () -> ()
      "tpu.region"() ({
        %run_scoped3A_250 = tpu.sem_alloc : memref<!tpu.dma_semaphore, #tpu.memory_space<semaphore_mem>>
        %dma_start3A_251 = arith.constant 0 : i32
        %dma_start3A_252 = arith.constant 0 : i32
        %dma_start3A_253 = tpu.memref_slice %arg12[%dma_start3A_251, %dma_start3A_252] : memref<624x16xf32, #tpu.memory_space<vmem>> -> memref<16x16xf32, #tpu.memory_space<vmem>>
        %dma_start3A_254 = arith.constant 9984 : i32
        %dma_start3A_255 = arith.constant 0 : i32
        %dma_start3A_256 = tpu.memref_slice %arg14[%dma_start3A_254, %dma_start3A_255] : memref<10000x16xf32, #tpu.memory_space<vmem_shared>> -> memref<16x16xf32, #tpu.memory_space<vmem_shared>>
        %dma_start3A_257 = arith.constant 0 : i32
        %dma_start3A_258 = arith.constant 0 : i32
        %dma_start3A_259 = tpu.memref_slice %arg12[%dma_start3A_257, %dma_start3A_258] : memref<624x16xf32, #tpu.memory_space<vmem>> -> memref<16x16xf32, #tpu.memory_space<vmem>>
        %dma_start3A_260 = arith.constant 9984 : i32
        %dma_start3A_261 = arith.constant 0 : i32
        %dma_start3A_262 = tpu.memref_slice %arg14[%dma_start3A_260, %dma_start3A_261] : memref<10000x16xf32, #tpu.memory_space<vmem_shared>> -> memref<16x16xf32, #tpu.memory_space<vmem_shared>>
        tpu.enqueue_dma source(%dma_start3A_262 : memref<16x16xf32, #tpu.memory_space<vmem_shared>>) target(%dma_start3A_259 : memref<16x16xf32, #tpu.memory_space<vmem>>) target_semaphore(%run_scoped3A_250 : memref<!tpu.dma_semaphore, #tpu.memory_space<semaphore_mem>>)
        %dma_wait3A_263 = arith.constant 0 : i32
        %dma_wait3A_264 = arith.constant 0 : i32
        %dma_wait3A_265 = tpu.memref_slice %arg12[%dma_wait3A_263, %dma_wait3A_264] : memref<624x16xf32, #tpu.memory_space<vmem>> -> memref<16x16xf32, #tpu.memory_space<vmem>>
        %dma_wait3A_266 = arith.constant 9984 : i32
        %dma_wait3A_267 = arith.constant 0 : i32
        %dma_wait3A_268 = tpu.memref_slice %arg14[%dma_wait3A_266, %dma_wait3A_267] : memref<10000x16xf32, #tpu.memory_space<vmem_shared>> -> memref<16x16xf32, #tpu.memory_space<vmem_shared>>
        %dma_wait3A_269 = arith.constant 0 : i32
        %dma_wait3A_270 = arith.constant 0 : i32
        %dma_wait3A_271 = tpu.memref_slice %arg12[%dma_wait3A_269, %dma_wait3A_270] : memref<624x16xf32, #tpu.memory_space<vmem>> -> memref<16x16xf32, #tpu.memory_space<vmem>>
        %dma_wait3A_272 = arith.constant 9984 : i32
        %dma_wait3A_273 = arith.constant 0 : i32
        %dma_wait3A_274 = tpu.memref_slice %arg14[%dma_wait3A_272, %dma_wait3A_273] : memref<10000x16xf32, #tpu.memory_space<vmem_shared>> -> memref<16x16xf32, #tpu.memory_space<vmem_shared>>
        tpu.wait_dma2 semaphore(%run_scoped3A_250 : memref<!tpu.dma_semaphore, #tpu.memory_space<semaphore_mem>>) src(%dma_wait3A_274 : memref<16x16xf32, #tpu.memory_space<vmem_shared>>) dst(%dma_wait3A_271 : memref<16x16xf32, #tpu.memory_space<vmem>>)
        tpu.yield
      }) : () -> ()
      "tpu.region"() ({
        %run_scoped3A_250 = tpu.sem_alloc : memref<!tpu.dma_semaphore, #tpu.memory_space<semaphore_mem>>
        %dma_start3A_251 = arith.constant 0 : i32
        %dma_start3A_252 = arith.constant 0 : i32
        %dma_start3A_253 = tpu.memref_slice %arg12[%dma_start3A_251, %dma_start3A_252] : memref<624x16xf32, #tpu.memory_space<vmem>> -> memref<16x16xf32, #tpu.memory_space<vmem>>
        %dma_start3A_254 = arith.constant 0 : i32
        %dma_start3A_255 = arith.constant 0 : i32
        %dma_start3A_256 = tpu.memref_slice %arg5[%arg0, %dma_start3A_254, %dma_start3A_255] : memref<2x10048x16xf32, #tpu.memory_space<hbm>> -> memref<1x10048x16xf32, #tpu.memory_space<hbm>>
        %dma_start3A_257 = tpu.memref_squeeze %dma_start3A_256 : memref<1x10048x16xf32, #tpu.memory_space<hbm>> -> memref<10048x16xf32, #tpu.memory_space<hbm>>
        %dma_start3A_258 = arith.constant 9984 : i32
        %dma_start3A_259 = arith.constant 0 : i32
        %dma_start3A_260 = tpu.memref_slice %dma_start3A_257[%dma_start3A_258, %dma_start3A_259] : memref<10048x16xf32, #tpu.memory_space<hbm>> -> memref<16x16xf32, #tpu.memory_space<hbm>>
        %dma_start3A_261 = arith.constant 0 : i32
        %dma_start3A_262 = arith.constant 0 : i32
        %dma_start3A_263 = tpu.memref_slice %arg5[%arg0, %dma_start3A_261, %dma_start3A_262] : memref<2x10048x16xf32, #tpu.memory_space<hbm>> -> memref<1x10048x16xf32, #tpu.memory_space<hbm>>
        %dma_start3A_264 = tpu.memref_squeeze %dma_start3A_263 : memref<1x10048x16xf32, #tpu.memory_space<hbm>> -> memref<10048x16xf32, #tpu.memory_space<hbm>>
        %dma_start3A_265 = arith.constant 9984 : i32
        %dma_start3A_266 = arith.constant 0 : i32
        %dma_start3A_267 = tpu.memref_slice %dma_start3A_264[%dma_start3A_265, %dma_start3A_266] : memref<10048x16xf32, #tpu.memory_space<hbm>> -> memref<16x16xf32, #tpu.memory_space<hbm>>
        %dma_start3A_268 = arith.constant 0 : i32
        %dma_start3A_269 = arith.constant 0 : i32
        %dma_start3A_270 = tpu.memref_slice %arg12[%dma_start3A_268, %dma_start3A_269] : memref<624x16xf32, #tpu.memory_space<vmem>> -> memref<16x16xf32, #tpu.memory_space<vmem>>
        tpu.enqueue_dma source(%dma_start3A_270 : memref<16x16xf32, #tpu.memory_space<vmem>>) target(%dma_start3A_267 : memref<16x16xf32, #tpu.memory_space<hbm>>) target_semaphore(%run_scoped3A_250 : memref<!tpu.dma_semaphore, #tpu.memory_space<semaphore_mem>>)
        %dma_wait3A_271 = arith.constant 0 : i32
        %dma_wait3A_272 = arith.constant 0 : i32
        %dma_wait3A_273 = tpu.memref_slice %arg12[%dma_wait3A_271, %dma_wait3A_272] : memref<624x16xf32, #tpu.memory_space<vmem>> -> memref<16x16xf32, #tpu.memory_space<vmem>>
        %dma_wait3A_274 = arith.constant 0 : i32
        %dma_wait3A_275 = arith.constant 0 : i32
        %dma_wait3A_276 = tpu.memref_slice %arg5[%arg0, %dma_wait3A_274, %dma_wait3A_275] : memref<2x10048x16xf32, #tpu.memory_space<hbm>> -> memref<1x10048x16xf32, #tpu.memory_space<hbm>>
        %dma_wait3A_277 = tpu.memref_squeeze %dma_wait3A_276 : memref<1x10048x16xf32, #tpu.memory_space<hbm>> -> memref<10048x16xf32, #tpu.memory_space<hbm>>
        %dma_wait3A_278 = arith.constant 9984 : i32
        %dma_wait3A_279 = arith.constant 0 : i32
        %dma_wait3A_280 = tpu.memref_slice %dma_wait3A_277[%dma_wait3A_278, %dma_wait3A_279] : memref<10048x16xf32, #tpu.memory_space<hbm>> -> memref<16x16xf32, #tpu.memory_space<hbm>>
        %dma_wait3A_281 = arith.constant 0 : i32
        %dma_wait3A_282 = arith.constant 0 : i32
        %dma_wait3A_283 = tpu.memref_slice %arg5[%arg0, %dma_wait3A_281, %dma_wait3A_282] : memref<2x10048x16xf32, #tpu.memory_space<hbm>> -> memref<1x10048x16xf32, #tpu.memory_space<hbm>>
        %dma_wait3A_284 = tpu.memref_squeeze %dma_wait3A_283 : memref<1x10048x16xf32, #tpu.memory_space<hbm>> -> memref<10048x16xf32, #tpu.memory_space<hbm>>
        %dma_wait3A_285 = arith.constant 9984 : i32
        %dma_wait3A_286 = arith.constant 0 : i32
        %dma_wait3A_287 = tpu.memref_slice %dma_wait3A_284[%dma_wait3A_285, %dma_wait3A_286] : memref<10048x16xf32, #tpu.memory_space<hbm>> -> memref<16x16xf32, #tpu.memory_space<hbm>>
        %dma_wait3A_288 = arith.constant 0 : i32
        %dma_wait3A_289 = arith.constant 0 : i32
        %dma_wait3A_290 = tpu.memref_slice %arg12[%dma_wait3A_288, %dma_wait3A_289] : memref<624x16xf32, #tpu.memory_space<vmem>> -> memref<16x16xf32, #tpu.memory_space<vmem>>
        tpu.wait_dma2 semaphore(%run_scoped3A_250 : memref<!tpu.dma_semaphore, #tpu.memory_space<semaphore_mem>>) src(%dma_wait3A_290 : memref<16x16xf32, #tpu.memory_space<vmem>>) dst(%dma_wait3A_287 : memref<16x16xf32, #tpu.memory_space<hbm>>)
        tpu.yield
      }) : () -> ()
    } else {
    }
    return
  }
}

module attributes {stable_mosaic.version = 14 : i64} {
  func.func @_tc_node(%arg0: memref<10000x1xi32, #tpu.memory_space<vmem>>, %arg1: memref<10000x128xf32, #tpu.memory_space<vmem>>, %arg2: memref<64x128xf32, #tpu.memory_space<vmem>>, %arg3: memref<64x1xf32, #tpu.memory_space<vmem>>) attributes {dimension_semantics = [], scalar_prefetch = 0 : i64, scratch_operands = 0 : i64, tpu.core_type = #tpu.core_type<tc>} {
    %get3A = arith.constant 0 : index
    %get3A_0 = arith.constant 0 : index
    %get3A_1 = vector.load %arg0[%get3A, %get3A_0] : memref<10000x1xi32, #tpu.memory_space<vmem>>, vector<10000x1xi32>
    %iota3A = tpu.iota {dimensions = array<i32: 1>} : vector<10000x64xi32>
    %eq3A = vector.broadcast %get3A_1 : vector<10000x1xi32> to vector<10000x64xi32>
    %eq3A_2 = arith.cmpi eq, %eq3A, %iota3A : vector<10000x64xi32>
    %convert_element_type3A = arith.extui %eq3A_2 : vector<10000x64xi1> to vector<10000x64xi32>
    %convert_element_type3A_3 = arith.sitofp %convert_element_type3A : vector<10000x64xi32> to vector<10000x64xf32>
    %broadcast_in_dim3A = arith.constant 1.000000e+00 : f32
    %broadcast_in_dim3A_4 = vector.broadcast %broadcast_in_dim3A : f32 to vector<10000x1xf32>
    %dot_general3A = arith.constant dense<0.000000e+00> : vector<64x1xf32>
    %dot_general3A_5 = tpu.matmul %convert_element_type3A_3, %broadcast_in_dim3A_4, %dot_general3A {dimension_numbers = #tpu.dot_dimension_numbers<[0], [0], [1], [1], [0, 1, 1, 1], [], []>, transpose_lhs_hint = false} : vector<10000x64xf32>, vector<10000x1xf32>, vector<64x1xf32> -> vector<64x1xf32>
    %swap3A = arith.constant 0 : index
    %swap3A_6 = arith.constant 0 : index
    %swap3A_7 = vector.load %arg3[%swap3A, %swap3A_6] : memref<64x1xf32, #tpu.memory_space<vmem>>, vector<64x1xf32>
    tpu.vector_store %arg3[%swap3A, %swap3A_6], %dot_general3A_5 {strides = array<i32>} : memref<64x1xf32, #tpu.memory_space<vmem>>, vector<64x1xf32>,
    %get3A_8 = arith.constant 0 : index
    %get3A_9 = arith.constant 0 : index
    %get3A_10 = vector.load %arg1[%get3A_8, %get3A_9] : memref<10000x128xf32, #tpu.memory_space<vmem>>, vector<10000x128xf32>
    %dot_general3A_11 = arith.constant dense<0.000000e+00> : vector<64x128xf32>
    %dot_general3A_12 = tpu.matmul %convert_element_type3A_3, %get3A_10, %dot_general3A_11 {dimension_numbers = #tpu.dot_dimension_numbers<[0], [0], [1], [1], [0, 1, 1, 1], [], []>, transpose_lhs_hint = false} : vector<10000x64xf32>, vector<10000x128xf32>, vector<64x128xf32> -> vector<64x128xf32>
    %swap3A_13 = arith.constant 0 : index
    %swap3A_14 = arith.constant 0 : index
    %swap3A_15 = vector.load %arg2[%swap3A_13, %swap3A_14] : memref<64x128xf32, #tpu.memory_space<vmem>>, vector<64x128xf32>
    tpu.vector_store %arg2[%swap3A_13, %swap3A_14], %dot_general3A_12 {strides = array<i32>} : memref<64x128xf32, #tpu.memory_space<vmem>>, vector<64x128xf32>,
    return
  }
}

module attributes {stable_mosaic.version = 14 : i64} {
  func.func @_tc_final(%arg0: memref<1256x8xi32, #tpu.memory_space<vmem>>, %arg1: memref<2x1256x128xf32, #tpu.memory_space<vmem>>, %arg2: memref<2x1256x128xf32, #tpu.memory_space<vmem>>, %arg3: memref<64x128xf32, #tpu.memory_space<vmem>>, %arg4: memref<64x1xf32, #tpu.memory_space<vmem>>, %arg5: memref<64x64xf32, #tpu.memory_space<vmem>>, %arg6: memref<208x256xf32, #tpu.memory_space<vmem>>, %arg7: memref<1x256xf32, #tpu.memory_space<vmem>>, %arg8: memref<256x256xf32, #tpu.memory_space<vmem>>, %arg9: memref<1x256xf32, #tpu.memory_space<vmem>>, %arg10: memref<256x256xf32, #tpu.memory_space<vmem>>, %arg11: memref<1x256xf32, #tpu.memory_space<vmem>>, %arg12: memref<256x128xf32, #tpu.memory_space<vmem>>, %arg13: memref<1x128xf32, #tpu.memory_space<vmem>>, %arg14: memref<1x128xf32, #tpu.memory_space<vmem>>, %arg15: memref<64x128xf32, #tpu.memory_space<vmem>>) attributes {dimension_semantics = [], scalar_prefetch = 0 : i64, scratch_operands = 0 : i64, tpu.core_type = #tpu.core_type<tc>} {
    %get3A = arith.constant 0 : index
    %get3A_0 = arith.constant 0 : index
    %get3A_1 = vector.load %arg4[%get3A, %get3A_0] : memref<64x1xf32, #tpu.memory_space<vmem>>, vector<64x1xf32>
    %max3A = arith.constant 1.000000e+00 : f32
    %max3A_2 = vector.broadcast %max3A : f32 to vector<64x1xf32>
    %max3A_3 = arith.maximumf %get3A_1, %max3A_2 : vector<64x1xf32>
    %get3A_4 = arith.constant 0 : index
    %get3A_5 = arith.constant 0 : index
    %get3A_6 = vector.load %arg3[%get3A_4, %get3A_5] : memref<64x128xf32, #tpu.memory_space<vmem>>, vector<64x128xf32>
    %div3A = vector.broadcast %max3A_3 : vector<64x1xf32> to vector<64x128xf32>
    %div3A_7 = arith.divf %get3A_6, %div3A : vector<64x128xf32>
    %get3A_8 = arith.constant 0 : index
    %get3A_9 = arith.constant 0 : index
    %get3A_10 = arith.constant 0 : index
    %get3A_11 = vector.load %arg1[%get3A_8, %get3A_9, %get3A_10] : memref<2x1256x128xf32, #tpu.memory_space<vmem>>, vector<1x1256x128xf32>
    %get3A_12 = vector.shape_cast %get3A_11 : vector<1x1256x128xf32> to vector<1256x128xf32>
    %get3A_13 = arith.constant 1 : index
    %get3A_14 = arith.constant 0 : index
    %get3A_15 = arith.constant 0 : index
    %get3A_16 = vector.load %arg1[%get3A_13, %get3A_14, %get3A_15] : memref<2x1256x128xf32, #tpu.memory_space<vmem>>, vector<1x1256x128xf32>
    %get3A_17 = vector.shape_cast %get3A_16 : vector<1x1256x128xf32> to vector<1256x128xf32>
    %add3A = arith.addf %get3A_12, %get3A_17 : vector<1256x128xf32>
    %get3A_18 = arith.constant 0 : index
    %get3A_19 = arith.constant 0 : index
    %get3A_20 = arith.constant 0 : index
    %get3A_21 = vector.load %arg2[%get3A_18, %get3A_19, %get3A_20] : memref<2x1256x128xf32, #tpu.memory_space<vmem>>, vector<1x1256x128xf32>
    %get3A_22 = vector.shape_cast %get3A_21 : vector<1x1256x128xf32> to vector<1256x128xf32>
    %get3A_23 = arith.constant 1 : index
    %get3A_24 = arith.constant 0 : index
    %get3A_25 = arith.constant 0 : index
    %get3A_26 = vector.load %arg2[%get3A_23, %get3A_24, %get3A_25] : memref<2x1256x128xf32, #tpu.memory_space<vmem>>, vector<1x1256x128xf32>
    %get3A_27 = vector.shape_cast %get3A_26 : vector<1x1256x128xf32> to vector<1256x128xf32>
    %add3A_28 = arith.addf %get3A_22, %get3A_27 : vector<1256x128xf32>
    %iota3A = tpu.iota {dimensions = array<i32: 1>} : vector<1256x64xi32>
    %broadcast_in_dim3A = arith.constant 0.000000e+00 : f32
    %broadcast_in_dim3A_29 = vector.broadcast %broadcast_in_dim3A : f32 to vector<64x16xf32>
    %get3A_30 = arith.constant 0 : index
    %get3A_31 = arith.constant 0 : index
    %get3A_32 = vector.load %arg0[%get3A_30, %get3A_31] : memref<1256x8xi32, #tpu.memory_space<vmem>>, vector<1256x1xi32>
    %eq3A = vector.broadcast %get3A_32 : vector<1256x1xi32> to vector<1256x64xi32>
    %eq3A_33 = arith.cmpi eq, %eq3A, %iota3A : vector<1256x64xi32>
    %convert_element_type3A = arith.extui %eq3A_33 : vector<1256x64xi1> to vector<1256x64xi32>
    %convert_element_type3A_34 = arith.sitofp %convert_element_type3A : vector<1256x64xi32> to vector<1256x64xf32>
    %slice3A = vector.extract_strided_slice %add3A_28 {offsets = [0, 0], sizes = [1256, 1], strides = [1, 1]} : vector<1256x128xf32> to vector<1256x1xf32>
    %max3A_35 = arith.constant 1.000000e+00 : f32
    %max3A_36 = vector.broadcast %max3A_35 : f32 to vector<1256x1xf32>
    %max3A_37 = arith.maximumf %slice3A, %max3A_36 : vector<1256x1xf32>
    %div3A_38 = vector.broadcast %max3A_37 : vector<1256x1xf32> to vector<1256x64xf32>
    %div3A_39 = arith.divf %convert_element_type3A_34, %div3A_38 : vector<1256x64xf32>
    %slice3A_40 = vector.extract_strided_slice %add3A {offsets = [0, 0], sizes = [1256, 16], strides = [1, 1]} : vector<1256x128xf32> to vector<1256x16xf32>
    %dot_general3A = arith.constant dense<0.000000e+00> : vector<64x16xf32>
    %dot_general3A_41 = tpu.matmul %div3A_39, %slice3A_40, %dot_general3A {dimension_numbers = #tpu.dot_dimension_numbers<[0], [0], [1], [1], [0, 1, 1, 1], [], []>, transpose_lhs_hint = false} : vector<1256x64xf32>, vector<1256x16xf32>, vector<64x16xf32> -> vector<64x16xf32>
    %add3A_42 = arith.addf %broadcast_in_dim3A_29, %dot_general3A_41 : vector<64x16xf32>
    %get3A_43 = arith.constant 0 : index
    %get3A_44 = arith.constant 1 : index
    %get3A_45 = vector.load %arg0[%get3A_43, %get3A_44] : memref<1256x8xi32, #tpu.memory_space<vmem>>, vector<1256x1xi32>
    %eq3A_46 = vector.broadcast %get3A_45 : vector<1256x1xi32> to vector<1256x64xi32>
    %eq3A_47 = arith.cmpi eq, %eq3A_46, %iota3A : vector<1256x64xi32>
    %convert_element_type3A_48 = arith.extui %eq3A_47 : vector<1256x64xi1> to vector<1256x64xi32>
    %convert_element_type3A_49 = arith.sitofp %convert_element_type3A_48 : vector<1256x64xi32> to vector<1256x64xf32>
    %slice3A_50 = vector.extract_strided_slice %add3A_28 {offsets = [0, 16], sizes = [1256, 1], strides = [1, 1]} : vector<1256x128xf32> to vector<1256x1xf32>
    %max3A_51 = arith.constant 1.000000e+00 : f32
    %max3A_52 = vector.broadcast %max3A_51 : f32 to vector<1256x1xf32>
    %max3A_53 = arith.maximumf %slice3A_50, %max3A_52 : vector<1256x1xf32>
    %div3A_54 = vector.broadcast %max3A_53 : vector<1256x1xf32> to vector<1256x64xf32>
    %div3A_55 = arith.divf %convert_element_type3A_49, %div3A_54 : vector<1256x64xf32>
    %slice3A_56 = vector.extract_strided_slice %add3A {offsets = [0, 16], sizes = [1256, 16], strides = [1, 1]} : vector<1256x128xf32> to vector<1256x16xf32>
    %dot_general3A_57 = arith.constant dense<0.000000e+00> : vector<64x16xf32>
    %dot_general3A_58 = tpu.matmul %div3A_55, %slice3A_56, %dot_general3A_57 {dimension_numbers = #tpu.dot_dimension_numbers<[0], [0], [1], [1], [0, 1, 1, 1], [], []>, transpose_lhs_hint = false} : vector<1256x64xf32>, vector<1256x16xf32>, vector<64x16xf32> -> vector<64x16xf32>
    %add3A_59 = arith.addf %add3A_42, %dot_general3A_58 : vector<64x16xf32>
    %get3A_60 = arith.constant 0 : index
    %get3A_61 = arith.constant 2 : index
    %get3A_62 = vector.load %arg0[%get3A_60, %get3A_61] : memref<1256x8xi32, #tpu.memory_space<vmem>>, vector<1256x1xi32>
    %eq3A_63 = vector.broadcast %get3A_62 : vector<1256x1xi32> to vector<1256x64xi32>
    %eq3A_64 = arith.cmpi eq, %eq3A_63, %iota3A : vector<1256x64xi32>
    %convert_element_type3A_65 = arith.extui %eq3A_64 : vector<1256x64xi1> to vector<1256x64xi32>
    %convert_element_type3A_66 = arith.sitofp %convert_element_type3A_65 : vector<1256x64xi32> to vector<1256x64xf32>
    %slice3A_67 = vector.extract_strided_slice %add3A_28 {offsets = [0, 32], sizes = [1256, 1], strides = [1, 1]} : vector<1256x128xf32> to vector<1256x1xf32>
    %max3A_68 = arith.constant 1.000000e+00 : f32
    %max3A_69 = vector.broadcast %max3A_68 : f32 to vector<1256x1xf32>
    %max3A_70 = arith.maximumf %slice3A_67, %max3A_69 : vector<1256x1xf32>
    %div3A_71 = vector.broadcast %max3A_70 : vector<1256x1xf32> to vector<1256x64xf32>
    %div3A_72 = arith.divf %convert_element_type3A_66, %div3A_71 : vector<1256x64xf32>
    %slice3A_73 = vector.extract_strided_slice %add3A {offsets = [0, 32], sizes = [1256, 16], strides = [1, 1]} : vector<1256x128xf32> to vector<1256x16xf32>
    %dot_general3A_74 = arith.constant dense<0.000000e+00> : vector<64x16xf32>
    %dot_general3A_75 = tpu.matmul %div3A_72, %slice3A_73, %dot_general3A_74 {dimension_numbers = #tpu.dot_dimension_numbers<[0], [0], [1], [1], [0, 1, 1, 1], [], []>, transpose_lhs_hint = false} : vector<1256x64xf32>, vector<1256x16xf32>, vector<64x16xf32> -> vector<64x16xf32>
    %add3A_76 = arith.addf %add3A_59, %dot_general3A_75 : vector<64x16xf32>
    %get3A_77 = arith.constant 0 : index
    %get3A_78 = arith.constant 3 : index
    %get3A_79 = vector.load %arg0[%get3A_77, %get3A_78] : memref<1256x8xi32, #tpu.memory_space<vmem>>, vector<1256x1xi32>
    %eq3A_80 = vector.broadcast %get3A_79 : vector<1256x1xi32> to vector<1256x64xi32>
    %eq3A_81 = arith.cmpi eq, %eq3A_80, %iota3A : vector<1256x64xi32>
    %convert_element_type3A_82 = arith.extui %eq3A_81 : vector<1256x64xi1> to vector<1256x64xi32>
    %convert_element_type3A_83 = arith.sitofp %convert_element_type3A_82 : vector<1256x64xi32> to vector<1256x64xf32>
    %slice3A_84 = vector.extract_strided_slice %add3A_28 {offsets = [0, 48], sizes = [1256, 1], strides = [1, 1]} : vector<1256x128xf32> to vector<1256x1xf32>
    %max3A_85 = arith.constant 1.000000e+00 : f32
    %max3A_86 = vector.broadcast %max3A_85 : f32 to vector<1256x1xf32>
    %max3A_87 = arith.maximumf %slice3A_84, %max3A_86 : vector<1256x1xf32>
    %div3A_88 = vector.broadcast %max3A_87 : vector<1256x1xf32> to vector<1256x64xf32>
    %div3A_89 = arith.divf %convert_element_type3A_83, %div3A_88 : vector<1256x64xf32>
    %slice3A_90 = vector.extract_strided_slice %add3A {offsets = [0, 48], sizes = [1256, 16], strides = [1, 1]} : vector<1256x128xf32> to vector<1256x16xf32>
    %dot_general3A_91 = arith.constant dense<0.000000e+00> : vector<64x16xf32>
    %dot_general3A_92 = tpu.matmul %div3A_89, %slice3A_90, %dot_general3A_91 {dimension_numbers = #tpu.dot_dimension_numbers<[0], [0], [1], [1], [0, 1, 1, 1], [], []>, transpose_lhs_hint = false} : vector<1256x64xf32>, vector<1256x16xf32>, vector<64x16xf32> -> vector<64x16xf32>
    %add3A_93 = arith.addf %add3A_76, %dot_general3A_92 : vector<64x16xf32>
    %get3A_94 = arith.constant 0 : index
    %get3A_95 = arith.constant 4 : index
    %get3A_96 = vector.load %arg0[%get3A_94, %get3A_95] : memref<1256x8xi32, #tpu.memory_space<vmem>>, vector<1256x1xi32>
    %eq3A_97 = vector.broadcast %get3A_96 : vector<1256x1xi32> to vector<1256x64xi32>
    %eq3A_98 = arith.cmpi eq, %eq3A_97, %iota3A : vector<1256x64xi32>
    %convert_element_type3A_99 = arith.extui %eq3A_98 : vector<1256x64xi1> to vector<1256x64xi32>
    %convert_element_type3A_100 = arith.sitofp %convert_element_type3A_99 : vector<1256x64xi32> to vector<1256x64xf32>
    %slice3A_101 = vector.extract_strided_slice %add3A_28 {offsets = [0, 64], sizes = [1256, 1], strides = [1, 1]} : vector<1256x128xf32> to vector<1256x1xf32>
    %max3A_102 = arith.constant 1.000000e+00 : f32
    %max3A_103 = vector.broadcast %max3A_102 : f32 to vector<1256x1xf32>
    %max3A_104 = arith.maximumf %slice3A_101, %max3A_103 : vector<1256x1xf32>
    %div3A_105 = vector.broadcast %max3A_104 : vector<1256x1xf32> to vector<1256x64xf32>
    %div3A_106 = arith.divf %convert_element_type3A_100, %div3A_105 : vector<1256x64xf32>
    %slice3A_107 = vector.extract_strided_slice %add3A {offsets = [0, 64], sizes = [1256, 16], strides = [1, 1]} : vector<1256x128xf32> to vector<1256x16xf32>
    %dot_general3A_108 = arith.constant dense<0.000000e+00> : vector<64x16xf32>
    %dot_general3A_109 = tpu.matmul %div3A_106, %slice3A_107, %dot_general3A_108 {dimension_numbers = #tpu.dot_dimension_numbers<[0], [0], [1], [1], [0, 1, 1, 1], [], []>, transpose_lhs_hint = false} : vector<1256x64xf32>, vector<1256x16xf32>, vector<64x16xf32> -> vector<64x16xf32>
    %add3A_110 = arith.addf %add3A_93, %dot_general3A_109 : vector<64x16xf32>
    %get3A_111 = arith.constant 0 : index
    %get3A_112 = arith.constant 5 : index
    %get3A_113 = vector.load %arg0[%get3A_111, %get3A_112] : memref<1256x8xi32, #tpu.memory_space<vmem>>, vector<1256x1xi32>
    %eq3A_114 = vector.broadcast %get3A_113 : vector<1256x1xi32> to vector<1256x64xi32>
    %eq3A_115 = arith.cmpi eq, %eq3A_114, %iota3A : vector<1256x64xi32>
    %convert_element_type3A_116 = arith.extui %eq3A_115 : vector<1256x64xi1> to vector<1256x64xi32>
    %convert_element_type3A_117 = arith.sitofp %convert_element_type3A_116 : vector<1256x64xi32> to vector<1256x64xf32>
    %slice3A_118 = vector.extract_strided_slice %add3A_28 {offsets = [0, 80], sizes = [1256, 1], strides = [1, 1]} : vector<1256x128xf32> to vector<1256x1xf32>
    %max3A_119 = arith.constant 1.000000e+00 : f32
    %max3A_120 = vector.broadcast %max3A_119 : f32 to vector<1256x1xf32>
    %max3A_121 = arith.maximumf %slice3A_118, %max3A_120 : vector<1256x1xf32>
    %div3A_122 = vector.broadcast %max3A_121 : vector<1256x1xf32> to vector<1256x64xf32>
    %div3A_123 = arith.divf %convert_element_type3A_117, %div3A_122 : vector<1256x64xf32>
    %slice3A_124 = vector.extract_strided_slice %add3A {offsets = [0, 80], sizes = [1256, 16], strides = [1, 1]} : vector<1256x128xf32> to vector<1256x16xf32>
    %dot_general3A_125 = arith.constant dense<0.000000e+00> : vector<64x16xf32>
    %dot_general3A_126 = tpu.matmul %div3A_123, %slice3A_124, %dot_general3A_125 {dimension_numbers = #tpu.dot_dimension_numbers<[0], [0], [1], [1], [0, 1, 1, 1], [], []>, transpose_lhs_hint = false} : vector<1256x64xf32>, vector<1256x16xf32>, vector<64x16xf32> -> vector<64x16xf32>
    %add3A_127 = arith.addf %add3A_110, %dot_general3A_126 : vector<64x16xf32>
    %get3A_128 = arith.constant 0 : index
    %get3A_129 = arith.constant 6 : index
    %get3A_130 = vector.load %arg0[%get3A_128, %get3A_129] : memref<1256x8xi32, #tpu.memory_space<vmem>>, vector<1256x1xi32>
    %eq3A_131 = vector.broadcast %get3A_130 : vector<1256x1xi32> to vector<1256x64xi32>
    %eq3A_132 = arith.cmpi eq, %eq3A_131, %iota3A : vector<1256x64xi32>
    %convert_element_type3A_133 = arith.extui %eq3A_132 : vector<1256x64xi1> to vector<1256x64xi32>
    %convert_element_type3A_134 = arith.sitofp %convert_element_type3A_133 : vector<1256x64xi32> to vector<1256x64xf32>
    %slice3A_135 = vector.extract_strided_slice %add3A_28 {offsets = [0, 96], sizes = [1256, 1], strides = [1, 1]} : vector<1256x128xf32> to vector<1256x1xf32>
    %max3A_136 = arith.constant 1.000000e+00 : f32
    %max3A_137 = vector.broadcast %max3A_136 : f32 to vector<1256x1xf32>
    %max3A_138 = arith.maximumf %slice3A_135, %max3A_137 : vector<1256x1xf32>
    %div3A_139 = vector.broadcast %max3A_138 : vector<1256x1xf32> to vector<1256x64xf32>
    %div3A_140 = arith.divf %convert_element_type3A_134, %div3A_139 : vector<1256x64xf32>
    %slice3A_141 = vector.extract_strided_slice %add3A {offsets = [0, 96], sizes = [1256, 16], strides = [1, 1]} : vector<1256x128xf32> to vector<1256x16xf32>
    %dot_general3A_142 = arith.constant dense<0.000000e+00> : vector<64x16xf32>
    %dot_general3A_143 = tpu.matmul %div3A_140, %slice3A_141, %dot_general3A_142 {dimension_numbers = #tpu.dot_dimension_numbers<[0], [0], [1], [1], [0, 1, 1, 1], [], []>, transpose_lhs_hint = false} : vector<1256x64xf32>, vector<1256x16xf32>, vector<64x16xf32> -> vector<64x16xf32>
    %add3A_144 = arith.addf %add3A_127, %dot_general3A_143 : vector<64x16xf32>
    %get3A_145 = arith.constant 0 : index
    %get3A_146 = arith.constant 7 : index
    %get3A_147 = vector.load %arg0[%get3A_145, %get3A_146] : memref<1256x8xi32, #tpu.memory_space<vmem>>, vector<1256x1xi32>
    %eq3A_148 = vector.broadcast %get3A_147 : vector<1256x1xi32> to vector<1256x64xi32>
    %eq3A_149 = arith.cmpi eq, %eq3A_148, %iota3A : vector<1256x64xi32>
    %convert_element_type3A_150 = arith.extui %eq3A_149 : vector<1256x64xi1> to vector<1256x64xi32>
    %convert_element_type3A_151 = arith.sitofp %convert_element_type3A_150 : vector<1256x64xi32> to vector<1256x64xf32>
    %slice3A_152 = vector.extract_strided_slice %add3A_28 {offsets = [0, 112], sizes = [1256, 1], strides = [1, 1]} : vector<1256x128xf32> to vector<1256x1xf32>
    %max3A_153 = arith.constant 1.000000e+00 : f32
    %max3A_154 = vector.broadcast %max3A_153 : f32 to vector<1256x1xf32>
    %max3A_155 = arith.maximumf %slice3A_152, %max3A_154 : vector<1256x1xf32>
    %div3A_156 = vector.broadcast %max3A_155 : vector<1256x1xf32> to vector<1256x64xf32>
    %div3A_157 = arith.divf %convert_element_type3A_151, %div3A_156 : vector<1256x64xf32>
    %slice3A_158 = vector.extract_strided_slice %add3A {offsets = [0, 112], sizes = [1256, 16], strides = [1, 1]} : vector<1256x128xf32> to vector<1256x16xf32>
    %dot_general3A_159 = arith.constant dense<0.000000e+00> : vector<64x16xf32>
    %dot_general3A_160 = tpu.matmul %div3A_157, %slice3A_158, %dot_general3A_159 {dimension_numbers = #tpu.dot_dimension_numbers<[0], [0], [1], [1], [0, 1, 1, 1], [], []>, transpose_lhs_hint = false} : vector<1256x64xf32>, vector<1256x16xf32>, vector<64x16xf32> -> vector<64x16xf32>
    %add3A_161 = arith.addf %add3A_144, %dot_general3A_160 : vector<64x16xf32>
    %div3A_162 = vector.broadcast %max3A_3 : vector<64x1xf32> to vector<64x16xf32>
    %div3A_163 = arith.divf %add3A_161, %div3A_162 : vector<64x16xf32>
    %get3A_164 = arith.constant 0 : index
    %get3A_165 = arith.constant 0 : index
    %get3A_166 = vector.load %arg6[%get3A_164, %get3A_165] : memref<208x256xf32, #tpu.memory_space<vmem>>, vector<208x256xf32>
    %get3A_167 = arith.constant 0 : index
    %get3A_168 = arith.constant 0 : index
    %get3A_169 = vector.load %arg5[%get3A_167, %get3A_168] : memref<64x64xf32, #tpu.memory_space<vmem>>, vector<64x64xf32>
    %slice3A_170 = vector.extract_strided_slice %get3A_166 {offsets = [0, 0], sizes = [64, 256], strides = [1, 1]} : vector<208x256xf32> to vector<64x256xf32>
    %dot_general3A_171 = arith.constant dense<0.000000e+00> : vector<64x256xf32>
    %dot_general3A_172 = tpu.matmul %get3A_169, %slice3A_170, %dot_general3A_171 {dimension_numbers = #tpu.dot_dimension_numbers<[1], [0], [0], [1], [0, 0, 1, 1], [], []>, transpose_lhs_hint = false} : vector<64x64xf32>, vector<64x256xf32>, vector<64x256xf32> -> vector<64x256xf32>
    %slice3A_173 = vector.extract_strided_slice %get3A_166 {offsets = [64, 0], sizes = [128, 256], strides = [1, 1]} : vector<208x256xf32> to vector<128x256xf32>
    %dot_general3A_174 = arith.constant dense<0.000000e+00> : vector<64x256xf32>
    %dot_general3A_175 = tpu.matmul %div3A_7, %slice3A_173, %dot_general3A_174 {dimension_numbers = #tpu.dot_dimension_numbers<[1], [0], [0], [1], [0, 0, 1, 1], [], []>, transpose_lhs_hint = false} : vector<64x128xf32>, vector<128x256xf32>, vector<64x256xf32> -> vector<64x256xf32>
    %add3A_176 = arith.addf %dot_general3A_172, %dot_general3A_175 : vector<64x256xf32>
    %slice3A_177 = vector.extract_strided_slice %get3A_166 {offsets = [192, 0], sizes = [16, 256], strides = [1, 1]} : vector<208x256xf32> to vector<16x256xf32>
    %dot_general3A_178 = arith.constant dense<0.000000e+00> : vector<64x256xf32>
    %dot_general3A_179 = tpu.matmul %div3A_163, %slice3A_177, %dot_general3A_178 {dimension_numbers = #tpu.dot_dimension_numbers<[1], [0], [0], [1], [0, 0, 1, 1], [], []>, transpose_lhs_hint = false} : vector<64x16xf32>, vector<16x256xf32>, vector<64x256xf32> -> vector<64x256xf32>
    %add3A_180 = arith.addf %add3A_176, %dot_general3A_179 : vector<64x256xf32>
    %get3A_181 = arith.constant 0 : index
    %get3A_182 = arith.constant 0 : index
    %get3A_183 = vector.load %arg7[%get3A_181, %get3A_182] : memref<1x256xf32, #tpu.memory_space<vmem>>, vector<1x256xf32>
    %add3A_184 = vector.broadcast %get3A_183 : vector<1x256xf32> to vector<64x256xf32>
    %add3A_185 = arith.addf %add3A_180, %add3A_184 : vector<64x256xf32>
    %gt3A = arith.constant 0.000000e+00 : f32
    %gt3A_186 = vector.broadcast %gt3A : f32 to vector<64x256xf32>
    %gt3A_187 = arith.cmpf ogt, %add3A_185, %gt3A_186 : vector<64x256xf32>
    %min3A = arith.constant 0.000000e+00 : f32
    %min3A_188 = vector.broadcast %min3A : f32 to vector<64x256xf32>
    %min3A_189 = arith.minimumf %add3A_185, %min3A_188 : vector<64x256xf32>
    %exp3A = math.exp %min3A_189 : vector<64x256xf32>
    %sub3A = arith.constant 1.000000e+00 : f32
    %sub3A_190 = vector.broadcast %sub3A : f32 to vector<64x256xf32>
    %sub3A_191 = arith.subf %exp3A, %sub3A_190 : vector<64x256xf32>
    %select_n3A = arith.select %gt3A_187, %add3A_185, %sub3A_191 : vector<64x256xi1>, vector<64x256xf32>
    %get3A_192 = arith.constant 0 : index
    %get3A_193 = arith.constant 0 : index
    %get3A_194 = vector.load %arg8[%get3A_192, %get3A_193] : memref<256x256xf32, #tpu.memory_space<vmem>>, vector<256x256xf32>
    %dot_general3A_195 = arith.constant dense<0.000000e+00> : vector<64x256xf32>
    %dot_general3A_196 = tpu.matmul %select_n3A, %get3A_194, %dot_general3A_195 {dimension_numbers = #tpu.dot_dimension_numbers<[1], [0], [0], [1], [0, 0, 1, 1], [], []>, transpose_lhs_hint = false} : vector<64x256xf32>, vector<256x256xf32>, vector<64x256xf32> -> vector<64x256xf32>
    %get3A_197 = arith.constant 0 : index
    %get3A_198 = arith.constant 0 : index
    %get3A_199 = vector.load %arg9[%get3A_197, %get3A_198] : memref<1x256xf32, #tpu.memory_space<vmem>>, vector<1x256xf32>
    %add3A_200 = vector.broadcast %get3A_199 : vector<1x256xf32> to vector<64x256xf32>
    %add3A_201 = arith.addf %dot_general3A_196, %add3A_200 : vector<64x256xf32>
    %gt3A_202 = arith.constant 0.000000e+00 : f32
    %gt3A_203 = vector.broadcast %gt3A_202 : f32 to vector<64x256xf32>
    %gt3A_204 = arith.cmpf ogt, %add3A_201, %gt3A_203 : vector<64x256xf32>
    %min3A_205 = arith.constant 0.000000e+00 : f32
    %min3A_206 = vector.broadcast %min3A_205 : f32 to vector<64x256xf32>
    %min3A_207 = arith.minimumf %add3A_201, %min3A_206 : vector<64x256xf32>
    %exp3A_208 = math.exp %min3A_207 : vector<64x256xf32>
    %sub3A_209 = arith.constant 1.000000e+00 : f32
    %sub3A_210 = vector.broadcast %sub3A_209 : f32 to vector<64x256xf32>
    %sub3A_211 = arith.subf %exp3A_208, %sub3A_210 : vector<64x256xf32>
    %select_n3A_212 = arith.select %gt3A_204, %add3A_201, %sub3A_211 : vector<64x256xi1>, vector<64x256xf32>
    %get3A_213 = arith.constant 0 : index
    %get3A_214 = arith.constant 0 : index
    %get3A_215 = vector.load %arg10[%get3A_213, %get3A_214] : memref<256x256xf32, #tpu.memory_space<vmem>>, vector<256x256xf32>
    %dot_general3A_216 = arith.constant dense<0.000000e+00> : vector<64x256xf32>
    %dot_general3A_217 = tpu.matmul %select_n3A_212, %get3A_215, %dot_general3A_216 {dimension_numbers = #tpu.dot_dimension_numbers<[1], [0], [0], [1], [0, 0, 1, 1], [], []>, transpose_lhs_hint = false} : vector<64x256xf32>, vector<256x256xf32>, vector<64x256xf32> -> vector<64x256xf32>
    %get3A_218 = arith.constant 0 : index
    %get3A_219 = arith.constant 0 : index
    %get3A_220 = vector.load %arg11[%get3A_218, %get3A_219] : memref<1x256xf32, #tpu.memory_space<vmem>>, vector<1x256xf32>
    %add3A_221 = vector.broadcast %get3A_220 : vector<1x256xf32> to vector<64x256xf32>
    %add3A_222 = arith.addf %dot_general3A_217, %add3A_221 : vector<64x256xf32>
    %gt3A_223 = arith.constant 0.000000e+00 : f32
    %gt3A_224 = vector.broadcast %gt3A_223 : f32 to vector<64x256xf32>
    %gt3A_225 = arith.cmpf ogt, %add3A_222, %gt3A_224 : vector<64x256xf32>
    %min3A_226 = arith.constant 0.000000e+00 : f32
    %min3A_227 = vector.broadcast %min3A_226 : f32 to vector<64x256xf32>
    %min3A_228 = arith.minimumf %add3A_222, %min3A_227 : vector<64x256xf32>
    %exp3A_229 = math.exp %min3A_228 : vector<64x256xf32>
    %sub3A_230 = arith.constant 1.000000e+00 : f32
    %sub3A_231 = vector.broadcast %sub3A_230 : f32 to vector<64x256xf32>
    %sub3A_232 = arith.subf %exp3A_229, %sub3A_231 : vector<64x256xf32>
    %select_n3A_233 = arith.select %gt3A_225, %add3A_222, %sub3A_232 : vector<64x256xi1>, vector<64x256xf32>
    %add3A_234 = arith.addf %select_n3A_233, %select_n3A : vector<64x256xf32>
    %get3A_235 = arith.constant 0 : index
    %get3A_236 = arith.constant 0 : index
    %get3A_237 = vector.load %arg12[%get3A_235, %get3A_236] : memref<256x128xf32, #tpu.memory_space<vmem>>, vector<256x128xf32>
    %dot_general3A_238 = arith.constant dense<0.000000e+00> : vector<64x128xf32>
    %dot_general3A_239 = tpu.matmul %add3A_234, %get3A_237, %dot_general3A_238 {dimension_numbers = #tpu.dot_dimension_numbers<[1], [0], [0], [1], [0, 0, 1, 1], [], []>, transpose_lhs_hint = false} : vector<64x256xf32>, vector<256x128xf32>, vector<64x128xf32> -> vector<64x128xf32>
    %get3A_240 = arith.constant 0 : index
    %get3A_241 = arith.constant 0 : index
    %get3A_242 = vector.load %arg13[%get3A_240, %get3A_241] : memref<1x128xf32, #tpu.memory_space<vmem>>, vector<1x128xf32>
    %sqrt3A = arith.constant 1.000010e+00 : f32
    %sqrt3A_243 = math.sqrt %sqrt3A : f32
    %div3A_244 = arith.constant 1.000000e+00 : f32
    %div3A_245 = arith.divf %div3A_244, %sqrt3A_243 : f32
    %mul3A = vector.broadcast %div3A_245 : f32 to vector<1x128xf32>
    %mul3A_246 = arith.mulf %get3A_242, %mul3A : vector<1x128xf32>
    %mul3A_247 = vector.broadcast %mul3A_246 : vector<1x128xf32> to vector<64x128xf32>
    %mul3A_248 = arith.mulf %dot_general3A_239, %mul3A_247 : vector<64x128xf32>
    %get3A_249 = arith.constant 0 : index
    %get3A_250 = arith.constant 0 : index
    %get3A_251 = vector.load %arg14[%get3A_249, %get3A_250] : memref<1x128xf32, #tpu.memory_space<vmem>>, vector<1x128xf32>
    %add3A_252 = vector.broadcast %get3A_251 : vector<1x128xf32> to vector<64x128xf32>
    %add3A_253 = arith.addf %mul3A_248, %add3A_252 : vector<64x128xf32>
    %gt3A_254 = arith.constant 0.000000e+00 : f32
    %gt3A_255 = vector.broadcast %gt3A_254 : f32 to vector<64x128xf32>
    %gt3A_256 = arith.cmpf ogt, %add3A_253, %gt3A_255 : vector<64x128xf32>
    %min3A_257 = arith.constant 0.000000e+00 : f32
    %min3A_258 = vector.broadcast %min3A_257 : f32 to vector<64x128xf32>
    %min3A_259 = arith.minimumf %add3A_253, %min3A_258 : vector<64x128xf32>
    %exp3A_260 = math.exp %min3A_259 : vector<64x128xf32>
    %sub3A_261 = arith.constant 1.000000e+00 : f32
    %sub3A_262 = vector.broadcast %sub3A_261 : f32 to vector<64x128xf32>
    %sub3A_263 = arith.subf %exp3A_260, %sub3A_262 : vector<64x128xf32>
    %select_n3A_264 = arith.select %gt3A_256, %add3A_253, %sub3A_263 : vector<64x128xi1>, vector<64x128xf32>
    %swap3A = arith.constant 0 : index
    %swap3A_265 = arith.constant 0 : index
    %swap3A_266 = vector.load %arg15[%swap3A, %swap3A_265] : memref<64x128xf32, #tpu.memory_space<vmem>>, vector<64x128xf32>
    tpu.vector_store %arg15[%swap3A, %swap3A_265], %select_n3A_264 {strides = array<i32>} : memref<64x128xf32, #tpu.memory_space<vmem>>, vector<64x128xf32>,
    return
  }
}

</mosaic_0001>

<sc_bundles>
// kernel: kernel.5.cloned.1.call-start
scs
__scs_entry_jumppad:
0x0: {  	(pc) =	sbr.rel $0x88, $3  }
0x1: {  	(tag) =	ssettag $0x0;
	lr =	simm.s32 $0x1  }
0x2: {  	[smem:$0x3F93] =	sst lr;
	_ =	strace $0xD0000000  }
0x3: {  	_ = 	snop  }
0x4: {  	_ = 	snop  }
0x5: {  	_ = 	snop  }
0x6: {  	_ = 	snop  }
0x7: {  	_ = 	snop  }
__scs_overlays_trampoline_lowered:
0x8: {  	[smem:$0x3FA2] =	sst s0  }
0x9: {  	[smem:$0x3FA3] =	sst s1  }
0xa: {  	[smem:$0x3FA4] =	sst s2  }
0xb: {  	[smem:$0x3FA5] =	sst s3  }
0xc: {  	[smem:$0x3FA6] =	sst s4  }
0xd: {  	[smem:$0x3FA7] =	sst s5  }
0xe: {  	[smem:$0x3FA8] =	sst s6  }
0xf: {  	[smem:$0x3FA9] =	sst s7  }
0x10: {  	[smem:$0x3FAA] =	sst s8  }
0x11: {  	[smem:$0x3FAB] =	sst s9;
	s0 =	simm.s32 @!p0 $0x0  }
0x12: {  	s1 =	sld [smem:$0x3F91];
	s0 =	simm.s32 @p0 $0x1  }
0x13: {  	[smem:$0x3FAC] =	sst s0;
	s0 =	simm.s32 @!p1 $0x0  }
0x14: {  	s2 =	sld [smem:$0x3F90];
	s0 =	simm.s32 @p1 $0x1  }
0x15: {  	[smem:$0x3FAD] =	sst s0;
	s0 =	simm.s32 @!p2 $0x0  }
0x16: {  	s3 =	sld [smem:$0x3FDB];
	s0 =	simm.s32 @p2 $0x1  }
0x17: {  	s4 =	simm.s32 $0x1BF5;
	[smem:$0x3FAF] =	sst s0  }
0x18: {  	s0 =	sld [smem:$0x3F92];
	_ =	swait.ge [sflag:s4], $0x0  }
0x19: {  	s7 =	sld [smem:$0x3F93]  }
0x1a: {  	s8 =	sadd.s32 $0xFFFFE003, lr  }
0x1b: {  	s9 =	sadd.s32 $0xFFFFFEF7, lr;
	s5 =	simm.s32 $0xFFFFFFFF;
	p2 =	slt.u32 s8, $0xFFFFF086  }
0x1c: {  	p1 =	slt.u32 s9, $0xF7A;
	s5 =	simm.s32 @!p2 $0x0  }
0x1d: {  	s5 =	simm.s32 @p1 $0x1;
	p0 =	seq.s32 s7, s2  }
0x1e: {  	s7 =	smul.u32 @!p0 $0xF7A, s2;
	p2 =	seq.s32 @!p0 s5, $0x0  }
0x1f: {  	s9 =	smul.u32 $0xF7A, s1;
	s8 =	simm.s32 @!p0 $0x1BF5;
	p2 =	por !p2, p0  }
0x20: {  	[sflag:s8] =	ssyncset.s32 @!p0 $0xFFFFF086;
	s6 =	sadd.s32 @!p0 s3, s7;
	s7 =	simm.s32 @!p0 $0x108  }
0x21: {  	s3 =	sadd.s32 s3, s9;
	s6 =	sadd.s32 @!p0 $0x88, s6;
	s7 =	simm.s32 @p2 $0x1082  }
0x22: {  	[simem:s7], [sflag:s8] =	dma.local @!p0 [hbm:s6], $0xF7A  }
0x23: {  	s9 =	sor.u32 $0xD0000000, s2;
	s6 =	simm.s32 $0x108;
	_ =	swait.ge @!p0 [sflag:s8], $0x0  }
0x24: {  	s3 =	sadd.s32 $0x88, s3;
	s6 =	simm.s32 @!p1 $0x1082;
	[sflag:s4] =	ssyncset.s32 $0xFFFFF086  }
0x25: {  	[simem:s6], [sflag:s4] =	dma.local [hbm:s3], $0xF7A  }
0x26: {  	[smem:$0x3F93] =	sst s1;
	(tag) =	ssettag s2;
	_ =	strace s9  }
0x27: {  	s1 =	sld [smem:$0x3FA3]  }
0x28: {  	s2 =	sld [smem:$0x3FA4]  }
0x29: {  	s4 =	sld [smem:$0x3FA6]  }
0x2a: {  	p0 =	seq.s32 s5, $0x0;
	s5 =	sld [smem:$0x3FA7]  }
0x2b: {  	s6 =	sld [smem:$0x3FA8]  }
0x2c: {  	s7 =	sld [smem:$0x3FA9]  }
0x2d: {  	s3 =	simm.s32 $0x108;
	s8 =	sld [smem:$0x3FAA]  }
0x2e: {  	s3 =	simm.s32 @!p0 $0x1082;
	s9 =	sld [smem:$0x3FAB]  }
0x2f: {  	lr =	sadd.s32 s0, s3;
	s0 =	sld [smem:$0x3FA2]  }
0x30: {  	s3 =	sld [smem:$0x3FA5]  }
0x31: {  	[smem:$0x3FAE] =	sst s10  }
0x32: {  	s10 =	sld [smem:$0x3FAC];
	_ =	sdelay $0x3  }
0x33: {  	p0 =	seq.s32 s10, $0x1;
	s10 =	sld [smem:$0x3FAE];
	_ =	sdelay $0x3  }
0x34: {  	[smem:$0x3FAE] =	sst s10  }
0x35: {  	s10 =	sld [smem:$0x3FAD];
	_ =	sdelay $0x3  }
0x36: {  	p1 =	seq.s32 s10, $0x1;
	s10 =	sld [smem:$0x3FAE];
	_ =	sdelay $0x3  }
0x37: {  	[smem:$0x3FAE] =	sst s10  }
0x38: {  	s10 =	sld [smem:$0x3FAF]  }
0x39: {  	_ = 	snop;
	(pc) =	sbr.ind lr, $3  }
0x3a: {  	_ = 	snop  }
0x3b: {  	_ = 	snop  }
0x3c: {  	p2 =	seq.s32 s10, $0x1;
	s10 =	sld [smem:$0x3FAE]  }
0x3d: {  	_ =	shalt  }
0x3e: {  	_ =	shalt  }
0x3f: {  	_ =	shalt  }
0x40: {  	_ =	shalt  }
0x41: {  	_ =	shalt  }
0x42: {  	_ =	shalt  }
0x43: {  	_ =	shalt  }
0x44: {  	_ =	shalt  }
0x45: {  	_ =	shalt  }
0x46: {  	_ =	shalt  }
0x47: {  	_ =	shalt  }
0x48: {  	_ =	shalt  }
0x49: {  	_ =	shalt  }
0x4a: {  	_ =	shalt  }
0x4b: {  	_ =	shalt  }
0x4c: {  	_ =	shalt  }
0x4d: {  	_ =	shalt  }
0x4e: {  	_ =	shalt  }
0x4f: {  	_ =	shalt  }
0x50: {  	_ =	shalt  }
0x51: {  	_ =	shalt  }
0x52: {  	_ =	shalt  }
0x53: {  	_ =	shalt  }
0x54: {  	_ =	shalt  }
0x55: {  	_ =	shalt  }
0x56: {  	_ =	shalt  }
0x57: {  	_ =	shalt  }
0x58: {  	_ =	shalt  }
0x59: {  	_ =	shalt  }
0x5a: {  	_ =	shalt  }
0x5b: {  	_ =	shalt  }
0x5c: {  	_ =	shalt  }
0x5d: {  	_ =	shalt  }
0x5e: {  	_ =	shalt  }
0x5f: {  	_ =	shalt  }
0x60: {  	_ =	shalt  }
0x61: {  	_ =	shalt  }
0x62: {  	_ =	shalt  }
0x63: {  	_ =	shalt  }
0x64: {  	_ =	shalt  }
0x65: {  	_ =	shalt  }
0x66: {  	_ =	shalt  }
0x67: {  	_ =	shalt  }
0x68: {  	_ =	shalt  }
0x69: {  	_ =	shalt  }
0x6a: {  	_ =	shalt  }
0x6b: {  	_ =	shalt  }
0x6c: {  	_ =	shalt  }
0x6d: {  	_ =	shalt  }
0x6e: {  	_ =	shalt  }
0x6f: {  	_ =	shalt  }
0x70: {  	_ =	shalt  }
0x71: {  	_ =	shalt  }
0x72: {  	_ =	shalt  }
0x73: {  	_ =	shalt  }
0x74: {  	_ =	shalt  }
0x75: {  	_ =	shalt  }
0x76: {  	_ =	shalt  }
0x77: {  	_ =	shalt  }
0x78: {  	_ =	shalt  }
0x79: {  	_ =	shalt  }
0x7a: {  	_ =	shalt  }
0x7b: {  	_ =	shalt  }
0x7c: {  	_ =	shalt  }
0x7d: {  	_ =	shalt  }
0x7e: {  	_ =	shalt  }
0x7f: {  	_ =	shalt  }
0x80: {  	_ =	shalt  }
0x81: {  	_ =	shalt  }
0x82: {  	_ =	shalt  }
0x83: {  	_ =	shalt  }
0x84: {  	_ =	shalt  }
0x85: {  	_ =	shalt  }
0x86: {  	_ =	shalt  }
0x87: {  	_ =	shalt  }
.Lfunc_end0:
.L_simem_size_0:
called_computation_lowered:
.L_overlay_start_0:
0x88: {  	s2 =	sld [smem:$0x3FD9]  }
0x89: {  	s3 =	sld [smem:$0x3FFE];
	_ =	sdelay $0x1  }
0x8a: {  	s1 =	srdreg.scid  }
0x8b: {  	s0 =	sand.u32 $0x1, s1  }
0x8c: {  	s17 =	sshll.u32 s0, $0xA;
	s2 =	sadd.s32 s3, s2  }
0x8d: {  	s2 =	sadd.s32 s2, s17  }
0x8e: {  	[smem:$0x3FBA] =	sst s2  }
0x8f: {  	_ = 	snop  }
0x90: {  	s2 =	sld [smem:$0x3FC8]  }
0x91: {  	s18 =	sld [smem:$0x3FC7];
	(tm) =	ssettm $0x1  }
0x92: {  	s4 =	sld [smem:$0x3FFB];
	_ =	sdelay $0x3  }
0x93: {  	_ =	strace s4  }
0x94: {  	s4 =	sld [smem:$0x3FFC];
	_ =	sdelay $0x3  }
0x95: {  	_ =	strace s4  }
0x96: {  	s4 =	sld [smem:$0x3FFD];
	_ =	sdelay $0x3  }
0x97: {  	_ =	strace s4  }
0x98: {  	_ =	strace $0x8FFFFFFF  }
0x99: {  	s19 =	sld [smem:$0x3FDB];
	_ =	sdelay $0x1  }
0x9a: {  	s5 =	simm.s32 $_scs_section_size  }
0x9b: {  	s6 =	simm.s32 $_size__tile_overlayer_lowered;
	s7 =	simm.s32 $_tile_overlayer_lowered  }
0x9c: {  	s22 =	simm.s32 $0x1BFF;
	s21 =	sshll.u32 s7, $0x1;
	s4 =	sadd.s32 s5, s19  }
0x9d: {  	s8 =	simm.s32 $0x0;
	s20 =	sshll.u32 s6, $0x1;
	s6 =	sadd.s32 s21, s4  }
0x9e: {  	[timem:s8], [sflag:s22] =	dma.local [hbm:s6], s20  }
0x9f: {  	_ =	swait.ge [sflag:s22], s20  }
0xa0: {  	s5 =	ssub.s32 $0x0, s20;
	[sflag:s22] =	ssyncset.done $0x0  }
0xa1: {  	[sflag:s22] =	ssyncadd.s32 s5;
	_ =	sdelay $0x1  }
0xa2: {  	s23 =	simm.s32 $0x1B8B  }
0xa3: {  	_ =	swait.ge [sflag:s23], $0x1  }
0xa4: {  	[sflag:s23] =	ssyncset.done $0x0  }
0xa5: {  	s25 =	simm.s32 $0x1B8E;
	s24 =	sld [smem:$0x3FFE];
	[sflag:s23] =	ssyncadd.s32 $0xFFFFFFFF  }
0xa6: {  	s26 =	simm.s32 $execute0_lowered;
	[smem:$0x3FD2] =	sst s25  }
0xa7: {  	s6 =	sshll.u32 s26, $0x1;
	_ =	strace $0x80000046;
	[dreg:$0x1] =	wrdreg $0xFFFFFFFF  }
0xa8: {  	s28 =	simm.s32 $_size_execute0_lowered;
	s4 =	sadd.s32 s4, s6;
	[dreg:$0x0] =	wrdreg $0x0  }
0xa9: {  	s6 =	sshll.u32 s28, $0x1;
	[dreg:$0x2] =	wrdreg s4  }
0xaa: {  	[dreg:$0x3] =	wrdreg s6  }
0xab: {  	[dreg:$0x4] =	wrdreg $0xC0  }
0xac: {  	_ =	task [dreg:s8], $0x5FFFF  }
0xad: {  	[dreg:$0x1] =	wrdreg $0xFFFFFFFF  }
0xae: {  	[dreg:$0x0] =	wrdreg $0x60  }
0xaf: {  	[dreg:$0x2] =	wrdreg s18  }
0xb0: {  	[dreg:$0x3] =	wrdreg s2  }
0xb1: {  	[dreg:$0x4] =	wrdreg s24  }
0xb2: {  	[dreg:$0x5] =	wrdreg $0x116800  }
0xb3: {  	[dreg:$0x6] =	wrdreg $0x13D900  }
0xb4: {  	[dreg:$0x7] =	wrdreg $0x9  }
0xb5: {  	_ =	task.clear_ibuf [dreg:s8], $0x8FFFF;
	_ =	strace $0x90000046  }
0xb6: {  	s29 =	simm.s32 $0x9;
	_ =	strace $0x80000048  }
0xb7: {  	_ =	swait.ge [sflag:s29], $0x1  }
0xb8: {  	[sflag:s29] =	ssyncadd.s32 $0xFFFFFFFF  }
0xb9: {  	_ =	strace $0x90000048  }
0xba: {  	_ =	sfence  }
0xbb: {  	s30 =	sld [smem:$0x0];
	_ =	sdelay $0x2  }
0xbc: {  	s31 =	sshll.u32 s1, $0xD;
	s1 =	sshrl.u32 s1, $0x2  }
0xbd: {  	s3 =	sand.u32 $0x4000, s31;
	s1 =	sadd.s32 s1, s30  }
0xbe: {  	s0 =	sor.u32 s3, s0;
	s1 =	sshll.u32 s1, $0x11  }
0xbf: {  	s0 =	sor.u32 s1, s0  }
0xc0: {  	s0 =	sadd.s32 $0x8F2B, s0  }
0xc1: {  	[sflag:s0] =	ssyncadd.remote.s32 $0x1  }
0xc2: {  	_ =	sfence.sel $0xFFFF  }
0xc3: {  	[dreg:$0x0] =	wrdreg $0xFFFFFFFF;
	(pc) =	sbr.abs _section_cstart, $3  }
0xc4: {  	[dreg:$0x1] =	wrdreg $0xFFFFFFFF  }
0xc5: {  	_ =	task.clear_ibuf [dreg:s8], $0x2FFFF;
	_ =	strace $0x9FFFFFFF  }
0xc6: {  	(tm) =	ssettm $0x7FFFFFFF  }
0xc7: {  	_ =	shalt  }
tec
execute0_lowered:
.L_overlay_start_1:
0x0: {  	(tag) =	ssettag $0x1  }
0x1: {  	s1 =	rddreg [dreg:$0x0]  }
0x2: {  	s0 =	rddreg [dreg:$0x1]  }
0x3: {  	s4 =	rddreg [dreg:$0x2]  }
0x4: {  	s2 =	rddreg [dreg:$0x3]  }
0x5: {  	s3 =	rddreg [dreg:$0x4];
	s16 =	simm.s32 $0x0  }
0x6: {  	s5 =	srdreg.scid;
	s7 =	stileid.u32;
	s28 =	simm.s32 $0xE780  }
0x7: {  	s29 =	simm.s32 $0xBF80;
	s30 =	simm.s32 $0xC780;
	s31 =	simm.s32 $0xCF80  }
0x8: {  	[smem:$0x7FF] =	sst s16;
	s5 =	sand.u32 $0x1, s5;
	s9 =	smul.u32 $0x2700, s7  }
0x9: {  	s15 =	sadd.s32 $0x27000, s2;
	s10 =	sadd.s32 $0x27000, s3;
	s20 =	sshll.u32 s7, $0x5  }
0xa: {  	s22 =	sshll.u32 s7, $0x7;
	p0 =	sne.s32 s7, $0x0;
	s6 =	smul.u32 $0x4E80, s5  }
0xb: {  	_ =	strace $0x80000047;
	s8 =	ssub.s32 $0x2, s5;
	[dreg:$0x8] =	wrdreg s15  }
0xc: {  	s5 =	sshll.u32 s5, $0x4;
	[dreg:$0x9] =	wrdreg s10;
	s23 =	sadd.s32 s22, s1  }
0xd: {  	s22 =	simm.s32 $0x3;
	s15 =	simm.s32 $0x9F80;
	s12 =	sshrl.u32 s8, $0x1  }
0xe: {  	s5 =	sor.u32 s7, s5;
	s13 =	sadd.s32 s9, s2;
	s14 =	sadd.s32 s9, s3  }
0xf: {  	s25 =	sshrl.u32 s9, $0x3;
	[dreg:$0x6] =	wrdreg s13;
	s17 =	smul.u32 $0x9C0, s5  }
0x10: {  	s4 =	sadd.s32 s6, s4;
	[dreg:$0x7] =	wrdreg s14;
	s11 =	smul.u32 $0x4E, s5  }
0x11: {  	s6 =	ssub.s32 s8, s12;
	s21 =	smul.u32 $0x2700, s5;
	[dreg:$0x10] =	wrdreg s25  }
0x12: {  	p1 =	sgt.u32 s5, $0x3;
	s25 =	simm.s32 $0x2;
	s12 =	simm.s32 $0x1  }
0x13: {  	s13 =	simm.s32 $0x8F80;
	s14 =	simm.s32 $0x9780;
	s18 =	sadd.s32 $0x2600, s4  }
0x14: {  	s5 =	simm.s32 $0x0;
	s4 =	sadd.s32 $0xC400, s4;
	[dreg:$0xa] =	wrdreg s18  }
0x15: {  	s26 =	smax.u32 s6, $0x1;
	[dreg:$0xb] =	wrdreg s4;
	s19 =	sadd.s32 s17, s0  }
0x16: {  	s0 =	sadd.s32 s20, s0;
	s24 =	sadd.s32 s1, s21;
	[dreg:$0x11] =	wrdreg s26  }
0x17: {  	s18 =	simm.s32 $0xEF80;
	s20 =	simm.s32 $0x80;
	s26 =	simm.s32 $0xB780  }
.Ltmp0:
0x18: {  	s21 =	simm.s32 $0xDF80;
	s17 =	simm.s32 $0xA780;
	(pc) =	sbr.rel .LBB2_1-.Ltmp0, $4  }
0x19: {  	s4 =	sadd.s32 $0x10, s19;
	s0 =	sadd.s32 $0x13810, s0;
	[dreg:$0xe] =	wrdreg s24  }
0x1a: {  	s19 =	simm.s32 $0x5;
	s24 =	simm.s32 $0x8780;
	[dreg:$0xc] =	wrdreg s4  }
0x1b: {  	v2 =	vlaneseq.u32;
	[dreg:$0xd] =	wrdreg s0;
	s0 =	sadd.s32 $0x4E000, s23;
	s23 =	simm.s32 $0x4  }
0x1c: {  	v0 =	vimm.f32 $0.0e+00;
	v1 =	vimm.f32 $1.000000000e+00;
	v2 =	vmul.u32 $0x10, v2;
	s4 =	simm.s32 $0xAF80;
	[dreg:$0xf] =	wrdreg s0;
	s0 =	simm.s32 $0xD780  }
.LBB2_18:
0x1d: {  	[bflag:$0x0] =	sbarrier.arrive $0xFFFF  }
0x1e: {  	s6 =	rddreg [dreg:$0x6]  }
0x1f: {  	[tilespmem:s18], [sflag:$0x5] =	stream.linear.gather [spmem:s6], $0x2700, $0x38;
	[tilespmem:$0x164A0] =	vst v63  }
0x20: {  	_ =	swait.ge [sflag:s19], $0x2700  }
0x21: {  	s8 =	rddreg [dreg:$0xa]  }
0x22: {  	[sflag:s19] =	ssyncset.done $0x0;
	s7 =	rddreg [dreg:$0x10]  }
0x23: {  	[sflag:s19] =	ssyncadd.s32 $0xFFFFD900;
	s9 =	sadd.s32 s7, s8  }
0x24: {  	[hbm4b:s9+s16] =	stream.linear.scatter [tilespmem:s18], [sflag:$0x5], $0x2700, $0x38;
	[tilespmem:$0x164A0] =	vst v63  }
0x25: {  	_ =	swait.ge [sflag:s19], $0x2700  }
0x26: {  	[sflag:s19] =	ssyncset.done $0x0  }
0x27: {  	s10 =	rddreg [dreg:$0x7];
	[sflag:s19] =	ssyncadd.s32 $0xFFFFD900  }
0x28: {  	[tilespmem:s18], [sflag:$0x5] =	stream.linear.gather [spmem:s10], $0x2700, $0x38;
	[tilespmem:$0x164A0] =	vst v63  }
0x29: {  	_ =	swait.ge [sflag:s19], $0x2700  }
0x2a: {  	[sflag:s19] =	ssyncset.done $0x0;
	s10 =	rddreg [dreg:$0xb]  }
0x2b: {  	[sflag:s19] =	ssyncadd.s32 $0xFFFFD900;
	s9 =	sadd.s32 s7, s10  }
0x2c: {  	[hbm4b:s9+s16] =	stream.linear.scatter [tilespmem:s18], [sflag:$0x5], $0x2700, $0x38;
	[tilespmem:$0x164A0] =	vst v63  }
0x2d: {  	_ =	swait.ge [sflag:s19], $0x2700  }
0x2e: {  	[sflag:s19] =	ssyncset.done $0x0  }
0x2f: {  	s6 =	simm.s32 @!p0 $0xEF80;
	s7 =	rddreg [dreg:$0x8];
	[sflag:s19] =	ssyncadd.s32 $0xFFFFD900  }
0x30: {  	[tilespmem:s6], [sflag:$0x5] =	stream.linear.gather @!p0 [spmem:s7], $0x100, $0x38;
	[tilespmem:$0x164A0] =	vst v63  }
0x31: {  	s7 =	simm.s32 @!p0 $0x5  }
0x32: {  	_ =	swait.ge @!p0 [sflag:s7], $0x100  }
0x33: {  	[sflag:s7] =	ssyncset.done @!p0 $0x0  }
0x34: {  	s8 =	sadd.s32 @!p0 $0x4E00, s8;
	s9 =	simm.s32 @!p0 $0x0;
	[sflag:s7] =	ssyncadd.s32 @!p0 $0xFFFFFF00  }
0x35: {  	[hbm4b:s8+s9] =	stream.linear.scatter @!p0 [tilespmem:s6], [sflag:$0x5], $0x100, $0x38;
	[tilespmem:$0x164A0] =	vst v63  }
0x36: {  	_ =	swait.ge @!p0 [sflag:s7], $0x100  }
0x37: {  	[sflag:s7] =	ssyncset.done @!p0 $0x0  }
0x38: {  	s8 =	rddreg [dreg:$0x9];
	[sflag:s7] =	ssyncadd.s32 @!p0 $0xFFFFFF00  }
0x39: {  	[tilespmem:s6], [sflag:$0x5] =	stream.linear.gather @!p0 [spmem:s8], $0x100, $0x38;
	[tilespmem:$0x164A0] =	vst v63  }
0x3a: {  	_ =	swait.ge @!p0 [sflag:s7], $0x100  }
0x3b: {  	[sflag:s7] =	ssyncset.done @!p0 $0x0  }
0x3c: {  	s8 =	sadd.s32 @!p0 $0x4E00, s10;
	[sflag:s7] =	ssyncadd.s32 @!p0 $0xFFFFFF00  }
0x3d: {  	[hbm4b:s8+s9] =	stream.linear.scatter @!p0 [tilespmem:s6], [sflag:$0x5], $0x100, $0x38;
	[tilespmem:$0x164A0] =	vst v63  }
0x3e: {  	_ =	swait.ge @!p0 [sflag:s7], $0x100  }
0x3f: {  	s5 =	sadd.s32 $0x1, s5;
	s10 =	rddreg [dreg:$0x11]  }
0x40: {  	p2 =	sne.s32 s5, s10  }
.Ltmp1:
0x41: {  	_ = 	snop;
	(pc) =	sbr.rel @!p2 .LBB2_19-.Ltmp1, $3  }
0x42: {  	_ =	sdelay $0x1  }
0x43: {  	[sflag:s7] =	ssyncset.done @!p0 $0x0  }
0x44: {  	[sflag:s7] =	ssyncadd.s32 @!p0 $0xFFFFFF00  }
.LBB2_1:
0x45: {  	s6 =	simm.s32 $0x40;
	s7 =	simm.s32 $0x0  }
.LBB2_2:
0x46: {  	p2 =	sne.s32 s6, $0x9BC0;
	[tilespmem:s7+$0xEF80] =	vst v0;
	s7 =	smov.u32 s6;
	s6 =	sadd.s32 $0x40, s6  }
.Ltmp2:
0x47: {  	(pc) =	sbr.rel @p2 .LBB2_2-.Ltmp2, $2  }
0x48: {  	_ =	sdelay $0x2  }
0x49: {  	s7 =	sshra.s32 s7, $0x2  }
0x4a: {  	[tilespmem:s7+$0xEF80] =	vst v0;
	s6 =	rddreg [dreg:$0x6]  }
0x4b: {  	[spmem:s6] =	stream.linear.scatter [tilespmem:s18], [sflag:$0x5], $0x2700, $0x38;
	[tilespmem:$0x164A0] =	vst v63  }
0x4c: {  	_ =	swait.ge [sflag:s19], $0x2700  }
0x4d: {  	[sflag:s19] =	ssyncset.done $0x0  }
0x4e: {  	s10 =	rddreg [dreg:$0x7];
	[sflag:s19] =	ssyncadd.s32 $0xFFFFD900  }
0x4f: {  	[spmem:s10] =	stream.linear.scatter [tilespmem:s18], [sflag:$0x5], $0x2700, $0x38;
	[tilespmem:$0x164A0] =	vst v63  }
0x50: {  	_ =	swait.ge [sflag:s19], $0x2700  }
0x51: {  	[sflag:s19] =	ssyncset.done $0x0  }
0x52: {  	s6 =	simm.s32 @!p0 $0xEF80;
	s7 =	rddreg [dreg:$0x8];
	[sflag:s19] =	ssyncadd.s32 $0xFFFFD900  }
0x53: {  	[spmem:s7] =	stream.linear.scatter @!p0 [tilespmem:s6], [sflag:$0x5], $0x100, $0x38;
	[tilespmem:$0x164A0] =	vst v63  }
0x54: {  	s7 =	simm.s32 @!p0 $0x5  }
0x55: {  	_ =	swait.ge @!p0 [sflag:s7], $0x100  }
0x56: {  	[sflag:s7] =	ssyncset.done @!p0 $0x0  }
0x57: {  	s8 =	rddreg [dreg:$0x9];
	[sflag:s7] =	ssyncadd.s32 @!p0 $0xFFFFFF00  }
0x58: {  	[spmem:s8] =	stream.linear.scatter @!p0 [tilespmem:s6], [sflag:$0x5], $0x100, $0x38;
	[tilespmem:$0x164A0] =	vst v63  }
0x59: {  	_ =	swait.ge @!p0 [sflag:s7], $0x100  }
0x5a: {  	[sflag:s7] =	ssyncset.done @!p0 $0x0;
	s8 =	rddreg [dreg:$0xa]  }
0x5b: {  	s9 =	simm.s32 @!p0 $0x0;
	[sflag:s7] =	ssyncadd.s32 @!p0 $0xFFFFFF00;
	s8 =	sadd.s32 @!p0 $0x4E20, s8  }
0x5c: {  	[hbm4b:s8+s9] =	stream.linear.scatter @!p0 [tilespmem:s6], [sflag:$0x5], $0x300, $0x38;
	[tilespmem:$0x164A0] =	vst v63  }
0x5d: {  	_ =	swait.ge @!p0 [sflag:s7], $0x300  }
0x5e: {  	[sflag:s7] =	ssyncset.done @!p0 $0x0;
	s8 =	rddreg [dreg:$0xb]  }
0x5f: {  	[sflag:s7] =	ssyncadd.s32 @!p0 $0xFFFFFD00;
	s8 =	sadd.s32 @!p0 $0x4E20, s8  }
0x60: {  	[hbm4b:s8+s9] =	stream.linear.scatter @!p0 [tilespmem:s6], [sflag:$0x5], $0x300, $0x38;
	[tilespmem:$0x164A0] =	vst v63  }
0x61: {  	_ =	swait.ge @!p0 [sflag:s7], $0x300  }
0x62: {  	[sflag:s7] =	ssyncset.done @!p0 $0x0  }
0x63: {  	s6 =	simm.s32 $0x40;
	[sflag:s7] =	ssyncadd.s32 @!p0 $0xFFFFFD00;
	s7 =	simm.s32 $0x0  }
.LBB2_4:
0x64: {  	p2 =	sne.s32 s6, $0x1FC0;
	[tilespmem:s7+$0xE780] =	vst v1;
	s7 =	smov.u32 s6;
	s6 =	sadd.s32 $0x40, s6  }
.Ltmp3:
0x65: {  	(pc) =	sbr.rel @p2 .LBB2_4-.Ltmp3, $2  }
0x66: {  	_ =	sdelay $0x2  }
0x67: {  	s7 =	sshra.s32 s7, $0x2  }
0x68: {  	[tilespmem:s7+$0xE780] =	vst v1;
	s6 =	rddreg [dreg:$0xc];
	s10 =	simm.s32 $0x100  }
0x69: {  	[tilespmem:s16], [sflag:$0x5] =	stream.strided.gather [hbm4b:s6+s20], $0x2700, s10, s20, $0x38;
	[tilespmem:$0x164A0] =	vst v63  }
0x6a: {  	_ =	swait.ge [sflag:s19], $0x2700  }
0x6b: {  	s7 =	simm.s32 @!p1 $0x2700;
	[sflag:s19] =	ssyncset.done $0x0  }
0x6c: {  	s6 =	simm.s32 @!p1 $0x0;
	s8 =	rddreg [dreg:$0xd];
	[sflag:s19] =	ssyncadd.s32 $0xFFFFD900  }
0x6d: {  	[tilespmem:s7], [sflag:$0x5] =	stream.linear.gather @!p1 [hbm4b:s8+s6], $0x80, $0x38;
	[tilespmem:$0x164A0] =	vst v63  }
0x6e: {  	s6 =	simm.s32 @!p1 $0x5  }
0x6f: {  	_ =	swait.ge @!p1 [sflag:s6], $0x80  }
.Ltmp4:
0x70: {  	[sflag:s6] =	ssyncset.done @!p1 $0x0;
	(pc) =	sbr.rel .LBB2_6-.Ltmp4, $4  }
0x71: {  	[sflag:s6] =	ssyncadd.s32 @!p1 $0xFFFFFF80  }
0x72: {  	s9 =	simm.s32 $0x2780;
	s10 =	simm.s32 $0x1800;
	[bflag:$0x0] =	sbarrier.arrive $0xFFFF  }
0x73: {  	s16 =	simm.s32 $0x271000;
	s6 =	simm.s32 $0x0;
	s8 =	rddreg [dreg:$0xe]  }
0x74: {  	[tilespmem:s9], [sflag:$0x1] =	stream.strided.gather [hbm4b:s8+s10], $0x3000, s16, s10, $0x38;
	[tilespmem:$0x164A0] =	vst v63  }
.LBB2_9:
0x75: {  	_ =	sdelay $0x3  }
0x76: {  	v5 =	vshll.u32 v5, $0x4;
	s8 =	sor.u32 s9, s10;
	[tilespmem:v3+s24+$0x0] =	vst.idx.msk $0xffff, v4  }
0x77: {  	v3 =	vld [tilespmem:s8+$0x2780];
	v50 =	vor.u32 v2, v5;
	_ =	sdelay $0x4  }
0x78: {  	[tilespmem:v50+s24+$0x0] =	vst.idx.msk $0xffff, v3  }
0x79: {  	v5 =	vor.u32 $0x1, v50;
	v3 =	vld [tilespmem:s8+$0x2800];
	_ =	sdelay $0x4  }
0x7a: {  	[tilespmem:v5+s24+$0x0] =	vst.idx.msk $0xffff, v3  }
0x7b: {  	v51 =	vor.u32 $0x2, v50;
	v3 =	vld [tilespmem:s8+$0x2880];
	_ =	sdelay $0x4  }
0x7c: {  	[tilespmem:v51+s24+$0x0] =	vst.idx.msk $0xffff, v3  }
0x7d: {  	v52 =	vor.u32 $0x3, v50;
	v3 =	vld [tilespmem:s8+$0x2900];
	_ =	sdelay $0x4  }
0x7e: {  	[tilespmem:v52+s24+$0x0] =	vst.idx.msk $0xffff, v3  }
0x7f: {  	v53 =	vor.u32 $0x4, v50;
	v3 =	vld [tilespmem:s8+$0x2980];
	_ =	sdelay $0x4  }
0x80: {  	[tilespmem:v53+s24+$0x0] =	vst.idx.msk $0xffff, v3  }
0x81: {  	v54 =	vor.u32 $0x5, v50;
	v3 =	vld [tilespmem:s8+$0x2A00];
	_ =	sdelay $0x4  }
0x82: {  	[tilespmem:v54+s24+$0x0] =	vst.idx.msk $0xffff, v3  }
0x83: {  	v55 =	vor.u32 $0x6, v50;
	v3 =	vld [tilespmem:s8+$0x2A80];
	_ =	sdelay $0x4  }
0x84: {  	[tilespmem:v55+s24+$0x0] =	vst.idx.msk $0xffff, v3  }
0x85: {  	v56 =	vor.u32 $0x7, v50;
	v3 =	vld [tilespmem:s8+$0x2B00];
	_ =	sdelay $0x4  }
0x86: {  	[tilespmem:v56+s24+$0x0] =	vst.idx.msk $0xffff, v3  }
0x87: {  	v57 =	vor.u32 $0x8, v50;
	v3 =	vld [tilespmem:s8+$0x3F80];
	_ =	sdelay $0x4  }
0x88: {  	[tilespmem:v57+s24+$0x0] =	vst.idx.msk $0xffff, v3  }
0x89: {  	v58 =	vor.u32 $0x9, v50;
	v3 =	vld [tilespmem:s8+$0x4000];
	_ =	sdelay $0x4  }
0x8a: {  	[tilespmem:v58+s24+$0x0] =	vst.idx.msk $0xffff, v3  }
0x8b: {  	v59 =	vor.u32 $0xA, v50;
	v3 =	vld [tilespmem:s8+$0x4080];
	_ =	sdelay $0x4  }
0x8c: {  	[tilespmem:v59+s24+$0x0] =	vst.idx.msk $0xffff, v3  }
0x8d: {  	v60 =	vor.u32 $0xB, v50;
	v3 =	vld [tilespmem:s8+$0x4100];
	_ =	sdelay $0x4  }
0x8e: {  	[tilespmem:v60+s24+$0x0] =	vst.idx.msk $0xffff, v3  }
0x8f: {  	v61 =	vor.u32 $0xC, v50;
	v3 =	vld [tilespmem:s8+$0x4180];
	_ =	sdelay $0x4  }
0x90: {  	[tilespmem:v61+s24+$0x0] =	vst.idx.msk $0xffff, v3  }
0x91: {  	v62 =	vor.u32 $0xD, v50;
	v3 =	vld [tilespmem:s8+$0x4200];
	_ =	sdelay $0x4  }
0x92: {  	[tilespmem:v62+s24+$0x0] =	vst.idx.msk $0xffff, v3  }
0x93: {  	v63 =	vor.u32 $0xE, v50;
	v3 =	vld [tilespmem:s8+$0x4280];
	_ =	sdelay $0x4  }
0x94: {  	[tilespmem:v63+s24+$0x0] =	vst.idx.msk $0xffff, v3  }
0x95: {  	v4 =	vor.u32 $0xF, v50;
	v3 =	vld [tilespmem:s8+$0x4300];
	_ =	sdelay $0x2  }
0x96: {  	s6 =	smul.u32 $0xC00, s6;
	_ =	sdelay $0x1  }
0x97: {  	s6 =	sshra.s32 s6, $0x2;
	[tilespmem:v4+s24+$0x0] =	vst.idx.msk $0xffff, v3  }
0x98: {  	[spmem:s2] =	stream.indirect.scatter.add.f32 [tilespmem:s24], [sflag:$0x3], $0x10, s6, s20, $0xb8;
	[tilespmem:$0x164A0] =	vst v63  }
0x99: {  	_ = 	snop  }
0x9a: {  	[spmem:s3] =	stream.indirect.scatter.add.f32 [tilespmem:s28], [sflag:$0x3], $0x10, s6, s20, $0xb8;
	[tilespmem:$0x164A0] =	vst v63  }
0x9b: {  	s16 =	sor.u32 $0x80, s6  }
0x9c: {  	[spmem:s2] =	stream.indirect.scatter.add.f32 [tilespmem:s13], [sflag:$0x3], $0x10, s16, s20, $0xb8;
	[tilespmem:$0x164A0] =	vst v63  }
0x9d: {  	_ = 	snop  }
0x9e: {  	[spmem:s3] =	stream.indirect.scatter.add.f32 [tilespmem:s28], [sflag:$0x3], $0x10, s16, s20, $0xb8;
	[tilespmem:$0x164A0] =	vst v63  }
0x9f: {  	s9 =	sadd.s32 $0x100, s6  }
0xa0: {  	[spmem:s2] =	stream.indirect.scatter.add.f32 [tilespmem:s14], [sflag:$0x3], $0x10, s9, s20, $0xb8;
	[tilespmem:$0x164A0] =	vst v63  }
0xa1: {  	_ = 	snop  }
0xa2: {  	[spmem:s3] =	stream.indirect.scatter.add.f32 [tilespmem:s28], [sflag:$0x3], $0x10, s9, s20, $0xb8;
	[tilespmem:$0x164A0] =	vst v63  }
0xa3: {  	s10 =	sadd.s32 $0x180, s6  }
0xa4: {  	[spmem:s2] =	stream.indirect.scatter.add.f32 [tilespmem:s15], [sflag:$0x3], $0x10, s10, s20, $0xb8;
	[tilespmem:$0x164A0] =	vst v63  }
0xa5: {  	_ = 	snop  }
0xa6: {  	[spmem:s3] =	stream.indirect.scatter.add.f32 [tilespmem:s28], [sflag:$0x3], $0x10, s10, s20, $0xb8;
	[tilespmem:$0x164A0] =	vst v63  }
0xa7: {  	s16 =	sadd.s32 $0x200, s6  }
0xa8: {  	[spmem:s2] =	stream.indirect.scatter.add.f32 [tilespmem:s17], [sflag:$0x3], $0x10, s16, s20, $0xb8;
	[tilespmem:$0x164A0] =	vst v63  }
0xa9: {  	_ = 	snop  }
0xaa: {  	[spmem:s3] =	stream.indirect.scatter.add.f32 [tilespmem:s28], [sflag:$0x3], $0x10, s16, s20, $0xb8;
	[tilespmem:$0x164A0] =	vst v63  }
0xab: {  	s6 =	sadd.s32 $0x280, s6  }
0xac: {  	[spmem:s2] =	stream.indirect.scatter.add.f32 [tilespmem:s4], [sflag:$0x3], $0x10, s6, s20, $0xb8;
	[tilespmem:$0x164A0] =	vst v63  }
0xad: {  	_ = 	snop  }
0xae: {  	[spmem:s3] =	stream.indirect.scatter.add.f32 [tilespmem:s28], [sflag:$0x3], $0x10, s6, s20, $0xb8;
	[tilespmem:$0x164A0] =	vst v63  }
.LBB2_13:
0xaf: {  	p2 =	sne.s32 s7, $0xD  }
.Ltmp5:
0xb0: {  	_ = 	snop;
	(pc) =	sbr.rel @!p2 .LBB2_14-.Ltmp5, $2  }
0xb1: {  	_ =	sdelay $0x2  }
0xb2: {  	s6 =	smov.u32 s7  }
.LBB2_6:
0xb3: {  	s7 =	sadd.s32 $0x1, s6;
	p2 =	seq.s32 s6, $0xC  }
0xb4: {  	s8 =	smul.u32 @!p2 $0x6, s7  }
0xb5: {  	s9 =	sand.u32 @!p2 $0x1, s7  }
0xb6: {  	p3 =	seq.s32 @!p2 s9, $0x1;
	s8 =	sadd.s32 @!p2 s11, s8  }
0xb7: {  	p4 =	por !p3, p2;
	s8 =	sshll.u32 @!p2 s8, $0x7  }
0xb8: {  	p3 =	por p3, p2;
	s9 =	simm.s32 @!p4 $0x1800;
	s8 =	sand.u32 @!p2 $0x1FFFFF00, s8  }
0xb9: {  	s10 =	simm.s32 @!p4 $0x271000;
	s16 =	simm.s32 @!p4 $0x5780;
	s8 =	sadd.s32 @!p2 s1, s8  }
0xba: {  	[tilespmem:s16], [sflag:$0x2] =	stream.strided.gather @!p4 [hbm4b:s8+s9], $0x3000, s10, s9, $0x38;
	[tilespmem:$0x164A0] =	vst v63  }
0xbb: {  	s9 =	simm.s32 @!p3 $0x1800;
	s10 =	simm.s32 @!p3 $0x271000;
	s16 =	simm.s32 @!p3 $0x2780  }
0xbc: {  	[tilespmem:s16], [sflag:$0x1] =	stream.strided.gather @!p3 [hbm4b:s8+s9], $0x3000, s10, s9, $0x38;
	[tilespmem:$0x164A0] =	vst v63  }
0xbd: {  	s8 =	sand.u32 @!p2 $0x1, s6  }
0xbe: {  	p3 =	seq.s32 @!p2 s8, $0x1  }
0xbf: {  	p3 =	por p2, !p3  }
.Ltmp6:
0xc0: {  	_ = 	snop;
	(pc) =	sbr.rel @p3 .LBB2_7-.Ltmp6, $2  }
0xc1: {  	_ =	sdelay $0x2  }
0xc2: {  	p2 =	slt.u32 s6, $0x2  }
0xc3: {  	_ =	swait.ge [sflag:s25], $0x3000  }
0xc4: {  	[sflag:s25] =	ssyncset.done $0x0  }
0xc5: {  	s8 =	simm.s32 @!p2 $0x4;
	[sflag:s25] =	ssyncadd.s32 $0xFFFFD000  }
0xc6: {  	_ =	swait.ge @!p2 [sflag:s8], $0x800  }
0xc7: {  	[sflag:s8] =	ssyncset.done @!p2 $0x0  }
0xc8: {  	[sflag:s8] =	ssyncadd.s32 @!p2 $0xFFFFF800  }
0xc9: {  	_ =	swait.ge @!p2 [sflag:s8], $0x800  }
0xca: {  	[sflag:s8] =	ssyncset.done @!p2 $0x0  }
0xcb: {  	[sflag:s8] =	ssyncadd.s32 @!p2 $0xFFFFF800  }
0xcc: {  	_ =	swait.ge @!p2 [sflag:s8], $0x800  }
0xcd: {  	[sflag:s8] =	ssyncset.done @!p2 $0x0  }
0xce: {  	[sflag:s8] =	ssyncadd.s32 @!p2 $0xFFFFF800  }
0xcf: {  	_ =	swait.ge @!p2 [sflag:s8], $0x800  }
0xd0: {  	[sflag:s8] =	ssyncset.done @!p2 $0x0  }
0xd1: {  	[sflag:s8] =	ssyncadd.s32 @!p2 $0xFFFFF800  }
0xd2: {  	_ =	swait.ge @!p2 [sflag:s8], $0x800  }
0xd3: {  	[sflag:s8] =	ssyncset.done @!p2 $0x0  }
0xd4: {  	[sflag:s8] =	ssyncadd.s32 @!p2 $0xFFFFF800  }
0xd5: {  	_ =	swait.ge @!p2 [sflag:s8], $0x800  }
0xd6: {  	[sflag:s8] =	ssyncset.done @!p2 $0x0  }
0xd7: {  	[sflag:s8] =	ssyncadd.s32 @!p2 $0xFFFFF800  }
0xd8: {  	_ =	swait.ge @!p2 [sflag:s8], $0x800  }
0xd9: {  	[sflag:s8] =	ssyncset.done @!p2 $0x0  }
0xda: {  	[sflag:s8] =	ssyncadd.s32 @!p2 $0xFFFFF800  }
0xdb: {  	_ =	swait.ge @!p2 [sflag:s8], $0x800  }
0xdc: {  	[sflag:s8] =	ssyncset.done @!p2 $0x0  }
0xdd: {  	[sflag:s8] =	ssyncadd.s32 @!p2 $0xFFFFF800  }
0xde: {  	_ =	swait.ge @!p2 [sflag:s8], $0x800  }
0xdf: {  	[sflag:s8] =	ssyncset.done @!p2 $0x0  }
0xe0: {  	[sflag:s8] =	ssyncadd.s32 @!p2 $0xFFFFF800  }
0xe1: {  	_ =	swait.ge @!p2 [sflag:s8], $0x800  }
0xe2: {  	[sflag:s8] =	ssyncset.done @!p2 $0x0  }
0xe3: {  	[sflag:s8] =	ssyncadd.s32 @!p2 $0xFFFFF800  }
0xe4: {  	_ =	swait.ge @!p2 [sflag:s8], $0x800  }
0xe5: {  	[sflag:s8] =	ssyncset.done @!p2 $0x0  }
0xe6: {  	[sflag:s8] =	ssyncadd.s32 @!p2 $0xFFFFF800  }
0xe7: {  	s9 =	simm.s32 $0x0;
	_ =	swait.ge @!p2 [sflag:s8], $0x800  }
0xe8: {  	v3 =	vmov s9;
	s10 =	sand.u32 $0x70, s9;
	s9 =	sand.u32 $0x1C00, s9;
	[sflag:s8] =	ssyncset.done @!p2 $0x0  }
0xe9: {  	v3 =	vshll.u32 v3, $0x4;
	s9 =	sor.u32 s10, s9;
	[sflag:s8] =	ssyncadd.s32 @!p2 $0xFFFFF800  }
0xea: {  	v3 =	vor.u32 v2, v3;
	v4 =	vld [tilespmem:s9+$0x5780];
	_ =	sdelay $0x4  }
0xeb: {  	[tilespmem:v3+s26+$0x0] =	vst.idx.msk $0xffff, v4  }
0xec: {  	v5 =	vor.u32 $0x1, v3;
	v4 =	vld [tilespmem:s9+$0x5800];
	_ =	sdelay $0x4  }
0xed: {  	[tilespmem:v5+s26+$0x0] =	vst.idx.msk $0xffff, v4  }
0xee: {  	v5 =	vor.u32 $0x2, v3;
	v4 =	vld [tilespmem:s9+$0x5880];
	_ =	sdelay $0x4  }
0xef: {  	[tilespmem:v5+s26+$0x0] =	vst.idx.msk $0xffff, v4  }
0xf0: {  	v5 =	vor.u32 $0x3, v3;
	v4 =	vld [tilespmem:s9+$0x5900];
	_ =	sdelay $0x4  }
0xf1: {  	[tilespmem:v5+s26+$0x0] =	vst.idx.msk $0xffff, v4  }
0xf2: {  	v5 =	vor.u32 $0x4, v3;
	v4 =	vld [tilespmem:s9+$0x5980];
	_ =	sdelay $0x4  }
0xf3: {  	[tilespmem:v5+s26+$0x0] =	vst.idx.msk $0xffff, v4  }
0xf4: {  	v5 =	vor.u32 $0x5, v3;
	v4 =	vld [tilespmem:s9+$0x5A00];
	_ =	sdelay $0x4  }
0xf5: {  	[tilespmem:v5+s26+$0x0] =	vst.idx.msk $0xffff, v4  }
0xf6: {  	v5 =	vor.u32 $0x6, v3;
	v4 =	vld [tilespmem:s9+$0x5A80];
	_ =	sdelay $0x4  }
0xf7: {  	[tilespmem:v5+s26+$0x0] =	vst.idx.msk $0xffff, v4  }
0xf8: {  	v5 =	vor.u32 $0x7, v3;
	v4 =	vld [tilespmem:s9+$0x5B00];
	_ =	sdelay $0x4  }
0xf9: {  	[tilespmem:v5+s26+$0x0] =	vst.idx.msk $0xffff, v4  }
0xfa: {  	v5 =	vor.u32 $0x8, v3;
	v4 =	vld [tilespmem:s9+$0x6F80];
	_ =	sdelay $0x4  }
0xfb: {  	[tilespmem:v5+s26+$0x0] =	vst.idx.msk $0xffff, v4  }
0xfc: {  	v5 =	vor.u32 $0x9, v3;
	v4 =	vld [tilespmem:s9+$0x7000];
	_ =	sdelay $0x4  }
0xfd: {  	[tilespmem:v5+s26+$0x0] =	vst.idx.msk $0xffff, v4  }
0xfe: {  	v5 =	vor.u32 $0xA, v3;
	v4 =	vld [tilespmem:s9+$0x7080];
	_ =	sdelay $0x4  }
0xff: {  	[tilespmem:v5+s26+$0x0] =	vst.idx.msk $0xffff, v4  }
0x100: {  	v5 =	vor.u32 $0xB, v3;
	v4 =	vld [tilespmem:s9+$0x7100];
	_ =	sdelay $0x4  }
0x101: {  	[tilespmem:v5+s26+$0x0] =	vst.idx.msk $0xffff, v4  }
0x102: {  	v5 =	vor.u32 $0xC, v3;
	v4 =	vld [tilespmem:s9+$0x7180];
	_ =	sdelay $0x4  }
0x103: {  	[tilespmem:v5+s26+$0x0] =	vst.idx.msk $0xffff, v4  }
0x104: {  	v5 =	vor.u32 $0xD, v3;
	v4 =	vld [tilespmem:s9+$0x7200];
	_ =	sdelay $0x4  }
0x105: {  	[tilespmem:v5+s26+$0x0] =	vst.idx.msk $0xffff, v4  }
0x106: {  	v5 =	vor.u32 $0xE, v3;
	v4 =	vld [tilespmem:s9+$0x7280];
	_ =	sdelay $0x4  }
0x107: {  	[tilespmem:v5+s26+$0x0] =	vst.idx.msk $0xffff, v4  }
0x108: {  	v3 =	vor.u32 $0xF, v3;
	v4 =	vld [tilespmem:s9+$0x7300];
	_ =	sdelay $0x2  }
0x109: {  	s16 =	simm.s32 $0x80;
	s8 =	simm.s32 $0x10  }
0x10a: {  	s10 =	sand.u32 $0x1C00, s16;
	s16 =	simm.s32 $0x100;
	v5 =	vmov s8;
	s9 =	sand.u32 $0x70, s8  }
.LBB2_11:
0x10b: {  	p2 =	sne.s32 s16, $0x1780;
	v5 =	vshll.u32 v5, $0x4;
	s9 =	sor.u32 s9, s10;
	[tilespmem:v3+s26+$0x0] =	vst.idx.msk $0xffff, v4  }
0x10c: {  	v4 =	vld [tilespmem:s9+$0x5780];
	v3 =	vor.u32 v2, v5;
	_ =	sdelay $0x4  }
0x10d: {  	[tilespmem:v3+s26+$0x0] =	vst.idx.msk $0xffff, v4  }
0x10e: {  	v5 =	vor.u32 $0x1, v3;
	v4 =	vld [tilespmem:s9+$0x5800];
	_ =	sdelay $0x4  }
0x10f: {  	[tilespmem:v5+s26+$0x0] =	vst.idx.msk $0xffff, v4  }
0x110: {  	v5 =	vor.u32 $0x2, v3;
	v4 =	vld [tilespmem:s9+$0x5880];
	_ =	sdelay $0x4  }
0x111: {  	[tilespmem:v5+s26+$0x0] =	vst.idx.msk $0xffff, v4  }
0x112: {  	v5 =	vor.u32 $0x3, v3;
	v4 =	vld [tilespmem:s9+$0x5900];
	_ =	sdelay $0x4  }
0x113: {  	[tilespmem:v5+s26+$0x0] =	vst.idx.msk $0xffff, v4  }
0x114: {  	v5 =	vor.u32 $0x4, v3;
	v4 =	vld [tilespmem:s9+$0x5980];
	_ =	sdelay $0x4  }
0x115: {  	[tilespmem:v5+s26+$0x0] =	vst.idx.msk $0xffff, v4  }
0x116: {  	v5 =	vor.u32 $0x5, v3;
	v4 =	vld [tilespmem:s9+$0x5A00];
	_ =	sdelay $0x4  }
0x117: {  	[tilespmem:v5+s26+$0x0] =	vst.idx.msk $0xffff, v4  }
0x118: {  	v5 =	vor.u32 $0x6, v3;
	v4 =	vld [tilespmem:s9+$0x5A80];
	_ =	sdelay $0x4  }
0x119: {  	[tilespmem:v5+s26+$0x0] =	vst.idx.msk $0xffff, v4  }
0x11a: {  	v5 =	vor.u32 $0x7, v3;
	v4 =	vld [tilespmem:s9+$0x5B00];
	_ =	sdelay $0x4  }
0x11b: {  	[tilespmem:v5+s26+$0x0] =	vst.idx.msk $0xffff, v4  }
0x11c: {  	v5 =	vor.u32 $0x8, v3;
	v4 =	vld [tilespmem:s9+$0x6F80];
	_ =	sdelay $0x4  }
0x11d: {  	[tilespmem:v5+s26+$0x0] =	vst.idx.msk $0xffff, v4  }
0x11e: {  	v5 =	vor.u32 $0x9, v3;
	v4 =	vld [tilespmem:s9+$0x7000];
	_ =	sdelay $0x4  }
0x11f: {  	[tilespmem:v5+s26+$0x0] =	vst.idx.msk $0xffff, v4  }
0x120: {  	v5 =	vor.u32 $0xA, v3;
	v4 =	vld [tilespmem:s9+$0x7080];
	_ =	sdelay $0x4  }
0x121: {  	[tilespmem:v5+s26+$0x0] =	vst.idx.msk $0xffff, v4  }
0x122: {  	v5 =	vor.u32 $0xB, v3;
	v4 =	vld [tilespmem:s9+$0x7100];
	_ =	sdelay $0x4  }
0x123: {  	[tilespmem:v5+s26+$0x0] =	vst.idx.msk $0xffff, v4  }
0x124: {  	v5 =	vor.u32 $0xC, v3;
	v4 =	vld [tilespmem:s9+$0x7180];
	_ =	sdelay $0x4  }
0x125: {  	[tilespmem:v5+s26+$0x0] =	vst.idx.msk $0xffff, v4  }
0x126: {  	v5 =	vor.u32 $0xD, v3;
	v4 =	vld [tilespmem:s9+$0x7200];
	_ =	sdelay $0x4  }
0x127: {  	[tilespmem:v5+s26+$0x0] =	vst.idx.msk $0xffff, v4  }
0x128: {  	v5 =	vor.u32 $0xE, v3;
	v4 =	vld [tilespmem:s9+$0x7280];
	_ =	sdelay $0x4  }
0x129: {  	[tilespmem:v5+s26+$0x0] =	vst.idx.msk $0xffff, v4  }
.Ltmp7:
0x12a: {  	v3 =	vor.u32 $0xF, v3;
	v4 =	vld [tilespmem:s9+$0x7300];
	(pc) =	sbr.rel @p2 .LBB2_11-.Ltmp7, $3  }
0x12b: {  	_ =	sdelay $0x1  }
0x12c: {  	s8 =	sadd.s32 $0x10, s8  }
0x12d: {  	s10 =	sand.u32 $0x1C00, s16;
	s16 =	sadd.s32 $0x80, s16;
	v5 =	vmov s8;
	s9 =	sand.u32 $0x70, s8  }
0x12e: {  	_ =	sdelay $0x3  }
0x12f: {  	v5 =	vshll.u32 v5, $0x4;
	s8 =	sor.u32 s9, s10;
	[tilespmem:v3+s26+$0x0] =	vst.idx.msk $0xffff, v4  }
0x130: {  	v3 =	vld [tilespmem:s8+$0x5780];
	v50 =	vor.u32 v2, v5;
	_ =	sdelay $0x4  }
0x131: {  	[tilespmem:v50+s26+$0x0] =	vst.idx.msk $0xffff, v3  }
0x132: {  	v5 =	vor.u32 $0x1, v50;
	v3 =	vld [tilespmem:s8+$0x5800];
	_ =	sdelay $0x4  }
0x133: {  	[tilespmem:v5+s26+$0x0] =	vst.idx.msk $0xffff, v3  }
0x134: {  	v51 =	vor.u32 $0x2, v50;
	v3 =	vld [tilespmem:s8+$0x5880];
	_ =	sdelay $0x4  }
0x135: {  	[tilespmem:v51+s26+$0x0] =	vst.idx.msk $0xffff, v3  }
0x136: {  	v52 =	vor.u32 $0x3, v50;
	v3 =	vld [tilespmem:s8+$0x5900];
	_ =	sdelay $0x4  }
0x137: {  	[tilespmem:v52+s26+$0x0] =	vst.idx.msk $0xffff, v3  }
0x138: {  	v53 =	vor.u32 $0x4, v50;
	v3 =	vld [tilespmem:s8+$0x5980];
	_ =	sdelay $0x4  }
0x139: {  	[tilespmem:v53+s26+$0x0] =	vst.idx.msk $0xffff, v3  }
0x13a: {  	v54 =	vor.u32 $0x5, v50;
	v3 =	vld [tilespmem:s8+$0x5A00];
	_ =	sdelay $0x4  }
0x13b: {  	[tilespmem:v54+s26+$0x0] =	vst.idx.msk $0xffff, v3  }
0x13c: {  	v55 =	vor.u32 $0x6, v50;
	v3 =	vld [tilespmem:s8+$0x5A80];
	_ =	sdelay $0x4  }
0x13d: {  	[tilespmem:v55+s26+$0x0] =	vst.idx.msk $0xffff, v3  }
0x13e: {  	v56 =	vor.u32 $0x7, v50;
	v3 =	vld [tilespmem:s8+$0x5B00];
	_ =	sdelay $0x4  }
0x13f: {  	[tilespmem:v56+s26+$0x0] =	vst.idx.msk $0xffff, v3  }
0x140: {  	v57 =	vor.u32 $0x8, v50;
	v3 =	vld [tilespmem:s8+$0x6F80];
	_ =	sdelay $0x4  }
0x141: {  	[tilespmem:v57+s26+$0x0] =	vst.idx.msk $0xffff, v3  }
0x142: {  	v58 =	vor.u32 $0x9, v50;
	v3 =	vld [tilespmem:s8+$0x7000];
	_ =	sdelay $0x4  }
0x143: {  	[tilespmem:v58+s26+$0x0] =	vst.idx.msk $0xffff, v3  }
0x144: {  	v59 =	vor.u32 $0xA, v50;
	v3 =	vld [tilespmem:s8+$0x7080];
	_ =	sdelay $0x4  }
0x145: {  	[tilespmem:v59+s26+$0x0] =	vst.idx.msk $0xffff, v3  }
0x146: {  	v60 =	vor.u32 $0xB, v50;
	v3 =	vld [tilespmem:s8+$0x7100];
	_ =	sdelay $0x4  }
0x147: {  	[tilespmem:v60+s26+$0x0] =	vst.idx.msk $0xffff, v3  }
0x148: {  	v61 =	vor.u32 $0xC, v50;
	v3 =	vld [tilespmem:s8+$0x7180];
	_ =	sdelay $0x4  }
0x149: {  	[tilespmem:v61+s26+$0x0] =	vst.idx.msk $0xffff, v3  }
0x14a: {  	v62 =	vor.u32 $0xD, v50;
	v3 =	vld [tilespmem:s8+$0x7200];
	_ =	sdelay $0x4  }
0x14b: {  	[tilespmem:v62+s26+$0x0] =	vst.idx.msk $0xffff, v3  }
0x14c: {  	v63 =	vor.u32 $0xE, v50;
	v3 =	vld [tilespmem:s8+$0x7280];
	_ =	sdelay $0x4  }
0x14d: {  	[tilespmem:v63+s26+$0x0] =	vst.idx.msk $0xffff, v3  }
0x14e: {  	v4 =	vor.u32 $0xF, v50;
	v3 =	vld [tilespmem:s8+$0x7300];
	_ =	sdelay $0x2  }
0x14f: {  	s6 =	smul.u32 $0xC00, s6;
	_ =	sdelay $0x1  }
0x150: {  	s6 =	sshra.s32 s6, $0x2;
	[tilespmem:v4+s26+$0x0] =	vst.idx.msk $0xffff, v3  }
0x151: {  	[spmem:s2] =	stream.indirect.scatter.add.f32 [tilespmem:s26], [sflag:$0x4], $0x10, s6, s20, $0xb8;
	[tilespmem:$0x164A0] =	vst v63  }
0x152: {  	_ = 	snop  }
0x153: {  	[spmem:s3] =	stream.indirect.scatter.add.f32 [tilespmem:s28], [sflag:$0x4], $0x10, s6, s20, $0xb8;
	[tilespmem:$0x164A0] =	vst v63  }
0x154: {  	s16 =	sor.u32 $0x80, s6  }
0x155: {  	[spmem:s2] =	stream.indirect.scatter.add.f32 [tilespmem:s29], [sflag:$0x4], $0x10, s16, s20, $0xb8;
	[tilespmem:$0x164A0] =	vst v63  }
0x156: {  	_ = 	snop  }
0x157: {  	[spmem:s3] =	stream.indirect.scatter.add.f32 [tilespmem:s28], [sflag:$0x4], $0x10, s16, s20, $0xb8;
	[tilespmem:$0x164A0] =	vst v63  }
0x158: {  	s9 =	sadd.s32 $0x100, s6  }
0x159: {  	[spmem:s2] =	stream.indirect.scatter.add.f32 [tilespmem:s30], [sflag:$0x4], $0x10, s9, s20, $0xb8;
	[tilespmem:$0x164A0] =	vst v63  }
0x15a: {  	_ = 	snop  }
0x15b: {  	[spmem:s3] =	stream.indirect.scatter.add.f32 [tilespmem:s28], [sflag:$0x4], $0x10, s9, s20, $0xb8;
	[tilespmem:$0x164A0] =	vst v63  }
0x15c: {  	s10 =	sadd.s32 $0x180, s6  }
0x15d: {  	[spmem:s2] =	stream.indirect.scatter.add.f32 [tilespmem:s31], [sflag:$0x4], $0x10, s10, s20, $0xb8;
	[tilespmem:$0x164A0] =	vst v63  }
0x15e: {  	_ = 	snop  }
0x15f: {  	[spmem:s3] =	stream.indirect.scatter.add.f32 [tilespmem:s28], [sflag:$0x4], $0x10, s10, s20, $0xb8;
	[tilespmem:$0x164A0] =	vst v63  }
0x160: {  	s16 =	sadd.s32 $0x200, s6  }
0x161: {  	[spmem:s2] =	stream.indirect.scatter.add.f32 [tilespmem:s0], [sflag:$0x4], $0x10, s16, s20, $0xb8;
	[tilespmem:$0x164A0] =	vst v63  }
0x162: {  	_ = 	snop  }
0x163: {  	[spmem:s3] =	stream.indirect.scatter.add.f32 [tilespmem:s28], [sflag:$0x4], $0x10, s16, s20, $0xb8;
	[tilespmem:$0x164A0] =	vst v63  }
.Ltmp8:
0x164: {  	_ = 	snop;
	(pc) =	sbr.rel .LBB2_13-.Ltmp8, $4  }
0x165: {  	s6 =	sadd.s32 $0x280, s6  }
0x166: {  	[spmem:s2] =	stream.indirect.scatter.add.f32 [tilespmem:s21], [sflag:$0x4], $0x10, s6, s20, $0xb8;
	[tilespmem:$0x164A0] =	vst v63  }
0x167: {  	_ = 	snop  }
0x168: {  	[spmem:s3] =	stream.indirect.scatter.add.f32 [tilespmem:s28], [sflag:$0x4], $0x10, s6, s20, $0xb8;
	[tilespmem:$0x164A0] =	vst v63  }
.LBB2_7:
0x169: {  	_ =	swait.ge [sflag:s12], $0x3000  }
0x16a: {  	[sflag:s12] =	ssyncset.done $0x0  }
0x16b: {  	s8 =	simm.s32 @!p2 $0x3;
	[sflag:s12] =	ssyncadd.s32 $0xFFFFD000  }
0x16c: {  	_ =	swait.ge @!p2 [sflag:s8], $0x800  }
0x16d: {  	[sflag:s8] =	ssyncset.done @!p2 $0x0  }
0x16e: {  	[sflag:s8] =	ssyncadd.s32 @!p2 $0xFFFFF800  }
0x16f: {  	_ =	swait.ge @!p2 [sflag:s8], $0x800  }
0x170: {  	[sflag:s8] =	ssyncset.done @!p2 $0x0  }
0x171: {  	[sflag:s8] =	ssyncadd.s32 @!p2 $0xFFFFF800  }
0x172: {  	_ =	swait.ge @!p2 [sflag:s8], $0x800  }
0x173: {  	[sflag:s8] =	ssyncset.done @!p2 $0x0  }
0x174: {  	[sflag:s8] =	ssyncadd.s32 @!p2 $0xFFFFF800  }
0x175: {  	_ =	swait.ge @!p2 [sflag:s8], $0x800  }
0x176: {  	[sflag:s8] =	ssyncset.done @!p2 $0x0  }
0x177: {  	[sflag:s8] =	ssyncadd.s32 @!p2 $0xFFFFF800  }
0x178: {  	_ =	swait.ge @!p2 [sflag:s8], $0x800  }
0x179: {  	[sflag:s8] =	ssyncset.done @!p2 $0x0  }
0x17a: {  	[sflag:s8] =	ssyncadd.s32 @!p2 $0xFFFFF800  }
0x17b: {  	_ =	swait.ge @!p2 [sflag:s8], $0x800  }
0x17c: {  	[sflag:s8] =	ssyncset.done @!p2 $0x0  }
0x17d: {  	[sflag:s8] =	ssyncadd.s32 @!p2 $0xFFFFF800  }
0x17e: {  	_ =	swait.ge @!p2 [sflag:s8], $0x800  }
0x17f: {  	[sflag:s8] =	ssyncset.done @!p2 $0x0  }
0x180: {  	[sflag:s8] =	ssyncadd.s32 @!p2 $0xFFFFF800  }
0x181: {  	_ =	swait.ge @!p2 [sflag:s8], $0x800  }
0x182: {  	[sflag:s8] =	ssyncset.done @!p2 $0x0  }
0x183: {  	[sflag:s8] =	ssyncadd.s32 @!p2 $0xFFFFF800  }
0x184: {  	_ =	swait.ge @!p2 [sflag:s8], $0x800  }
0x185: {  	[sflag:s8] =	ssyncset.done @!p2 $0x0  }
0x186: {  	[sflag:s8] =	ssyncadd.s32 @!p2 $0xFFFFF800  }
0x187: {  	_ =	swait.ge @!p2 [sflag:s8], $0x800  }
0x188: {  	[sflag:s8] =	ssyncset.done @!p2 $0x0  }
0x189: {  	[sflag:s8] =	ssyncadd.s32 @!p2 $0xFFFFF800  }
0x18a: {  	_ =	swait.ge @!p2 [sflag:s8], $0x800  }
0x18b: {  	[sflag:s8] =	ssyncset.done @!p2 $0x0  }
0x18c: {  	[sflag:s8] =	ssyncadd.s32 @!p2 $0xFFFFF800  }
0x18d: {  	s9 =	simm.s32 $0x0;
	_ =	swait.ge @!p2 [sflag:s8], $0x800  }
0x18e: {  	v3 =	vmov s9;
	s10 =	sand.u32 $0x70, s9;
	s9 =	sand.u32 $0x1C00, s9;
	[sflag:s8] =	ssyncset.done @!p2 $0x0  }
0x18f: {  	v3 =	vshll.u32 v3, $0x4;
	s9 =	sor.u32 s10, s9;
	[sflag:s8] =	ssyncadd.s32 @!p2 $0xFFFFF800  }
0x190: {  	v3 =	vor.u32 v2, v3;
	v4 =	vld [tilespmem:s9+$0x2780];
	_ =	sdelay $0x4  }
0x191: {  	[tilespmem:v3+s24+$0x0] =	vst.idx.msk $0xffff, v4  }
0x192: {  	v5 =	vor.u32 $0x1, v3;
	v4 =	vld [tilespmem:s9+$0x2800];
	_ =	sdelay $0x4  }
0x193: {  	[tilespmem:v5+s24+$0x0] =	vst.idx.msk $0xffff, v4  }
0x194: {  	v5 =	vor.u32 $0x2, v3;
	v4 =	vld [tilespmem:s9+$0x2880];
	_ =	sdelay $0x4  }
0x195: {  	[tilespmem:v5+s24+$0x0] =	vst.idx.msk $0xffff, v4  }
0x196: {  	v5 =	vor.u32 $0x3, v3;
	v4 =	vld [tilespmem:s9+$0x2900];
	_ =	sdelay $0x4  }
0x197: {  	[tilespmem:v5+s24+$0x0] =	vst.idx.msk $0xffff, v4  }
0x198: {  	v5 =	vor.u32 $0x4, v3;
	v4 =	vld [tilespmem:s9+$0x2980];
	_ =	sdelay $0x4  }
0x199: {  	[tilespmem:v5+s24+$0x0] =	vst.idx.msk $0xffff, v4  }
0x19a: {  	v5 =	vor.u32 $0x5, v3;
	v4 =	vld [tilespmem:s9+$0x2A00];
	_ =	sdelay $0x4  }
0x19b: {  	[tilespmem:v5+s24+$0x0] =	vst.idx.msk $0xffff, v4  }
0x19c: {  	v5 =	vor.u32 $0x6, v3;
	v4 =	vld [tilespmem:s9+$0x2A80];
	_ =	sdelay $0x4  }
0x19d: {  	[tilespmem:v5+s24+$0x0] =	vst.idx.msk $0xffff, v4  }
0x19e: {  	v5 =	vor.u32 $0x7, v3;
	v4 =	vld [tilespmem:s9+$0x2B00];
	_ =	sdelay $0x4  }
0x19f: {  	[tilespmem:v5+s24+$0x0] =	vst.idx.msk $0xffff, v4  }
0x1a0: {  	v5 =	vor.u32 $0x8, v3;
	v4 =	vld [tilespmem:s9+$0x3F80];
	_ =	sdelay $0x4  }
0x1a1: {  	[tilespmem:v5+s24+$0x0] =	vst.idx.msk $0xffff, v4  }
0x1a2: {  	v5 =	vor.u32 $0x9, v3;
	v4 =	vld [tilespmem:s9+$0x4000];
	_ =	sdelay $0x4  }
0x1a3: {  	[tilespmem:v5+s24+$0x0] =	vst.idx.msk $0xffff, v4  }
0x1a4: {  	v5 =	vor.u32 $0xA, v3;
	v4 =	vld [tilespmem:s9+$0x4080];
	_ =	sdelay $0x4  }
0x1a5: {  	[tilespmem:v5+s24+$0x0] =	vst.idx.msk $0xffff, v4  }
0x1a6: {  	v5 =	vor.u32 $0xB, v3;
	v4 =	vld [tilespmem:s9+$0x4100];
	_ =	sdelay $0x4  }
0x1a7: {  	[tilespmem:v5+s24+$0x0] =	vst.idx.msk $0xffff, v4  }
0x1a8: {  	v5 =	vor.u32 $0xC, v3;
	v4 =	vld [tilespmem:s9+$0x4180];
	_ =	sdelay $0x4  }
0x1a9: {  	[tilespmem:v5+s24+$0x0] =	vst.idx.msk $0xffff, v4  }
0x1aa: {  	v5 =	vor.u32 $0xD, v3;
	v4 =	vld [tilespmem:s9+$0x4200];
	_ =	sdelay $0x4  }
0x1ab: {  	[tilespmem:v5+s24+$0x0] =	vst.idx.msk $0xffff, v4  }
0x1ac: {  	v5 =	vor.u32 $0xE, v3;
	v4 =	vld [tilespmem:s9+$0x4280];
	_ =	sdelay $0x4  }
0x1ad: {  	[tilespmem:v5+s24+$0x0] =	vst.idx.msk $0xffff, v4  }
0x1ae: {  	v3 =	vor.u32 $0xF, v3;
	v4 =	vld [tilespmem:s9+$0x4300];
	_ =	sdelay $0x2  }
0x1af: {  	s16 =	simm.s32 $0x80;
	s8 =	simm.s32 $0x10  }
0x1b0: {  	s10 =	sand.u32 $0x1C00, s16;
	s16 =	simm.s32 $0x100;
	v5 =	vmov s8;
	s9 =	sand.u32 $0x70, s8  }
.LBB2_8:
0x1b1: {  	p2 =	sne.s32 s16, $0x1780;
	v5 =	vshll.u32 v5, $0x4;
	s9 =	sor.u32 s9, s10;
	[tilespmem:v3+s24+$0x0] =	vst.idx.msk $0xffff, v4  }
0x1b2: {  	v4 =	vld [tilespmem:s9+$0x2780];
	v3 =	vor.u32 v2, v5;
	_ =	sdelay $0x4  }
0x1b3: {  	[tilespmem:v3+s24+$0x0] =	vst.idx.msk $0xffff, v4  }
0x1b4: {  	v5 =	vor.u32 $0x1, v3;
	v4 =	vld [tilespmem:s9+$0x2800];
	_ =	sdelay $0x4  }
0x1b5: {  	[tilespmem:v5+s24+$0x0] =	vst.idx.msk $0xffff, v4  }
0x1b6: {  	v5 =	vor.u32 $0x2, v3;
	v4 =	vld [tilespmem:s9+$0x2880];
	_ =	sdelay $0x4  }
0x1b7: {  	[tilespmem:v5+s24+$0x0] =	vst.idx.msk $0xffff, v4  }
0x1b8: {  	v5 =	vor.u32 $0x3, v3;
	v4 =	vld [tilespmem:s9+$0x2900];
	_ =	sdelay $0x4  }
0x1b9: {  	[tilespmem:v5+s24+$0x0] =	vst.idx.msk $0xffff, v4  }
0x1ba: {  	v5 =	vor.u32 $0x4, v3;
	v4 =	vld [tilespmem:s9+$0x2980];
	_ =	sdelay $0x4  }
0x1bb: {  	[tilespmem:v5+s24+$0x0] =	vst.idx.msk $0xffff, v4  }
0x1bc: {  	v5 =	vor.u32 $0x5, v3;
	v4 =	vld [tilespmem:s9+$0x2A00];
	_ =	sdelay $0x4  }
0x1bd: {  	[tilespmem:v5+s24+$0x0] =	vst.idx.msk $0xffff, v4  }
0x1be: {  	v5 =	vor.u32 $0x6, v3;
	v4 =	vld [tilespmem:s9+$0x2A80];
	_ =	sdelay $0x4  }
0x1bf: {  	[tilespmem:v5+s24+$0x0] =	vst.idx.msk $0xffff, v4  }
0x1c0: {  	v5 =	vor.u32 $0x7, v3;
	v4 =	vld [tilespmem:s9+$0x2B00];
	_ =	sdelay $0x4  }
0x1c1: {  	[tilespmem:v5+s24+$0x0] =	vst.idx.msk $0xffff, v4  }
0x1c2: {  	v5 =	vor.u32 $0x8, v3;
	v4 =	vld [tilespmem:s9+$0x3F80];
	_ =	sdelay $0x4  }
0x1c3: {  	[tilespmem:v5+s24+$0x0] =	vst.idx.msk $0xffff, v4  }
0x1c4: {  	v5 =	vor.u32 $0x9, v3;
	v4 =	vld [tilespmem:s9+$0x4000];
	_ =	sdelay $0x4  }
0x1c5: {  	[tilespmem:v5+s24+$0x0] =	vst.idx.msk $0xffff, v4  }
0x1c6: {  	v5 =	vor.u32 $0xA, v3;
	v4 =	vld [tilespmem:s9+$0x4080];
	_ =	sdelay $0x4  }
0x1c7: {  	[tilespmem:v5+s24+$0x0] =	vst.idx.msk $0xffff, v4  }
0x1c8: {  	v5 =	vor.u32 $0xB, v3;
	v4 =	vld [tilespmem:s9+$0x4100];
	_ =	sdelay $0x4  }
0x1c9: {  	[tilespmem:v5+s24+$0x0] =	vst.idx.msk $0xffff, v4  }
0x1ca: {  	v5 =	vor.u32 $0xC, v3;
	v4 =	vld [tilespmem:s9+$0x4180];
	_ =	sdelay $0x4  }
0x1cb: {  	[tilespmem:v5+s24+$0x0] =	vst.idx.msk $0xffff, v4  }
0x1cc: {  	v5 =	vor.u32 $0xD, v3;
	v4 =	vld [tilespmem:s9+$0x4200];
	_ =	sdelay $0x4  }
0x1cd: {  	[tilespmem:v5+s24+$0x0] =	vst.idx.msk $0xffff, v4  }
0x1ce: {  	v5 =	vor.u32 $0xE, v3;
	v4 =	vld [tilespmem:s9+$0x4280];
	_ =	sdelay $0x4  }
0x1cf: {  	[tilespmem:v5+s24+$0x0] =	vst.idx.msk $0xffff, v4  }
.Ltmp9:
0x1d0: {  	v3 =	vor.u32 $0xF, v3;
	v4 =	vld [tilespmem:s9+$0x4300];
	(pc) =	sbr.rel @p2 .LBB2_8-.Ltmp9, $3  }
0x1d1: {  	_ =	sdelay $0x1  }
0x1d2: {  	s8 =	sadd.s32 $0x10, s8  }
0x1d3: {  	s10 =	sand.u32 $0x1C00, s16;
	s16 =	sadd.s32 $0x80, s16;
	v5 =	vmov s8;
	s9 =	sand.u32 $0x70, s8  }
.Ltmp10:
0x1d4: {  	_ = 	snop;
	(pc) =	sbr.rel .LBB2_9-.Ltmp10, $1  }
0x1d5: {  	_ =	sdelay $0x3  }
.LBB2_14:
0x1d6: {  	_ =	swait.ge [sflag:s22], $0x800  }
0x1d7: {  	[sflag:s22] =	ssyncset.done $0x0  }
0x1d8: {  	[sflag:s22] =	ssyncadd.s32 $0xFFFFF800  }
0x1d9: {  	_ =	swait.ge [sflag:s22], $0x800  }
0x1da: {  	[sflag:s22] =	ssyncset.done $0x0  }
0x1db: {  	[sflag:s22] =	ssyncadd.s32 $0xFFFFF800  }
0x1dc: {  	_ =	swait.ge [sflag:s22], $0x800  }
0x1dd: {  	[sflag:s22] =	ssyncset.done $0x0  }
0x1de: {  	[sflag:s22] =	ssyncadd.s32 $0xFFFFF800  }
0x1df: {  	_ =	swait.ge [sflag:s22], $0x800  }
0x1e0: {  	[sflag:s22] =	ssyncset.done $0x0  }
0x1e1: {  	[sflag:s22] =	ssyncadd.s32 $0xFFFFF800  }
0x1e2: {  	_ =	swait.ge [sflag:s22], $0x800  }
0x1e3: {  	[sflag:s22] =	ssyncset.done $0x0  }
0x1e4: {  	[sflag:s22] =	ssyncadd.s32 $0xFFFFF800  }
0x1e5: {  	_ =	swait.ge [sflag:s22], $0x800  }
0x1e6: {  	[sflag:s22] =	ssyncset.done $0x0  }
0x1e7: {  	[sflag:s22] =	ssyncadd.s32 $0xFFFFF800  }
0x1e8: {  	_ =	swait.ge [sflag:s22], $0x800  }
0x1e9: {  	[sflag:s22] =	ssyncset.done $0x0  }
0x1ea: {  	[sflag:s22] =	ssyncadd.s32 $0xFFFFF800  }
0x1eb: {  	_ =	swait.ge [sflag:s22], $0x800  }
0x1ec: {  	[sflag:s22] =	ssyncset.done $0x0  }
0x1ed: {  	[sflag:s22] =	ssyncadd.s32 $0xFFFFF800  }
0x1ee: {  	_ =	swait.ge [sflag:s22], $0x800  }
0x1ef: {  	[sflag:s22] =	ssyncset.done $0x0  }
0x1f0: {  	[sflag:s22] =	ssyncadd.s32 $0xFFFFF800  }
0x1f1: {  	_ =	swait.ge [sflag:s22], $0x800  }
0x1f2: {  	[sflag:s22] =	ssyncset.done $0x0  }
0x1f3: {  	[sflag:s22] =	ssyncadd.s32 $0xFFFFF800  }
0x1f4: {  	_ =	swait.ge [sflag:s22], $0x800  }
0x1f5: {  	[sflag:s22] =	ssyncset.done $0x0  }
0x1f6: {  	[sflag:s22] =	ssyncadd.s32 $0xFFFFF800  }
0x1f7: {  	_ =	swait.ge [sflag:s22], $0x800  }
0x1f8: {  	[sflag:s22] =	ssyncset.done $0x0  }
0x1f9: {  	[sflag:s22] =	ssyncadd.s32 $0xFFFFF800  }
0x1fa: {  	_ =	swait.ge [sflag:s23], $0x800  }
0x1fb: {  	[sflag:s23] =	ssyncset.done $0x0  }
0x1fc: {  	[sflag:s23] =	ssyncadd.s32 $0xFFFFF800  }
0x1fd: {  	_ =	swait.ge [sflag:s23], $0x800  }
0x1fe: {  	[sflag:s23] =	ssyncset.done $0x0  }
0x1ff: {  	[sflag:s23] =	ssyncadd.s32 $0xFFFFF800  }
0x200: {  	_ =	swait.ge [sflag:s23], $0x800  }
0x201: {  	[sflag:s23] =	ssyncset.done $0x0  }
0x202: {  	[sflag:s23] =	ssyncadd.s32 $0xFFFFF800  }
0x203: {  	_ =	swait.ge [sflag:s23], $0x800  }
0x204: {  	[sflag:s23] =	ssyncset.done $0x0  }
0x205: {  	[sflag:s23] =	ssyncadd.s32 $0xFFFFF800  }
0x206: {  	_ =	swait.ge [sflag:s23], $0x800  }
0x207: {  	[sflag:s23] =	ssyncset.done $0x0  }
0x208: {  	[sflag:s23] =	ssyncadd.s32 $0xFFFFF800  }
0x209: {  	_ =	swait.ge [sflag:s23], $0x800  }
0x20a: {  	[sflag:s23] =	ssyncset.done $0x0  }
0x20b: {  	[sflag:s23] =	ssyncadd.s32 $0xFFFFF800  }
0x20c: {  	_ =	swait.ge [sflag:s23], $0x800  }
0x20d: {  	[sflag:s23] =	ssyncset.done $0x0  }
0x20e: {  	[sflag:s23] =	ssyncadd.s32 $0xFFFFF800  }
0x20f: {  	_ =	swait.ge [sflag:s23], $0x800  }
0x210: {  	[sflag:s23] =	ssyncset.done $0x0  }
0x211: {  	[sflag:s23] =	ssyncadd.s32 $0xFFFFF800  }
0x212: {  	_ =	swait.ge [sflag:s23], $0x800  }
0x213: {  	[sflag:s23] =	ssyncset.done $0x0  }
0x214: {  	[sflag:s23] =	ssyncadd.s32 $0xFFFFF800  }
0x215: {  	_ =	swait.ge [sflag:s23], $0x800  }
0x216: {  	[sflag:s23] =	ssyncset.done $0x0  }
0x217: {  	[sflag:s23] =	ssyncadd.s32 $0xFFFFF800  }
0x218: {  	_ =	swait.ge [sflag:s23], $0x800  }
.Ltmp11:
0x219: {  	[sflag:s23] =	ssyncset.done $0x0;
	(pc) =	sbr.rel @p1 .LBB2_18-.Ltmp11, $4  }
0x21a: {  	[sflag:s23] =	ssyncadd.s32 $0xFFFFF800  }
0x21b: {  	_ =	swait.ge [sflag:s23], $0x800  }
0x21c: {  	[sflag:s23] =	ssyncset.done $0x0  }
0x21d: {  	s16 =	simm.s32 $0x0;
	[sflag:s23] =	ssyncadd.s32 $0xFFFFF800  }
0x21e: {  	s6 =	simm.s32 $0x0;
	s7 =	rddreg [dreg:$0xf];
	s8 =	simm.s32 $0x2780  }
0x21f: {  	[tilespmem:s8], [sflag:$0x5] =	stream.linear.gather [hbm4b:s7+s6], $0x400, $0x38;
	[tilespmem:$0x164A0] =	vst v63  }
0x220: {  	s9 =	simm.s32 $0x3F80;
	s7 =	sadd.s32 $0x4E200, s7  }
0x221: {  	[tilespmem:s9], [sflag:$0x5] =	stream.linear.gather [hbm4b:s7+s6], $0x400, $0x38;
	[tilespmem:$0x164A0] =	vst v63  }
0x222: {  	_ =	swait.ge [sflag:s19], $0x800  }
0x223: {  	v3 =	vmov s6;
	[sflag:s19] =	ssyncset.done $0x0  }
0x224: {  	v3 =	vshll.u32 v3, $0x4;
	s6 =	simm.s32 $0x4300;
	[sflag:s19] =	ssyncadd.s32 $0xFFFFF800  }
0x225: {  	v3 =	vor.u32 v2, v3;
	v4 =	vld [tilespmem:s6+$0xFFFFE480];
	_ =	sdelay $0x4  }
0x226: {  	[tilespmem:v3+s24+$0x0] =	vst.idx.msk $0xffff, v4  }
0x227: {  	v5 =	vor.u32 $0x1, v3;
	v4 =	vld [tilespmem:s6+$0xFFFFE500];
	_ =	sdelay $0x4  }
0x228: {  	[tilespmem:v5+s24+$0x0] =	vst.idx.msk $0xffff, v4  }
0x229: {  	v5 =	vor.u32 $0x2, v3;
	v4 =	vld [tilespmem:s6+$0xFFFFE580];
	_ =	sdelay $0x4  }
0x22a: {  	[tilespmem:v5+s24+$0x0] =	vst.idx.msk $0xffff, v4  }
0x22b: {  	v5 =	vor.u32 $0x3, v3;
	v4 =	vld [tilespmem:s6+$0xFFFFE600];
	_ =	sdelay $0x4  }
0x22c: {  	[tilespmem:v5+s24+$0x0] =	vst.idx.msk $0xffff, v4  }
0x22d: {  	v5 =	vor.u32 $0x4, v3;
	v4 =	vld [tilespmem:s6+$0xFFFFE680];
	_ =	sdelay $0x4  }
0x22e: {  	[tilespmem:v5+s24+$0x0] =	vst.idx.msk $0xffff, v4  }
0x22f: {  	v5 =	vor.u32 $0x5, v3;
	v4 =	vld [tilespmem:s6+$0xFFFFE700];
	_ =	sdelay $0x4  }
0x230: {  	[tilespmem:v5+s24+$0x0] =	vst.idx.msk $0xffff, v4  }
0x231: {  	v5 =	vor.u32 $0x6, v3;
	v4 =	vld [tilespmem:s6+$0xFFFFE780];
	_ =	sdelay $0x4  }
0x232: {  	[tilespmem:v5+s24+$0x0] =	vst.idx.msk $0xffff, v4  }
0x233: {  	v5 =	vor.u32 $0x7, v3;
	v4 =	vld [tilespmem:s6+$0xFFFFE800];
	_ =	sdelay $0x4  }
0x234: {  	[tilespmem:v5+s24+$0x0] =	vst.idx.msk $0xffff, v4  }
0x235: {  	v5 =	vor.u32 $0x8, v3;
	v4 =	vld [tilespmem:s6+$0xFFFFFC80];
	_ =	sdelay $0x4  }
0x236: {  	[tilespmem:v5+s24+$0x0] =	vst.idx.msk $0xffff, v4  }
0x237: {  	v5 =	vor.u32 $0x9, v3;
	v4 =	vld [tilespmem:s6+$0xFFFFFD00];
	_ =	sdelay $0x4  }
0x238: {  	[tilespmem:v5+s24+$0x0] =	vst.idx.msk $0xffff, v4  }
0x239: {  	v5 =	vor.u32 $0xA, v3;
	v4 =	vld [tilespmem:s6+$0xFFFFFD80];
	_ =	sdelay $0x4  }
0x23a: {  	[tilespmem:v5+s24+$0x0] =	vst.idx.msk $0xffff, v4  }
0x23b: {  	v5 =	vor.u32 $0xB, v3;
	v4 =	vld [tilespmem:s6+$0xFFFFFE00];
	_ =	sdelay $0x4  }
0x23c: {  	[tilespmem:v5+s24+$0x0] =	vst.idx.msk $0xffff, v4  }
0x23d: {  	v5 =	vor.u32 $0xC, v3;
	v4 =	vld [tilespmem:s6+$0xFFFFFE80];
	_ =	sdelay $0x4  }
0x23e: {  	[tilespmem:v5+s24+$0x0] =	vst.idx.msk $0xffff, v4  }
0x23f: {  	v5 =	vor.u32 $0xD, v3;
	v4 =	vld [tilespmem:s6+$0xFFFFFF00];
	_ =	sdelay $0x4  }
0x240: {  	[tilespmem:v5+s24+$0x0] =	vst.idx.msk $0xffff, v4  }
0x241: {  	v5 =	vor.u32 $0xE, v3;
	v4 =	vld [tilespmem:s6+$0xFFFFFF80];
	_ =	sdelay $0x4  }
0x242: {  	[tilespmem:v5+s24+$0x0] =	vst.idx.msk $0xffff, v4  }
0x243: {  	v3 =	vor.u32 $0xF, v3;
	v4 =	vld [tilespmem:s6+$0x0];
	_ =	sdelay $0x2  }
0x244: {  	s10 =	simm.s32 $0x10  }
0x245: {  	s7 =	simm.s32 $0x20;
	v5 =	vmov s10  }
.LBB2_16:
0x246: {  	p2 =	sne.s32 s7, $0x70;
	v5 =	vshll.u32 v5, $0x4;
	[tilespmem:v3+s24+$0x0] =	vst.idx.msk $0xffff, v4;
	s6 =	sadd.s32 $0x10, s6  }
0x247: {  	v4 =	vld [tilespmem:s6+$0xFFFFE480];
	v3 =	vor.u32 v2, v5;
	_ =	sdelay $0x4  }
0x248: {  	[tilespmem:v3+s24+$0x0] =	vst.idx.msk $0xffff, v4  }
0x249: {  	v5 =	vor.u32 $0x1, v3;
	v4 =	vld [tilespmem:s6+$0xFFFFE500];
	_ =	sdelay $0x4  }
0x24a: {  	[tilespmem:v5+s24+$0x0] =	vst.idx.msk $0xffff, v4  }
0x24b: {  	v5 =	vor.u32 $0x2, v3;
	v4 =	vld [tilespmem:s6+$0xFFFFE580];
	_ =	sdelay $0x4  }
0x24c: {  	[tilespmem:v5+s24+$0x0] =	vst.idx.msk $0xffff, v4  }
0x24d: {  	v5 =	vor.u32 $0x3, v3;
	v4 =	vld [tilespmem:s6+$0xFFFFE600];
	_ =	sdelay $0x4  }
0x24e: {  	[tilespmem:v5+s24+$0x0] =	vst.idx.msk $0xffff, v4  }
0x24f: {  	v5 =	vor.u32 $0x4, v3;
	v4 =	vld [tilespmem:s6+$0xFFFFE680];
	_ =	sdelay $0x4  }
0x250: {  	[tilespmem:v5+s24+$0x0] =	vst.idx.msk $0xffff, v4  }
0x251: {  	v5 =	vor.u32 $0x5, v3;
	v4 =	vld [tilespmem:s6+$0xFFFFE700];
	_ =	sdelay $0x4  }
0x252: {  	[tilespmem:v5+s24+$0x0] =	vst.idx.msk $0xffff, v4  }
0x253: {  	v5 =	vor.u32 $0x6, v3;
	v4 =	vld [tilespmem:s6+$0xFFFFE780];
	_ =	sdelay $0x4  }
0x254: {  	[tilespmem:v5+s24+$0x0] =	vst.idx.msk $0xffff, v4  }
0x255: {  	v5 =	vor.u32 $0x7, v3;
	v4 =	vld [tilespmem:s6+$0xFFFFE800];
	_ =	sdelay $0x4  }
0x256: {  	[tilespmem:v5+s24+$0x0] =	vst.idx.msk $0xffff, v4  }
0x257: {  	v5 =	vor.u32 $0x8, v3;
	v4 =	vld [tilespmem:s6+$0xFFFFFC80];
	_ =	sdelay $0x4  }
0x258: {  	[tilespmem:v5+s24+$0x0] =	vst.idx.msk $0xffff, v4  }
0x259: {  	v5 =	vor.u32 $0x9, v3;
	v4 =	vld [tilespmem:s6+$0xFFFFFD00];
	_ =	sdelay $0x4  }
0x25a: {  	[tilespmem:v5+s24+$0x0] =	vst.idx.msk $0xffff, v4  }
0x25b: {  	v5 =	vor.u32 $0xA, v3;
	v4 =	vld [tilespmem:s6+$0xFFFFFD80];
	_ =	sdelay $0x4  }
0x25c: {  	[tilespmem:v5+s24+$0x0] =	vst.idx.msk $0xffff, v4  }
0x25d: {  	v5 =	vor.u32 $0xB, v3;
	v4 =	vld [tilespmem:s6+$0xFFFFFE00];
	_ =	sdelay $0x4  }
0x25e: {  	[tilespmem:v5+s24+$0x0] =	vst.idx.msk $0xffff, v4  }
0x25f: {  	v5 =	vor.u32 $0xC, v3;
	v4 =	vld [tilespmem:s6+$0xFFFFFE80];
	_ =	sdelay $0x4  }
0x260: {  	[tilespmem:v5+s24+$0x0] =	vst.idx.msk $0xffff, v4  }
0x261: {  	v5 =	vor.u32 $0xD, v3;
	v4 =	vld [tilespmem:s6+$0xFFFFFF00];
	_ =	sdelay $0x4  }
0x262: {  	[tilespmem:v5+s24+$0x0] =	vst.idx.msk $0xffff, v4  }
0x263: {  	v5 =	vor.u32 $0xE, v3;
	v4 =	vld [tilespmem:s6+$0xFFFFFF80];
	_ =	sdelay $0x4  }
0x264: {  	[tilespmem:v5+s24+$0x0] =	vst.idx.msk $0xffff, v4  }
.Ltmp12:
0x265: {  	v3 =	vor.u32 $0xF, v3;
	v4 =	vld [tilespmem:s6+$0x0];
	(pc) =	sbr.rel @p2 .LBB2_16-.Ltmp12, $2  }
0x266: {  	_ =	sdelay $0x2  }
0x267: {  	v5 =	vmov s7;
	s7 =	sadd.s32 $0x10, s7  }
0x268: {  	_ =	sdelay $0x3  }
0x269: {  	v5 =	vshll.u32 v5, $0x4;
	[tilespmem:v3+s24+$0x0] =	vst.idx.msk $0xffff, v4;
	s6 =	sadd.s32 $0x10, s6  }
0x26a: {  	v3 =	vld [tilespmem:s6+$0xFFFFE480];
	v50 =	vor.u32 v2, v5;
	_ =	sdelay $0x4  }
0x26b: {  	[tilespmem:v50+s24+$0x0] =	vst.idx.msk $0xffff, v3  }
0x26c: {  	v5 =	vor.u32 $0x1, v50;
	v3 =	vld [tilespmem:s6+$0xFFFFE500];
	_ =	sdelay $0x4  }
0x26d: {  	[tilespmem:v5+s24+$0x0] =	vst.idx.msk $0xffff, v3  }
0x26e: {  	v51 =	vor.u32 $0x2, v50;
	v3 =	vld [tilespmem:s6+$0xFFFFE580];
	_ =	sdelay $0x4  }
0x26f: {  	[tilespmem:v51+s24+$0x0] =	vst.idx.msk $0xffff, v3  }
0x270: {  	v52 =	vor.u32 $0x3, v50;
	v3 =	vld [tilespmem:s6+$0xFFFFE600];
	_ =	sdelay $0x4  }
0x271: {  	[tilespmem:v52+s24+$0x0] =	vst.idx.msk $0xffff, v3  }
0x272: {  	v53 =	vor.u32 $0x4, v50;
	v3 =	vld [tilespmem:s6+$0xFFFFE680];
	_ =	sdelay $0x4  }
0x273: {  	[tilespmem:v53+s24+$0x0] =	vst.idx.msk $0xffff, v3  }
0x274: {  	v54 =	vor.u32 $0x5, v50;
	v3 =	vld [tilespmem:s6+$0xFFFFE700];
	_ =	sdelay $0x4  }
0x275: {  	[tilespmem:v54+s24+$0x0] =	vst.idx.msk $0xffff, v3  }
0x276: {  	v55 =	vor.u32 $0x6, v50;
	v3 =	vld [tilespmem:s6+$0xFFFFE780];
	_ =	sdelay $0x4  }
0x277: {  	[tilespmem:v55+s24+$0x0] =	vst.idx.msk $0xffff, v3  }
0x278: {  	v56 =	vor.u32 $0x7, v50;
	v3 =	vld [tilespmem:s6+$0xFFFFE800];
	_ =	sdelay $0x4  }
0x279: {  	[tilespmem:v56+s24+$0x0] =	vst.idx.msk $0xffff, v3  }
0x27a: {  	v57 =	vor.u32 $0x8, v50;
	v3 =	vld [tilespmem:s6+$0xFFFFFC80];
	_ =	sdelay $0x4  }
0x27b: {  	[tilespmem:v57+s24+$0x0] =	vst.idx.msk $0xffff, v3  }
0x27c: {  	v58 =	vor.u32 $0x9, v50;
	v3 =	vld [tilespmem:s6+$0xFFFFFD00];
	_ =	sdelay $0x4  }
0x27d: {  	[tilespmem:v58+s24+$0x0] =	vst.idx.msk $0xffff, v3  }
0x27e: {  	v59 =	vor.u32 $0xA, v50;
	v3 =	vld [tilespmem:s6+$0xFFFFFD80];
	_ =	sdelay $0x4  }
0x27f: {  	[tilespmem:v59+s24+$0x0] =	vst.idx.msk $0xffff, v3  }
0x280: {  	v60 =	vor.u32 $0xB, v50;
	v3 =	vld [tilespmem:s6+$0xFFFFFE00];
	_ =	sdelay $0x4  }
0x281: {  	[tilespmem:v60+s24+$0x0] =	vst.idx.msk $0xffff, v3  }
0x282: {  	v61 =	vor.u32 $0xC, v50;
	v3 =	vld [tilespmem:s6+$0xFFFFFE80];
	_ =	sdelay $0x4  }
0x283: {  	[tilespmem:v61+s24+$0x0] =	vst.idx.msk $0xffff, v3  }
0x284: {  	v62 =	vor.u32 $0xD, v50;
	v3 =	vld [tilespmem:s6+$0xFFFFFF00];
	_ =	sdelay $0x4  }
0x285: {  	[tilespmem:v62+s24+$0x0] =	vst.idx.msk $0xffff, v3  }
0x286: {  	v63 =	vor.u32 $0xE, v50;
	v3 =	vld [tilespmem:s6+$0xFFFFFF80];
	_ =	sdelay $0x4  }
0x287: {  	[tilespmem:v63+s24+$0x0] =	vst.idx.msk $0xffff, v3  }
0x288: {  	v4 =	vor.u32 $0xF, v50;
	v3 =	vld [tilespmem:s6+$0x0];
	_ =	sdelay $0x4  }
0x289: {  	s10 =	simm.s32 $0x2700;
	[tilespmem:v4+s24+$0x0] =	vst.idx.msk $0xffff, v3  }
0x28a: {  	[spmem:s2] =	stream.indirect.scatter.add.f32 [tilespmem:s24], [sflag:$0x5], $0x10, s10, s20, $0xb8;
	[tilespmem:$0x164A0] =	vst v63  }
0x28b: {  	_ =	swait.ge [sflag:s19], $0x800  }
0x28c: {  	[sflag:s19] =	ssyncset.done $0x0  }
.Ltmp13:
0x28d: {  	[sflag:s19] =	ssyncadd.s32 $0xFFFFF800;
	(pc) =	sbr.rel .LBB2_18-.Ltmp13, $4  }
0x28e: {  	[spmem:s3] =	stream.indirect.scatter.add.f32 [tilespmem:s28], [sflag:$0x5], $0x10, s10, s20, $0xb8;
	[tilespmem:$0x164A0] =	vst v63  }
0x28f: {  	_ =	swait.ge [sflag:s19], $0x800  }
0x290: {  	[sflag:s19] =	ssyncset.done $0x0  }
0x291: {  	[sflag:s19] =	ssyncadd.s32 $0xFFFFF800  }
.LBB2_19:
0x292: {  	_ =	sfence.sel $0x180000  }
0x293: {  	[bflag:$0x0] =	sbarrier.arrive $0xFFFF  }
0x294: {  	_ =	strace $0x90000047  }
0x295: {  	[bflag:$0x2] =	sbarrier.arrive $0xFFFF  }
0x296: {  	s0 =	rddreg [dreg:$0x5]  }
0x297: {  	s0 =	sadd.s32 @!p0 $0x100000, s0  }
0x298: {  	[sflag:s0] =	ssyncadd.tile.s32 @!p0 $0x1;
	_ =	shalt  }
.Lfunc_end2:
_tile_overlayer_lowered:
.L_overlay_start_2:
0x299: {  	(tag) =	ssettag $0x2  }
0x29a: {  	s0 =	rddreg [dreg:$0x0];
	s2 =	stileid.u32  }
0x29b: {  	s1 =	rddreg [dreg:$0x1];
	p0 =	sne.s32 s2, $0x0  }
0x29c: {  	s3 =	rddreg [dreg:$0x2];
	[bflag:$0x3] =	sbarrier.arrive $0xFFFF;
	s2 =	simm.s32 @!p0 $0x1C05  }
0x29d: {  	[timem:s3], [sflag:s2] =	dma.local @!p0 [hbm:s0], s1  }
0x29e: {  	s0 =	simm.s32 @!p0 $0x5  }
0x29f: {  	_ =	swait.ge @!p0 [sflag:s0], s1  }
0x2a0: {  	s1 =	ssub.s32 @!p0 $0x0, s1;
	[sflag:s0] =	ssyncset.done @!p0 $0x0  }
0x2a1: {  	[sflag:s0] =	ssyncadd.s32 @!p0 s1  }
0x2a2: {  	[bflag:$0x3] =	sbarrier.arrive $0xFFFF  }
0x2a3: {  	_ =	shalt  }

</sc_bundles>
